<compile_context>
chip_gen: v7x
topology: tpu7x:2x2x1
jax: 0.10.2.dev20260603
libtpu: 0.0.44.dev20260713+nightly
codegen_flags: <defaults>
</compile_context>

<pallas_src>
import functools

import jax
import jax.numpy as jnp
from jax import lax
from jax.experimental import pallas as pl
from jax.experimental.pallas import tpu as pltpu
from jax.experimental.pallas import tpu_sc as plsc

N = 10000
E = 320000
D_IN = 128
DH = 64
G = 64

NC = 2
NS = 16
NW = NC * NS
L = 16

RB = 400
NB = N // RB
SL = N // NS
ZR = SL // 5
NPADH = 10240
SLH = NPADH // NS
CH = 128
NCHK = E // CH
KMAX = NCHK // NW + 1
NBIG = NW - (KMAX * NW - NCHK)

_mesh = plsc.VectorSubcoreMesh(core_axis_name="c", subcore_axis_name="s")
_sc_params = pltpu.CompilerParams(needs_layout_passes=False,
                                  use_tc_tiling_on_sc=False,
                                  skip_device_barrier=True)


def _tile_range(wid):
    base = (KMAX - 1) * wid + jnp.minimum(wid, NBIG)
    cnt = jnp.where(wid < NBIG, KMAX, KMAX - 1)
    return base, cnt


@functools.partial(
    pl.kernel,
    out_type=jax.ShapeDtypeStruct((NC, NPADH), jnp.float32),
    mesh=_mesh,
    compiler_params=_sc_params,
    scratch_types=[
        pltpu.VMEM((KMAX, NC, CH), jnp.int32),
        pltpu.VMEM((NPADH,), jnp.float32),
        pltpu.VMEM((SLH,), jnp.float32),
        pltpu.VMEM((SLH,), jnp.float32),
        pltpu.VMEM_SHARED((NS, NPADH), jnp.float32),
    ],
)
def _sc_degree(edge_hbm, deg_out, idx_v, hist, acc_v, tmp_v, hist_sh):
    cid = lax.axis_index("c")
    sid = lax.axis_index("s")
    wid = cid * NS + sid
    base, cnt = _tile_range(wid)

    @pl.when(cnt == KMAX)
    def _():
        pltpu.sync_copy(edge_hbm.at[pl.ds(base, KMAX)], idx_v)

    @pl.when(cnt != KMAX)
    def _():
        pltpu.sync_copy(edge_hbm.at[pl.ds(base, KMAX - 1)],
                        idx_v.at[pl.ds(0, KMAX - 1)])

    def zb(i, _):
        hist[pl.ds(i * L, L)] = jnp.zeros((L,), jnp.float32)
        return 0

    lax.fori_loop(0, NPADH // L, zb, 0)

    ones = jnp.ones((L,), jnp.float32)

    def eb(i, _):
        j = i // (CH // L)
        k = i % (CH // L)
        ids = idx_v[j, 1, pl.ds(k * L, L)]
        plsc.addupdate_scatter(hist, [ids], ones)
        return 0

    lax.fori_loop(0, cnt * (CH // L), eb, 0)

    pltpu.sync_copy(hist, hist_sh.at[sid])
    plsc.subcore_barrier()

    def za(i, _):
        acc_v[pl.ds(i * L, L)] = jnp.zeros((L,), jnp.float32)
        return 0

    lax.fori_loop(0, SLH // L, za, 0)
    for h in range(NS):
        pltpu.sync_copy(hist_sh.at[h, pl.ds(sid * SLH, SLH)], tmp_v)

        def ab(i, _):
            sl = pl.ds(i * L, L)
            acc_v[sl] = acc_v[sl] + tmp_v[sl]
            return 0

        lax.fori_loop(0, SLH // L, ab, 0)
    pltpu.sync_copy(acc_v, deg_out.at[cid, pl.ds(sid * SLH, SLH)])


@functools.partial(
    pl.kernel,
    out_type=jax.ShapeDtypeStruct((NC, N, DH), jnp.float32),
    mesh=_mesh,
    compiler_params=_sc_params,
    scratch_types=[
        pltpu.VMEM((KMAX, NC, CH), jnp.int32),
        pltpu.VMEM((CH, DH), jnp.float32),
        pltpu.VMEM((CH, DH), jnp.float32),
        pltpu.VMEM((ZR, DH), jnp.float32),
        pltpu.VMEM_SHARED((N, DH), jnp.float32),
        pltpu.SemaphoreType.DMA,
        pltpu.SemaphoreType.DMA,
    ],
)
def _sc_edge_pass(h_hbm, edge_hbm, out_hbm,
                  edge_v, rows0, rows1, zbuf, acc_sh, sem0, sem1):
    cid = lax.axis_index("c")
    sid = lax.axis_index("s")
    wid = cid * NS + sid
    base, cnt = _tile_range(wid)
    def src_at(j):
        return edge_v.at[j, 0]

    def dst_at(j):
        return edge_v.at[j, 1]

    @pl.when(cnt == KMAX)
    def _():
        pltpu.sync_copy(edge_hbm.at[pl.ds(base, KMAX)], edge_v)

    @pl.when(cnt != KMAX)
    def _():
        pltpu.sync_copy(edge_hbm.at[pl.ds(base, KMAX - 1)],
                        edge_v.at[pl.ds(0, KMAX - 1)])

    def zv(i, _):
        zbuf[i, pl.ds(0, L)] = jnp.zeros((L,), jnp.float32)
        zbuf[i, pl.ds(L, L)] = jnp.zeros((L,), jnp.float32)
        zbuf[i, pl.ds(2 * L, L)] = jnp.zeros((L,), jnp.float32)
        zbuf[i, pl.ds(3 * L, L)] = jnp.zeros((L,), jnp.float32)
        return 0

    lax.fori_loop(0, ZR, zv, 0)
    for z in range(SL // ZR):
        pltpu.sync_copy(zbuf, acc_sh.at[pl.ds(sid * SL + z * ZR, ZR)])
    plsc.subcore_barrier()

    pltpu.async_copy(h_hbm.at[src_at(0)], rows0, sem0)
    pltpu.async_copy(h_hbm.at[src_at(1)], rows1, sem1)

    def body(t, _):
        j0 = 2 * t
        j1 = j0 + 1
        pltpu.make_async_copy(h_hbm.at[src_at(j0)], rows0, sem0).wait()
        pltpu.sync_copy(rows0, acc_sh.at[dst_at(j0)], add=True)

        @pl.when(j0 + 2 < cnt)
        def _():
            pltpu.async_copy(h_hbm.at[src_at(j0 + 2)], rows0, sem0)

        pltpu.make_async_copy(h_hbm.at[src_at(j1)], rows1, sem1).wait()
        pltpu.sync_copy(rows1, acc_sh.at[dst_at(j1)], add=True)

        @pl.when(j1 + 2 < cnt)
        def _():
            pltpu.async_copy(h_hbm.at[src_at(j1 + 2)], rows1, sem1)

        return 0

    lax.fori_loop(0, cnt // 2, body, 0)

    @pl.when(cnt % 2 == 1)
    def _():
        j = cnt - 1
        pltpu.make_async_copy(h_hbm.at[src_at(j)], rows0, sem0).wait()
        pltpu.sync_copy(rows0, acc_sh.at[dst_at(j)], add=True)

    plsc.subcore_barrier()
    nsl = pl.ds(sid * SL, SL)
    pltpu.sync_copy(acc_sh.at[nsl], out_hbm.at[cid, nsl])


def _lane_to_col(row_major):
    ident = jnp.where(
        lax.broadcasted_iota(jnp.int32, (RB, RB), 0)
        == lax.broadcasted_iota(jnp.int32, (RB, RB), 1), 1.0, 0.0)
    return lax.dot_general(ident, row_major, (((1,), (1,)), ((), ())),
                           preferred_element_type=jnp.float32)


def _dis_col(deg_ref):
    degT = _lane_to_col(deg_ref[0])
    return lax.rsqrt(degT[:, 0:1] + degT[:, 1:2] + 1.0)


def _tc_a_body(x_ref, w1_ref, deg_ref, h_ref):
    dis = _dis_col(deg_ref)
    h = jnp.dot(x_ref[...], w1_ref[...], preferred_element_type=jnp.float32)
    h_ref[...] = h * dis


def _tc_a(x, W1, degf3):
    return pl.pallas_call(
        _tc_a_body,
        grid=(NB,),
        in_specs=[
            pl.BlockSpec((RB, D_IN), lambda i: (i, 0)),
            pl.BlockSpec((D_IN, DH), lambda i: (0, 0)),
            pl.BlockSpec((1, NC, RB), lambda i: (i, 0, 0)),
        ],
        out_specs=pl.BlockSpec((RB, DH), lambda i: (i, 0)),
        out_shape=jax.ShapeDtypeStruct((N, DH), jnp.float32),
    )(x, W1, degf3)


def _tc_b_body(s_ref, hp_ref, deg_ref, w2_ref, b1_ref, out_ref):
    dis = _dis_col(deg_ref)
    z = jax.nn.relu(dis * (s_ref[0] + s_ref[1] + hp_ref[...])
                    + b1_ref[...])
    out_ref[...] = jnp.dot(z, w2_ref[...],
                           preferred_element_type=jnp.float32) * dis


def _tc_b(s, h1p, degf3, W2, b1r):
    return pl.pallas_call(
        _tc_b_body,
        grid=(NB,),
        in_specs=[
            pl.BlockSpec((NC, RB, DH), lambda i: (0, i, 0)),
            pl.BlockSpec((RB, DH), lambda i: (i, 0)),
            pl.BlockSpec((1, NC, RB), lambda i: (i, 0, 0)),
            pl.BlockSpec((DH, DH), lambda i: (0, 0)),
            pl.BlockSpec((1, DH), lambda i: (0, 0)),
        ],
        out_specs=pl.BlockSpec((RB, DH), lambda i: (i, 0)),
        out_shape=jax.ShapeDtypeStruct((N, DH), jnp.float32),
    )(s, h1p, degf3, W2, b1r)


def _tc_c_body(s_ref, hp_ref, deg_ref, b2_ref, bt_ref,
               wf1_ref, bf1_ref, wf2_ref, bf2_ref, out_ref,
               sum_acc, max_acc, cnt_acc):
    pid = pl.program_id(0)

    @pl.when(pid == 0)
    def _():
        sum_acc[...] = jnp.zeros((G, DH), jnp.float32)
        max_acc[...] = jnp.full((G, DH), -jnp.inf, jnp.float32)
        cnt_acc[...] = jnp.zeros((G, 1), jnp.float32)

    dis = _dis_col(deg_ref)
    h2 = (dis * (s_ref[0] + s_ref[1] + hp_ref[...])
          + b2_ref[...])
    bt = _lane_to_col(bt_ref[0])
    gi = lax.broadcasted_iota(jnp.int32, (RB, G), 1).astype(jnp.float32)
    onehot = jnp.where(bt == gi, 1.0, 0.0)
    sum_acc[...] += lax.dot_general(
        onehot, h2, (((0,), (0,)), ((), ())),
        preferred_element_type=jnp.float32)
    cnt_acc[...] += lax.dot_general(
        onehot, jnp.ones((RB, 1), jnp.float32), (((0,), (0,)), ((), ())),
        preferred_element_type=jnp.float32)

    glo = jnp.min(bt).astype(jnp.int32)
    ghi = jnp.max(bt).astype(jnp.int32)

    def gbody(g, _):
        m = jnp.where(bt == g.astype(jnp.float32), h2, -jnp.inf)
        colmax = jnp.max(m, axis=0, keepdims=True)
        sl = pl.ds(g, 1)
        max_acc[sl, :] = jnp.maximum(max_acc[sl, :], colmax)
        return 0

    lax.fori_loop(glo, ghi + 1, gbody, 0)

    @pl.when(pid == NB - 1)
    def _():
        mean = sum_acc[...] / jnp.maximum(cnt_acc[...], 1.0)
        pooled = jnp.concatenate([mean, max_acc[...]], axis=1)
        z = jax.nn.relu(
            jnp.dot(pooled, wf1_ref[...], preferred_element_type=jnp.float32)
            + bf1_ref[...])
        o = jnp.dot(z, wf2_ref[...], preferred_element_type=jnp.float32)
        out_ref[...] = o[:, 0:1] + bf2_ref[...]


def _tc_c(s, h2p, degf3, b2r, batch_f3, Wfc1, bfc1r, Wfc2p, bfc2r):
    return pl.pallas_call(
        _tc_c_body,
        grid=(NB,),
        in_specs=[
            pl.BlockSpec((NC, RB, DH), lambda i: (0, i, 0)),
            pl.BlockSpec((RB, DH), lambda i: (i, 0)),
            pl.BlockSpec((1, NC, RB), lambda i: (i, 0, 0)),
            pl.BlockSpec((1, DH), lambda i: (0, 0)),
            pl.BlockSpec((1, 1, RB), lambda i: (i, 0, 0)),
            pl.BlockSpec((2 * DH, DH), lambda i: (0, 0)),
            pl.BlockSpec((1, DH), lambda i: (0, 0)),
            pl.BlockSpec((DH, 128), lambda i: (0, 0)),
            pl.BlockSpec((1, 1), lambda i: (0, 0)),
        ],
        out_specs=pl.BlockSpec((G, 1), lambda i: (0, 0)),
        out_shape=jax.ShapeDtypeStruct((G, 1), jnp.float32),
        scratch_shapes=[
            pltpu.VMEM((G, DH), jnp.float32),
            pltpu.VMEM((G, DH), jnp.float32),
            pltpu.VMEM((G, 1), jnp.float32),
        ],
    )(s, h2p, degf3, b2r, batch_f3, Wfc1, bfc1r, Wfc2p, bfc2r)


@jax.jit
def kernel(x, edge_index, batch, W1, b1, W2, b2, Wfc1, bfc1, Wfc2, bfc2):
    f32 = jnp.float32
    edge3 = edge_index.astype(jnp.int32).reshape(2, NCHK, CH).transpose(1, 0, 2)
    batch_f3 = batch.astype(f32).reshape(NB, 1, RB)

    deg_p = _sc_degree(edge3)
    degf3 = deg_p[:, :N].reshape(NC, NB, RB).transpose(1, 0, 2)

    h1p = _tc_a(x, W1, degf3)
    s1 = _sc_edge_pass(h1p, edge3)
    h2p = _tc_b(s1, h1p, degf3, W2, b1.reshape(1, DH))
    s2 = _sc_edge_pass(h2p, edge3)

    Wfc2p = jnp.zeros((DH, 128), f32).at[:, 0:1].set(Wfc2)
    out = _tc_c(s2, h2p, degf3, b2.reshape(1, DH), batch_f3,
                Wfc1, bfc1.reshape(1, DH), Wfc2p, bfc2.reshape(1, 1))
    return out

# --- scband reference (transcript-rebuilt; emitter-appended) ---
"""Pipeline reference for scband-gcn-77790447665815 (READ-ONLY COPY).

The authoritative reference and input builder live on the scoring server;
editing this copy changes nothing except your own understanding.
"""

import jax, jax.numpy as jnp
import numpy as np

N = 10000
E = 320000
D_IN = 128
D_H = 64
G = 64


def setup_inputs(seed: int = 0) -> dict:
    key = jax.random.key(seed)
    ks = jax.random.split(key, 12)
    x = jax.random.normal(ks[0], (N, D_IN), dtype=jnp.float32)
    edge_index = jax.random.randint(ks[1], (2, E), 0, N)
    batch = jnp.sort(jax.random.randint(ks[2], (N,), 0, G))
    W1 = jax.random.normal(ks[3], (D_IN, D_H), dtype=jnp.float32) * 0.05
    b1 = jnp.zeros((D_H,), dtype=jnp.float32)
    W2 = jax.random.normal(ks[4], (D_H, D_H), dtype=jnp.float32) * 0.05
    b2 = jnp.zeros((D_H,), dtype=jnp.float32)
    Wfc1 = jax.random.normal(ks[5], (2 * D_H, D_H), dtype=jnp.float32) * 0.05
    bfc1 = jnp.zeros((D_H,), dtype=jnp.float32)
    Wfc2 = jax.random.normal(ks[6], (D_H, 1), dtype=jnp.float32) * 0.05
    bfc2 = jnp.zeros((1,), dtype=jnp.float32)
    return {"x": x, "edge_index": edge_index, "batch": batch, "W1": W1, "b1": b1, "W2": W2, "b2": b2, "Wfc1": Wfc1, "bfc1": bfc1, "Wfc2": Wfc2, "bfc2": bfc2}


def _gcn_conv(x, edge_index, W, b):
    # PyG GCNConv: linear transform, add self-loops, symmetric normalization, scatter-add
    h = x @ W
    src = edge_index[0]
    dst = edge_index[1]
    loop = jnp.arange(N, dtype=src.dtype)
    src = jnp.concatenate([src, loop])
    dst = jnp.concatenate([dst, loop])
    deg = jnp.zeros((N,), dtype=h.dtype).at[dst].add(1.0)
    dis = jnp.where(deg > 0, jax.lax.rsqrt(jnp.maximum(deg, 1e-12)), 0.0)
    norm = dis[src] * dis[dst]
    msg = h[src] * norm[:, None]
    out = jnp.zeros_like(h).at[dst].add(msg)
    return out + b


def reference(x, edge_index, batch, W1, b1, W2, b2, Wfc1, bfc1, Wfc2, bfc2):
    # layer 1 + relu (dropout is identity in eval mode)
    h = jax.nn.relu(_gcn_conv(x, edge_index, W1, b1))
    # layer 2 (last layer, no activation)
    h = _gcn_conv(h, edge_index, W2, b2)
    # global mean + max pool over graphs
    cnt = jax.ops.segment_sum(jnp.ones((N,), dtype=h.dtype), batch, num_segments=G)
    mean = jax.ops.segment_sum(h, batch, num_segments=G) / jnp.maximum(cnt, 1.0)[:, None]
    mx = jax.ops.segment_max(h, batch, num_segments=G)
    pooled = jnp.concatenate([mean, mx], axis=1)
    z = jax.nn.relu(pooled @ Wfc1 + bfc1)
    out = z @ Wfc2 + bfc2
    return out

if __name__ == "__main__":
    import jax
    _d = setup_inputs()
    print(jax.jit(kernel)(*tuple(_d.values())))

</pallas_src>

<mosaic_0001>
#map = affine_map<(d0, d1) -> (0, 0)>
#map1 = affine_map<(d0, d1) -> (0, 0, 0)>
module attributes {stable_mosaic.version = 14 : i64} {
  func.func @_sc_edge_pass(%arg0: i32, %arg1: i32, %arg2: memref<10000x64xf32, #tpu.memory_space<hbm>>, %arg3: memref<2500x2x128xi32, #tpu.memory_space<hbm>>, %arg4: memref<2x10000x64xf32, #tpu.memory_space<hbm>>, %arg5: memref<79x2x128xi32, #tpu.memory_space<vmem>>, %arg6: memref<128x64xf32, #tpu.memory_space<vmem>>, %arg7: memref<128x64xf32, #tpu.memory_space<vmem>>, %arg8: memref<125x64xf32, #tpu.memory_space<vmem>>, %arg9: memref<10000x64xf32, #tpu.memory_space<vmem_shared>>, %arg10: memref<!tpu.dma_semaphore, #tpu.memory_space<semaphore_mem>>, %arg11: memref<!tpu.dma_semaphore, #tpu.memory_space<semaphore_mem>>) attributes {dimension_semantics = [#tpu.dimension_semantics<core_parallel>, #tpu.dimension_semantics<subcore_parallel>], iteration_bounds = array<i64: 2, 16>, scalar_prefetch = 0 : i64, scratch_operands = 7 : i64, tpu.core_type = #tpu.core_type<sc_vector_subcore>, window_params = [{transform_indices = #map}, {transform_indices = #map1}, {transform_indices = #map1}]} {
    %mul3A = arith.constant 16 : i32
    %mul3A_0 = arith.muli %arg0, %mul3A : i32
    %add3A = arith.addi %mul3A_0, %arg1 : i32
    %mul3A_1 = arith.constant 78 : i32
    %mul3A_2 = arith.muli %mul3A_1, %add3A : i32
    %min3A = arith.constant 4 : i32
    %min3A_3 = arith.minsi %add3A, %min3A : i32
    %add3A_4 = arith.addi %mul3A_2, %min3A_3 : i32
    %lt3A = arith.constant 4 : i32
    %lt3A_5 = arith.cmpi slt, %add3A, %lt3A : i32
    %jit3A = arith.constant 79 : i32
    %jit3A_6 = arith.constant 78 : i32
    %select_n3A = arith.select %lt3A_5, %jit3A, %jit3A_6 : i32
    %eq3A = arith.constant 79 : i32
    %eq3A_7 = arith.cmpi eq, %select_n3A, %eq3A : i32
    %convert_element_type3A = arith.extui %eq3A_7 : i1 to i32
    %cond3A = arith.constant 0 : i32
    %cond3A_8 = arith.cmpi ne, %convert_element_type3A, %cond3A : i32
    scf.if %cond3A_8 {
      "tpu.region"() ({
        %run_scoped3A = tpu.sem_alloc : memref<!tpu.dma_semaphore, #tpu.memory_space<semaphore_mem>>
        %dma_start3A_108 = arith.constant 0 : i32
        %dma_start3A_109 = arith.constant 0 : i32
        %dma_start3A_110 = tpu.memref_slice %arg3[%add3A_4, %dma_start3A_108, %dma_start3A_109] : memref<2500x2x128xi32, #tpu.memory_space<hbm>> -> memref<79x2x128xi32, #tpu.memory_space<hbm>>
        %dma_start3A_111 = arith.constant 0 : i32
        %dma_start3A_112 = arith.constant 0 : i32
        %dma_start3A_113 = tpu.memref_slice %arg3[%add3A_4, %dma_start3A_111, %dma_start3A_112] : memref<2500x2x128xi32, #tpu.memory_space<hbm>> -> memref<79x2x128xi32, #tpu.memory_space<hbm>>
        tpu.enqueue_dma source(%dma_start3A_113 : memref<79x2x128xi32, #tpu.memory_space<hbm>>) target(%arg5 : memref<79x2x128xi32, #tpu.memory_space<vmem>>) target_semaphore(%run_scoped3A : memref<!tpu.dma_semaphore, #tpu.memory_space<semaphore_mem>>)
        %dma_wait3A = arith.constant 0 : i32
        %dma_wait3A_114 = arith.constant 0 : i32
        %dma_wait3A_115 = tpu.memref_slice %arg3[%add3A_4, %dma_wait3A, %dma_wait3A_114] : memref<2500x2x128xi32, #tpu.memory_space<hbm>> -> memref<79x2x128xi32, #tpu.memory_space<hbm>>
        %dma_wait3A_116 = arith.constant 0 : i32
        %dma_wait3A_117 = arith.constant 0 : i32
        %dma_wait3A_118 = tpu.memref_slice %arg3[%add3A_4, %dma_wait3A_116, %dma_wait3A_117] : memref<2500x2x128xi32, #tpu.memory_space<hbm>> -> memref<79x2x128xi32, #tpu.memory_space<hbm>>
        tpu.wait_dma2 semaphore(%run_scoped3A : memref<!tpu.dma_semaphore, #tpu.memory_space<semaphore_mem>>) src(%dma_wait3A_118 : memref<79x2x128xi32, #tpu.memory_space<hbm>>) dst(%arg5 : memref<79x2x128xi32, #tpu.memory_space<vmem>>)
        tpu.yield
      }) : () -> ()
    } else {
    }
    %ne3A = arith.constant 79 : i32
    %ne3A_9 = arith.cmpi ne, %select_n3A, %ne3A : i32
    %convert_element_type3A_10 = arith.extui %ne3A_9 : i1 to i32
    %cond3A_11 = arith.constant 0 : i32
    %cond3A_12 = arith.cmpi ne, %convert_element_type3A_10, %cond3A_11 : i32
    scf.if %cond3A_12 {
      "tpu.region"() ({
        %run_scoped3A = tpu.sem_alloc : memref<!tpu.dma_semaphore, #tpu.memory_space<semaphore_mem>>
        %dma_start3A_108 = arith.constant 0 : i32
        %dma_start3A_109 = arith.constant 0 : i32
        %dma_start3A_110 = arith.constant 0 : i32
        %dma_start3A_111 = tpu.memref_slice %arg5[%dma_start3A_108, %dma_start3A_109, %dma_start3A_110] : memref<79x2x128xi32, #tpu.memory_space<vmem>> -> memref<78x2x128xi32, #tpu.memory_space<vmem>>
        %dma_start3A_112 = arith.constant 0 : i32
        %dma_start3A_113 = arith.constant 0 : i32
        %dma_start3A_114 = tpu.memref_slice %arg3[%add3A_4, %dma_start3A_112, %dma_start3A_113] : memref<2500x2x128xi32, #tpu.memory_space<hbm>> -> memref<78x2x128xi32, #tpu.memory_space<hbm>>
        %dma_start3A_115 = arith.constant 0 : i32
        %dma_start3A_116 = arith.constant 0 : i32
        %dma_start3A_117 = arith.constant 0 : i32
        %dma_start3A_118 = tpu.memref_slice %arg5[%dma_start3A_115, %dma_start3A_116, %dma_start3A_117] : memref<79x2x128xi32, #tpu.memory_space<vmem>> -> memref<78x2x128xi32, #tpu.memory_space<vmem>>
        %dma_start3A_119 = arith.constant 0 : i32
        %dma_start3A_120 = arith.constant 0 : i32
        %dma_start3A_121 = tpu.memref_slice %arg3[%add3A_4, %dma_start3A_119, %dma_start3A_120] : memref<2500x2x128xi32, #tpu.memory_space<hbm>> -> memref<78x2x128xi32, #tpu.memory_space<hbm>>
        tpu.enqueue_dma source(%dma_start3A_121 : memref<78x2x128xi32, #tpu.memory_space<hbm>>) target(%dma_start3A_118 : memref<78x2x128xi32, #tpu.memory_space<vmem>>) target_semaphore(%run_scoped3A : memref<!tpu.dma_semaphore, #tpu.memory_space<semaphore_mem>>)
        %dma_wait3A = arith.constant 0 : i32
        %dma_wait3A_122 = arith.constant 0 : i32
        %dma_wait3A_123 = arith.constant 0 : i32
        %dma_wait3A_124 = tpu.memref_slice %arg5[%dma_wait3A, %dma_wait3A_122, %dma_wait3A_123] : memref<79x2x128xi32, #tpu.memory_space<vmem>> -> memref<78x2x128xi32, #tpu.memory_space<vmem>>
        %dma_wait3A_125 = arith.constant 0 : i32
        %dma_wait3A_126 = arith.constant 0 : i32
        %dma_wait3A_127 = tpu.memref_slice %arg3[%add3A_4, %dma_wait3A_125, %dma_wait3A_126] : memref<2500x2x128xi32, #tpu.memory_space<hbm>> -> memref<78x2x128xi32, #tpu.memory_space<hbm>>
        %dma_wait3A_128 = arith.constant 0 : i32
        %dma_wait3A_129 = arith.constant 0 : i32
        %dma_wait3A_130 = arith.constant 0 : i32
        %dma_wait3A_131 = tpu.memref_slice %arg5[%dma_wait3A_128, %dma_wait3A_129, %dma_wait3A_130] : memref<79x2x128xi32, #tpu.memory_space<vmem>> -> memref<78x2x128xi32, #tpu.memory_space<vmem>>
        %dma_wait3A_132 = arith.constant 0 : i32
        %dma_wait3A_133 = arith.constant 0 : i32
        %dma_wait3A_134 = tpu.memref_slice %arg3[%add3A_4, %dma_wait3A_132, %dma_wait3A_133] : memref<2500x2x128xi32, #tpu.memory_space<hbm>> -> memref<78x2x128xi32, #tpu.memory_space<hbm>>
        tpu.wait_dma2 semaphore(%run_scoped3A : memref<!tpu.dma_semaphore, #tpu.memory_space<semaphore_mem>>) src(%dma_wait3A_134 : memref<78x2x128xi32, #tpu.memory_space<hbm>>) dst(%dma_wait3A_131 : memref<78x2x128xi32, #tpu.memory_space<vmem>>)
        tpu.yield
      }) : () -> ()
    } else {
    }
    %scan3A = arith.constant 0 : i32
    %scan3A_13 = arith.constant 0 : i32
    %scan3A_14 = arith.constant 125 : i32
    %scan3A_15 = arith.addi %scan3A_13, %scan3A_14 : i32
    %scan3A_16 = arith.constant 1 : i32
    %scan3A_17 = scf.for %scan3A_108 = %scan3A_13 to %scan3A_15 step %scan3A_16 iter_args(%scan3A_109 = %scan3A) -> (i32)  : i32 {
      %broadcast_in_dim3A = arith.constant 0.000000e+00 : f32
      %broadcast_in_dim3A_110 = vector.broadcast %broadcast_in_dim3A : f32 to vector<16xf32>
      %swap3A = arith.index_cast %scan3A_108 : i32 to index
      %swap3A_111 = arith.constant 0 : index
      %swap3A_112 = tpu.vector_load %arg8[%swap3A, %swap3A_111] {strides = array<i32>} : memref<125x64xf32, #tpu.memory_space<vmem>>, vector<16xf32>,
      tpu.vector_store %arg8[%swap3A, %swap3A_111], %broadcast_in_dim3A_110 {strides = array<i32>} : memref<125x64xf32, #tpu.memory_space<vmem>>, vector<16xf32>,
      %broadcast_in_dim3A_113 = arith.constant 0.000000e+00 : f32
      %broadcast_in_dim3A_114 = vector.broadcast %broadcast_in_dim3A_113 : f32 to vector<16xf32>
      %swap3A_115 = arith.index_cast %scan3A_108 : i32 to index
      %swap3A_116 = arith.constant 16 : index
      %swap3A_117 = tpu.vector_load %arg8[%swap3A_115, %swap3A_116] {strides = array<i32>} : memref<125x64xf32, #tpu.memory_space<vmem>>, vector<16xf32>,
      tpu.vector_store %arg8[%swap3A_115, %swap3A_116], %broadcast_in_dim3A_114 {strides = array<i32>} : memref<125x64xf32, #tpu.memory_space<vmem>>, vector<16xf32>,
      %broadcast_in_dim3A_118 = arith.constant 0.000000e+00 : f32
      %broadcast_in_dim3A_119 = vector.broadcast %broadcast_in_dim3A_118 : f32 to vector<16xf32>
      %swap3A_120 = arith.index_cast %scan3A_108 : i32 to index
      %swap3A_121 = arith.constant 32 : index
      %swap3A_122 = tpu.vector_load %arg8[%swap3A_120, %swap3A_121] {strides = array<i32>} : memref<125x64xf32, #tpu.memory_space<vmem>>, vector<16xf32>,
      tpu.vector_store %arg8[%swap3A_120, %swap3A_121], %broadcast_in_dim3A_119 {strides = array<i32>} : memref<125x64xf32, #tpu.memory_space<vmem>>, vector<16xf32>,
      %broadcast_in_dim3A_123 = arith.constant 0.000000e+00 : f32
      %broadcast_in_dim3A_124 = vector.broadcast %broadcast_in_dim3A_123 : f32 to vector<16xf32>
      %swap3A_125 = arith.index_cast %scan3A_108 : i32 to index
      %swap3A_126 = arith.constant 48 : index
      %swap3A_127 = tpu.vector_load %arg8[%swap3A_125, %swap3A_126] {strides = array<i32>} : memref<125x64xf32, #tpu.memory_space<vmem>>, vector<16xf32>,
      tpu.vector_store %arg8[%swap3A_125, %swap3A_126], %broadcast_in_dim3A_124 {strides = array<i32>} : memref<125x64xf32, #tpu.memory_space<vmem>>, vector<16xf32>,
      %scan3A_128 = arith.constant 0 : i32
      scf.yield %scan3A_128 : i32
    }
    %scan3A_18 = arith.constant 125 : i32
    %mul3A_19 = arith.constant 625 : i32
    %mul3A_20 = arith.muli %arg1, %mul3A_19 : i32
    %add3A_21 = arith.constant 0 : i32
    %add3A_22 = arith.addi %mul3A_20, %add3A_21 : i32
    "tpu.region"() ({
      %run_scoped3A = tpu.sem_alloc : memref<!tpu.dma_semaphore, #tpu.memory_space<semaphore_mem>>
      %dma_start3A_108 = arith.constant 0 : i32
      %dma_start3A_109 = tpu.memref_slice %arg9[%add3A_22, %dma_start3A_108] : memref<10000x64xf32, #tpu.memory_space<vmem_shared>> -> memref<125x64xf32, #tpu.memory_space<vmem_shared>>
      %dma_start3A_110 = arith.constant 0 : i32
      %dma_start3A_111 = tpu.memref_slice %arg9[%add3A_22, %dma_start3A_110] : memref<10000x64xf32, #tpu.memory_space<vmem_shared>> -> memref<125x64xf32, #tpu.memory_space<vmem_shared>>
      tpu.enqueue_dma source(%arg8 : memref<125x64xf32, #tpu.memory_space<vmem>>) target(%dma_start3A_111 : memref<125x64xf32, #tpu.memory_space<vmem_shared>>) target_semaphore(%run_scoped3A : memref<!tpu.dma_semaphore, #tpu.memory_space<semaphore_mem>>)
      %dma_wait3A = arith.constant 0 : i32
      %dma_wait3A_112 = tpu.memref_slice %arg9[%add3A_22, %dma_wait3A] : memref<10000x64xf32, #tpu.memory_space<vmem_shared>> -> memref<125x64xf32, #tpu.memory_space<vmem_shared>>
      %dma_wait3A_113 = arith.constant 0 : i32
      %dma_wait3A_114 = tpu.memref_slice %arg9[%add3A_22, %dma_wait3A_113] : memref<10000x64xf32, #tpu.memory_space<vmem_shared>> -> memref<125x64xf32, #tpu.memory_space<vmem_shared>>
      tpu.wait_dma2 semaphore(%run_scoped3A : memref<!tpu.dma_semaphore, #tpu.memory_space<semaphore_mem>>) src(%arg8 : memref<125x64xf32, #tpu.memory_space<vmem>>) dst(%dma_wait3A_114 : memref<125x64xf32, #tpu.memory_space<vmem_shared>>)
      tpu.yield
    }) : () -> ()
    %mul3A_23 = arith.constant 625 : i32
    %mul3A_24 = arith.muli %arg1, %mul3A_23 : i32
    %add3A_25 = arith.constant 125 : i32
    %add3A_26 = arith.addi %mul3A_24, %add3A_25 : i32
    "tpu.region"() ({
      %run_scoped3A = tpu.sem_alloc : memref<!tpu.dma_semaphore, #tpu.memory_space<semaphore_mem>>
      %dma_start3A_108 = arith.constant 0 : i32
      %dma_start3A_109 = tpu.memref_slice %arg9[%add3A_26, %dma_start3A_108] : memref<10000x64xf32, #tpu.memory_space<vmem_shared>> -> memref<125x64xf32, #tpu.memory_space<vmem_shared>>
      %dma_start3A_110 = arith.constant 0 : i32
      %dma_start3A_111 = tpu.memref_slice %arg9[%add3A_26, %dma_start3A_110] : memref<10000x64xf32, #tpu.memory_space<vmem_shared>> -> memref<125x64xf32, #tpu.memory_space<vmem_shared>>
      tpu.enqueue_dma source(%arg8 : memref<125x64xf32, #tpu.memory_space<vmem>>) target(%dma_start3A_111 : memref<125x64xf32, #tpu.memory_space<vmem_shared>>) target_semaphore(%run_scoped3A : memref<!tpu.dma_semaphore, #tpu.memory_space<semaphore_mem>>)
      %dma_wait3A = arith.constant 0 : i32
      %dma_wait3A_112 = tpu.memref_slice %arg9[%add3A_26, %dma_wait3A] : memref<10000x64xf32, #tpu.memory_space<vmem_shared>> -> memref<125x64xf32, #tpu.memory_space<vmem_shared>>
      %dma_wait3A_113 = arith.constant 0 : i32
      %dma_wait3A_114 = tpu.memref_slice %arg9[%add3A_26, %dma_wait3A_113] : memref<10000x64xf32, #tpu.memory_space<vmem_shared>> -> memref<125x64xf32, #tpu.memory_space<vmem_shared>>
      tpu.wait_dma2 semaphore(%run_scoped3A : memref<!tpu.dma_semaphore, #tpu.memory_space<semaphore_mem>>) src(%arg8 : memref<125x64xf32, #tpu.memory_space<vmem>>) dst(%dma_wait3A_114 : memref<125x64xf32, #tpu.memory_space<vmem_shared>>)
      tpu.yield
    }) : () -> ()
    %mul3A_27 = arith.constant 625 : i32
    %mul3A_28 = arith.muli %arg1, %mul3A_27 : i32
    %add3A_29 = arith.constant 250 : i32
    %add3A_30 = arith.addi %mul3A_28, %add3A_29 : i32
    "tpu.region"() ({
      %run_scoped3A = tpu.sem_alloc : memref<!tpu.dma_semaphore, #tpu.memory_space<semaphore_mem>>
      %dma_start3A_108 = arith.constant 0 : i32
      %dma_start3A_109 = tpu.memref_slice %arg9[%add3A_30, %dma_start3A_108] : memref<10000x64xf32, #tpu.memory_space<vmem_shared>> -> memref<125x64xf32, #tpu.memory_space<vmem_shared>>
      %dma_start3A_110 = arith.constant 0 : i32
      %dma_start3A_111 = tpu.memref_slice %arg9[%add3A_30, %dma_start3A_110] : memref<10000x64xf32, #tpu.memory_space<vmem_shared>> -> memref<125x64xf32, #tpu.memory_space<vmem_shared>>
      tpu.enqueue_dma source(%arg8 : memref<125x64xf32, #tpu.memory_space<vmem>>) target(%dma_start3A_111 : memref<125x64xf32, #tpu.memory_space<vmem_shared>>) target_semaphore(%run_scoped3A : memref<!tpu.dma_semaphore, #tpu.memory_space<semaphore_mem>>)
      %dma_wait3A = arith.constant 0 : i32
      %dma_wait3A_112 = tpu.memref_slice %arg9[%add3A_30, %dma_wait3A] : memref<10000x64xf32, #tpu.memory_space<vmem_shared>> -> memref<125x64xf32, #tpu.memory_space<vmem_shared>>
      %dma_wait3A_113 = arith.constant 0 : i32
      %dma_wait3A_114 = tpu.memref_slice %arg9[%add3A_30, %dma_wait3A_113] : memref<10000x64xf32, #tpu.memory_space<vmem_shared>> -> memref<125x64xf32, #tpu.memory_space<vmem_shared>>
      tpu.wait_dma2 semaphore(%run_scoped3A : memref<!tpu.dma_semaphore, #tpu.memory_space<semaphore_mem>>) src(%arg8 : memref<125x64xf32, #tpu.memory_space<vmem>>) dst(%dma_wait3A_114 : memref<125x64xf32, #tpu.memory_space<vmem_shared>>)
      tpu.yield
    }) : () -> ()
    %mul3A_31 = arith.constant 625 : i32
    %mul3A_32 = arith.muli %arg1, %mul3A_31 : i32
    %add3A_33 = arith.constant 375 : i32
    %add3A_34 = arith.addi %mul3A_32, %add3A_33 : i32
    "tpu.region"() ({
      %run_scoped3A = tpu.sem_alloc : memref<!tpu.dma_semaphore, #tpu.memory_space<semaphore_mem>>
      %dma_start3A_108 = arith.constant 0 : i32
      %dma_start3A_109 = tpu.memref_slice %arg9[%add3A_34, %dma_start3A_108] : memref<10000x64xf32, #tpu.memory_space<vmem_shared>> -> memref<125x64xf32, #tpu.memory_space<vmem_shared>>
      %dma_start3A_110 = arith.constant 0 : i32
      %dma_start3A_111 = tpu.memref_slice %arg9[%add3A_34, %dma_start3A_110] : memref<10000x64xf32, #tpu.memory_space<vmem_shared>> -> memref<125x64xf32, #tpu.memory_space<vmem_shared>>
      tpu.enqueue_dma source(%arg8 : memref<125x64xf32, #tpu.memory_space<vmem>>) target(%dma_start3A_111 : memref<125x64xf32, #tpu.memory_space<vmem_shared>>) target_semaphore(%run_scoped3A : memref<!tpu.dma_semaphore, #tpu.memory_space<semaphore_mem>>)
      %dma_wait3A = arith.constant 0 : i32
      %dma_wait3A_112 = tpu.memref_slice %arg9[%add3A_34, %dma_wait3A] : memref<10000x64xf32, #tpu.memory_space<vmem_shared>> -> memref<125x64xf32, #tpu.memory_space<vmem_shared>>
      %dma_wait3A_113 = arith.constant 0 : i32
      %dma_wait3A_114 = tpu.memref_slice %arg9[%add3A_34, %dma_wait3A_113] : memref<10000x64xf32, #tpu.memory_space<vmem_shared>> -> memref<125x64xf32, #tpu.memory_space<vmem_shared>>
      tpu.wait_dma2 semaphore(%run_scoped3A : memref<!tpu.dma_semaphore, #tpu.memory_space<semaphore_mem>>) src(%arg8 : memref<125x64xf32, #tpu.memory_space<vmem>>) dst(%dma_wait3A_114 : memref<125x64xf32, #tpu.memory_space<vmem_shared>>)
      tpu.yield
    }) : () -> ()
    %mul3A_35 = arith.constant 625 : i32
    %mul3A_36 = arith.muli %arg1, %mul3A_35 : i32
    %add3A_37 = arith.constant 500 : i32
    %add3A_38 = arith.addi %mul3A_36, %add3A_37 : i32
    "tpu.region"() ({
      %run_scoped3A = tpu.sem_alloc : memref<!tpu.dma_semaphore, #tpu.memory_space<semaphore_mem>>
      %dma_start3A_108 = arith.constant 0 : i32
      %dma_start3A_109 = tpu.memref_slice %arg9[%add3A_38, %dma_start3A_108] : memref<10000x64xf32, #tpu.memory_space<vmem_shared>> -> memref<125x64xf32, #tpu.memory_space<vmem_shared>>
      %dma_start3A_110 = arith.constant 0 : i32
      %dma_start3A_111 = tpu.memref_slice %arg9[%add3A_38, %dma_start3A_110] : memref<10000x64xf32, #tpu.memory_space<vmem_shared>> -> memref<125x64xf32, #tpu.memory_space<vmem_shared>>
      tpu.enqueue_dma source(%arg8 : memref<125x64xf32, #tpu.memory_space<vmem>>) target(%dma_start3A_111 : memref<125x64xf32, #tpu.memory_space<vmem_shared>>) target_semaphore(%run_scoped3A : memref<!tpu.dma_semaphore, #tpu.memory_space<semaphore_mem>>)
      %dma_wait3A = arith.constant 0 : i32
      %dma_wait3A_112 = tpu.memref_slice %arg9[%add3A_38, %dma_wait3A] : memref<10000x64xf32, #tpu.memory_space<vmem_shared>> -> memref<125x64xf32, #tpu.memory_space<vmem_shared>>
      %dma_wait3A_113 = arith.constant 0 : i32
      %dma_wait3A_114 = tpu.memref_slice %arg9[%add3A_38, %dma_wait3A_113] : memref<10000x64xf32, #tpu.memory_space<vmem_shared>> -> memref<125x64xf32, #tpu.memory_space<vmem_shared>>
      tpu.wait_dma2 semaphore(%run_scoped3A : memref<!tpu.dma_semaphore, #tpu.memory_space<semaphore_mem>>) src(%arg8 : memref<125x64xf32, #tpu.memory_space<vmem>>) dst(%dma_wait3A_114 : memref<125x64xf32, #tpu.memory_space<vmem_shared>>)
      tpu.yield
    }) : () -> ()
    %barrier3A = arith.constant 0 : index
    tpu.barrier barrier_id(%barrier3A)
    %dma_start3A = arith.constant 0 : i32
    %dma_start3A_39 = arith.constant 0 : i32
    %dma_start3A_40 = arith.constant 0 : i32
    %dma_start3A_41 = tpu.memref_slice %arg5[%dma_start3A, %dma_start3A_39, %dma_start3A_40] : memref<79x2x128xi32, #tpu.memory_space<vmem>> -> memref<1x1x128xi32, #tpu.memory_space<vmem>>
    %dma_start3A_42 = tpu.memref_squeeze %dma_start3A_41 : memref<1x1x128xi32, #tpu.memory_space<vmem>> -> memref<128xi32, #tpu.memory_space<vmem>>
    %dma_start3A_43 = arith.constant 0 : i32
    %dma_start3A_44 = arith.constant 0 : i32
    %dma_start3A_45 = tpu.memref_slice %arg2[%dma_start3A_43, %dma_start3A_44] : memref<10000x64xf32, #tpu.memory_space<hbm>> -> memref<10000x64xf32, #tpu.memory_space<hbm>>
    tpu.enqueue_indirect_dma source(%dma_start3A_45 : memref<10000x64xf32, #tpu.memory_space<hbm>>) target(%arg6 : memref<128x64xf32, #tpu.memory_space<vmem>>) offsets(%dma_start3A_42 : memref<128xi32, #tpu.memory_space<vmem>>) semaphore(%arg10 : memref<!tpu.dma_semaphore, #tpu.memory_space<semaphore_mem>>)
    %dma_start3A_46 = arith.constant 1 : i32
    %dma_start3A_47 = arith.constant 0 : i32
    %dma_start3A_48 = arith.constant 0 : i32
    %dma_start3A_49 = tpu.memref_slice %arg5[%dma_start3A_46, %dma_start3A_47, %dma_start3A_48] : memref<79x2x128xi32, #tpu.memory_space<vmem>> -> memref<1x1x128xi32, #tpu.memory_space<vmem>>
    %dma_start3A_50 = tpu.memref_squeeze %dma_start3A_49 : memref<1x1x128xi32, #tpu.memory_space<vmem>> -> memref<128xi32, #tpu.memory_space<vmem>>
    %dma_start3A_51 = arith.constant 0 : i32
    %dma_start3A_52 = arith.constant 0 : i32
    %dma_start3A_53 = tpu.memref_slice %arg2[%dma_start3A_51, %dma_start3A_52] : memref<10000x64xf32, #tpu.memory_space<hbm>> -> memref<10000x64xf32, #tpu.memory_space<hbm>>
    tpu.enqueue_indirect_dma source(%dma_start3A_53 : memref<10000x64xf32, #tpu.memory_space<hbm>>) target(%arg7 : memref<128x64xf32, #tpu.memory_space<vmem>>) offsets(%dma_start3A_50 : memref<128xi32, #tpu.memory_space<vmem>>) semaphore(%arg11 : memref<!tpu.dma_semaphore, #tpu.memory_space<semaphore_mem>>)
    %jit3A_54 = arith.constant 2 : i32
    %div3A = arith.divsi %select_n3A, %jit3A_54 : i32
    %sign3A = arith.constant 0 : i32
    %sign3A_55 = arith.cmpi sgt, %select_n3A, %sign3A : i32
    %sign3A_56 = arith.extui %sign3A_55 : i1 to i32
    %sign3A_57 = arith.constant 0 : i32
    %sign3A_58 = arith.cmpi slt, %select_n3A, %sign3A_57 : i32
    %sign3A_59 = arith.extui %sign3A_58 : i1 to i32
    %sign3A_60 = arith.subi %sign3A_56, %sign3A_59 : i32
    %sign3A_61 = arith.constant 0 : i32
    %sign3A_62 = arith.cmpi sgt, %jit3A_54, %sign3A_61 : i32
    %sign3A_63 = arith.extui %sign3A_62 : i1 to i32
    %sign3A_64 = arith.constant 0 : i32
    %sign3A_65 = arith.cmpi slt, %jit3A_54, %sign3A_64 : i32
    %sign3A_66 = arith.extui %sign3A_65 : i1 to i32
    %sign3A_67 = arith.subi %sign3A_63, %sign3A_66 : i32
    %ne3A_68 = arith.cmpi ne, %sign3A_60, %sign3A_67 : i32
    %rem3A = arith.remsi %select_n3A, %jit3A_54 : i32
    %ne3A_69 = arith.constant 0 : i32
    %ne3A_70 = arith.cmpi ne, %rem3A, %ne3A_69 : i32
    %and3A = arith.andi %ne3A_68, %ne3A_70 : i1
    %sub3A = arith.constant 1 : i32
    %sub3A_71 = arith.subi %div3A, %sub3A : i32
    %select_n3A_72 = arith.select %and3A, %sub3A_71, %div3A : i32
    %while3A = arith.constant 0 : i32
    %while3A_73 = arith.constant 0 : i32
    %while3A_74 = arith.subi %select_n3A_72, %while3A : i32
    %while3A_75 = arith.addi %while3A, %while3A_74 : i32
    %while3A_76 = arith.constant 1 : i32
    %while3A_77 = arith.divsi %while3A_74, %while3A_76 : i32
    %while3A_78 = arith.muli %while3A_77, %while3A_76 : i32
    %while3A_79 = arith.addi %while3A, %while3A_78 : i32
    %while3A_80 = arith.constant 1 : i32
    %while3A_81 = scf.for %while3A_108 = %while3A to %while3A_79 step %while3A_80 iter_args(%while3A_109 = %while3A_73) -> (i32)  : i32 {
      %mul3A_110 = arith.constant 2 : i32
      %mul3A_111 = arith.muli %mul3A_110, %while3A_108 : i32
      %add3A_112 = arith.constant 1 : i32
      %add3A_113 = arith.addi %mul3A_111, %add3A_112 : i32
      %dma_wait3A = arith.constant 0 : i32
      %dma_wait3A_114 = arith.constant 0 : i32
      %dma_wait3A_115 = tpu.memref_slice %arg5[%mul3A_111, %dma_wait3A, %dma_wait3A_114] : memref<79x2x128xi32, #tpu.memory_space<vmem>> -> memref<1x1x128xi32, #tpu.memory_space<vmem>>
      %dma_wait3A_116 = tpu.memref_squeeze %dma_wait3A_115 : memref<1x1x128xi32, #tpu.memory_space<vmem>> -> memref<128xi32, #tpu.memory_space<vmem>>
      %dma_wait3A_117 = arith.constant 0 : i32
      %dma_wait3A_118 = arith.constant 0 : i32
      %dma_wait3A_119 = tpu.memref_slice %arg2[%dma_wait3A_117, %dma_wait3A_118] : memref<10000x64xf32, #tpu.memory_space<hbm>> -> memref<10000x64xf32, #tpu.memory_space<hbm>>
      tpu.wait_indirect_dma semaphore(%arg10 : memref<!tpu.dma_semaphore, #tpu.memory_space<semaphore_mem>>) src(%dma_wait3A_119 : memref<10000x64xf32, #tpu.memory_space<hbm>>) dst(%arg6 : memref<128x64xf32, #tpu.memory_space<vmem>>)
      %run_scoped3A = arith.constant 1 : i32
      "tpu.region"() ({
        %run_scoped3A_141 = tpu.sem_alloc : memref<!tpu.dma_semaphore, #tpu.memory_space<semaphore_mem>>
        %dma_start3A_142 = arith.constant 0 : i32
        %dma_start3A_143 = tpu.memref_slice %arg5[%mul3A_111, %run_scoped3A, %dma_start3A_142] : memref<79x2x128xi32, #tpu.memory_space<vmem>> -> memref<1x1x128xi32, #tpu.memory_space<vmem>>
        %dma_start3A_144 = tpu.memref_squeeze %dma_start3A_143 : memref<1x1x128xi32, #tpu.memory_space<vmem>> -> memref<128xi32, #tpu.memory_space<vmem>>
        %dma_start3A_145 = arith.constant 0 : i32
        %dma_start3A_146 = arith.constant 0 : i32
        %dma_start3A_147 = tpu.memref_slice %arg9[%dma_start3A_145, %dma_start3A_146] : memref<10000x64xf32, #tpu.memory_space<vmem_shared>> -> memref<10000x64xf32, #tpu.memory_space<vmem_shared>>
        tpu.enqueue_indirect_dma source(%arg6 : memref<128x64xf32, #tpu.memory_space<vmem>>) target(%dma_start3A_147 : memref<10000x64xf32, #tpu.memory_space<vmem_shared>>) offsets(%dma_start3A_144 : memref<128xi32, #tpu.memory_space<vmem>>) semaphore(%run_scoped3A_141 : memref<!tpu.dma_semaphore, #tpu.memory_space<semaphore_mem>>) {add = true}
        %dma_wait3A_148 = arith.constant 0 : i32
        %dma_wait3A_149 = tpu.memref_slice %arg5[%mul3A_111, %run_scoped3A, %dma_wait3A_148] : memref<79x2x128xi32, #tpu.memory_space<vmem>> -> memref<1x1x128xi32, #tpu.memory_space<vmem>>
        %dma_wait3A_150 = tpu.memref_squeeze %dma_wait3A_149 : memref<1x1x128xi32, #tpu.memory_space<vmem>> -> memref<128xi32, #tpu.memory_space<vmem>>
        %dma_wait3A_151 = arith.constant 0 : i32
        %dma_wait3A_152 = arith.constant 0 : i32
        %dma_wait3A_153 = tpu.memref_slice %arg9[%dma_wait3A_151, %dma_wait3A_152] : memref<10000x64xf32, #tpu.memory_space<vmem_shared>> -> memref<10000x64xf32, #tpu.memory_space<vmem_shared>>
        tpu.wait_indirect_dma semaphore(%run_scoped3A_141 : memref<!tpu.dma_semaphore, #tpu.memory_space<semaphore_mem>>) src(%arg6 : memref<128x64xf32, #tpu.memory_space<vmem>>) dst(%dma_wait3A_153 : memref<10000x64xf32, #tpu.memory_space<vmem_shared>>)
        tpu.yield
      }) : () -> ()
      %add3A_120 = arith.constant 2 : i32
      %add3A_121 = arith.addi %mul3A_111, %add3A_120 : i32
      %lt3A_122 = arith.cmpi slt, %add3A_121, %select_n3A : i32
      %convert_element_type3A_123 = arith.extui %lt3A_122 : i1 to i32
      %cond3A_124 = arith.constant 0 : i32
      %cond3A_125 = arith.cmpi ne, %convert_element_type3A_123, %cond3A_124 : i32
      scf.if %cond3A_125 {
        %add3A_141 = arith.constant 2 : i32
        %add3A_142 = arith.addi %mul3A_111, %add3A_141 : i32
        %dma_start3A_143 = arith.constant 0 : i32
        %dma_start3A_144 = arith.constant 0 : i32
        %dma_start3A_145 = tpu.memref_slice %arg5[%add3A_142, %dma_start3A_143, %dma_start3A_144] : memref<79x2x128xi32, #tpu.memory_space<vmem>> -> memref<1x1x128xi32, #tpu.memory_space<vmem>>
        %dma_start3A_146 = tpu.memref_squeeze %dma_start3A_145 : memref<1x1x128xi32, #tpu.memory_space<vmem>> -> memref<128xi32, #tpu.memory_space<vmem>>
        %dma_start3A_147 = arith.constant 0 : i32
        %dma_start3A_148 = arith.constant 0 : i32
        %dma_start3A_149 = tpu.memref_slice %arg2[%dma_start3A_147, %dma_start3A_148] : memref<10000x64xf32, #tpu.memory_space<hbm>> -> memref<10000x64xf32, #tpu.memory_space<hbm>>
        tpu.enqueue_indirect_dma source(%dma_start3A_149 : memref<10000x64xf32, #tpu.memory_space<hbm>>) target(%arg6 : memref<128x64xf32, #tpu.memory_space<vmem>>) offsets(%dma_start3A_146 : memref<128xi32, #tpu.memory_space<vmem>>) semaphore(%arg10 : memref<!tpu.dma_semaphore, #tpu.memory_space<semaphore_mem>>)
      } else {
      }
      %dma_wait3A_126 = arith.constant 0 : i32
      %dma_wait3A_127 = arith.constant 0 : i32
      %dma_wait3A_128 = tpu.memref_slice %arg5[%add3A_113, %dma_wait3A_126, %dma_wait3A_127] : memref<79x2x128xi32, #tpu.memory_space<vmem>> -> memref<1x1x128xi32, #tpu.memory_space<vmem>>
      %dma_wait3A_129 = tpu.memref_squeeze %dma_wait3A_128 : memref<1x1x128xi32, #tpu.memory_space<vmem>> -> memref<128xi32, #tpu.memory_space<vmem>>
      %dma_wait3A_130 = arith.constant 0 : i32
      %dma_wait3A_131 = arith.constant 0 : i32
      %dma_wait3A_132 = tpu.memref_slice %arg2[%dma_wait3A_130, %dma_wait3A_131] : memref<10000x64xf32, #tpu.memory_space<hbm>> -> memref<10000x64xf32, #tpu.memory_space<hbm>>
      tpu.wait_indirect_dma semaphore(%arg11 : memref<!tpu.dma_semaphore, #tpu.memory_space<semaphore_mem>>) src(%dma_wait3A_132 : memref<10000x64xf32, #tpu.memory_space<hbm>>) dst(%arg7 : memref<128x64xf32, #tpu.memory_space<vmem>>)
      %run_scoped3A_133 = arith.constant 1 : i32
      "tpu.region"() ({
        %run_scoped3A_141 = tpu.sem_alloc : memref<!tpu.dma_semaphore, #tpu.memory_space<semaphore_mem>>
        %dma_start3A_142 = arith.constant 0 : i32
        %dma_start3A_143 = tpu.memref_slice %arg5[%add3A_113, %run_scoped3A_133, %dma_start3A_142] : memref<79x2x128xi32, #tpu.memory_space<vmem>> -> memref<1x1x128xi32, #tpu.memory_space<vmem>>
        %dma_start3A_144 = tpu.memref_squeeze %dma_start3A_143 : memref<1x1x128xi32, #tpu.memory_space<vmem>> -> memref<128xi32, #tpu.memory_space<vmem>>
        %dma_start3A_145 = arith.constant 0 : i32
        %dma_start3A_146 = arith.constant 0 : i32
        %dma_start3A_147 = tpu.memref_slice %arg9[%dma_start3A_145, %dma_start3A_146] : memref<10000x64xf32, #tpu.memory_space<vmem_shared>> -> memref<10000x64xf32, #tpu.memory_space<vmem_shared>>
        tpu.enqueue_indirect_dma source(%arg7 : memref<128x64xf32, #tpu.memory_space<vmem>>) target(%dma_start3A_147 : memref<10000x64xf32, #tpu.memory_space<vmem_shared>>) offsets(%dma_start3A_144 : memref<128xi32, #tpu.memory_space<vmem>>) semaphore(%run_scoped3A_141 : memref<!tpu.dma_semaphore, #tpu.memory_space<semaphore_mem>>) {add = true}
        %dma_wait3A_148 = arith.constant 0 : i32
        %dma_wait3A_149 = tpu.memref_slice %arg5[%add3A_113, %run_scoped3A_133, %dma_wait3A_148] : memref<79x2x128xi32, #tpu.memory_space<vmem>> -> memref<1x1x128xi32, #tpu.memory_space<vmem>>
        %dma_wait3A_150 = tpu.memref_squeeze %dma_wait3A_149 : memref<1x1x128xi32, #tpu.memory_space<vmem>> -> memref<128xi32, #tpu.memory_space<vmem>>
        %dma_wait3A_151 = arith.constant 0 : i32
        %dma_wait3A_152 = arith.constant 0 : i32
        %dma_wait3A_153 = tpu.memref_slice %arg9[%dma_wait3A_151, %dma_wait3A_152] : memref<10000x64xf32, #tpu.memory_space<vmem_shared>> -> memref<10000x64xf32, #tpu.memory_space<vmem_shared>>
        tpu.wait_indirect_dma semaphore(%run_scoped3A_141 : memref<!tpu.dma_semaphore, #tpu.memory_space<semaphore_mem>>) src(%arg7 : memref<128x64xf32, #tpu.memory_space<vmem>>) dst(%dma_wait3A_153 : memref<10000x64xf32, #tpu.memory_space<vmem_shared>>)
        tpu.yield
      }) : () -> ()
      %add3A_134 = arith.constant 2 : i32
      %add3A_135 = arith.addi %add3A_113, %add3A_134 : i32
      %lt3A_136 = arith.cmpi slt, %add3A_135, %select_n3A : i32
      %convert_element_type3A_137 = arith.extui %lt3A_136 : i1 to i32
      %cond3A_138 = arith.constant 0 : i32
      %cond3A_139 = arith.cmpi ne, %convert_element_type3A_137, %cond3A_138 : i32
      scf.if %cond3A_139 {
        %add3A_141 = arith.constant 2 : i32
        %add3A_142 = arith.addi %add3A_113, %add3A_141 : i32
        %dma_start3A_143 = arith.constant 0 : i32
        %dma_start3A_144 = arith.constant 0 : i32
        %dma_start3A_145 = tpu.memref_slice %arg5[%add3A_142, %dma_start3A_143, %dma_start3A_144] : memref<79x2x128xi32, #tpu.memory_space<vmem>> -> memref<1x1x128xi32, #tpu.memory_space<vmem>>
        %dma_start3A_146 = tpu.memref_squeeze %dma_start3A_145 : memref<1x1x128xi32, #tpu.memory_space<vmem>> -> memref<128xi32, #tpu.memory_space<vmem>>
        %dma_start3A_147 = arith.constant 0 : i32
        %dma_start3A_148 = arith.constant 0 : i32
        %dma_start3A_149 = tpu.memref_slice %arg2[%dma_start3A_147, %dma_start3A_148] : memref<10000x64xf32, #tpu.memory_space<hbm>> -> memref<10000x64xf32, #tpu.memory_space<hbm>>
        tpu.enqueue_indirect_dma source(%dma_start3A_149 : memref<10000x64xf32, #tpu.memory_space<hbm>>) target(%arg7 : memref<128x64xf32, #tpu.memory_space<vmem>>) offsets(%dma_start3A_146 : memref<128xi32, #tpu.memory_space<vmem>>) semaphore(%arg11 : memref<!tpu.dma_semaphore, #tpu.memory_space<semaphore_mem>>)
      } else {
      }
      %while3A_140 = arith.constant 0 : i32
      scf.yield %while3A_140 : i32
    }
    %while3A_82 = arith.constant 1 : i32
    %while3A_83 = scf.for %while3A_108 = %while3A_79 to %while3A_75 step %while3A_82 iter_args(%while3A_109 = %while3A_81) -> (i32)  : i32 {
      %mul3A_110 = arith.constant 2 : i32
      %mul3A_111 = arith.muli %mul3A_110, %while3A_108 : i32
      %add3A_112 = arith.constant 1 : i32
      %add3A_113 = arith.addi %mul3A_111, %add3A_112 : i32
      %dma_wait3A = arith.constant 0 : i32
      %dma_wait3A_114 = arith.constant 0 : i32
      %dma_wait3A_115 = tpu.memref_slice %arg5[%mul3A_111, %dma_wait3A, %dma_wait3A_114] : memref<79x2x128xi32, #tpu.memory_space<vmem>> -> memref<1x1x128xi32, #tpu.memory_space<vmem>>
      %dma_wait3A_116 = tpu.memref_squeeze %dma_wait3A_115 : memref<1x1x128xi32, #tpu.memory_space<vmem>> -> memref<128xi32, #tpu.memory_space<vmem>>
      %dma_wait3A_117 = arith.constant 0 : i32
      %dma_wait3A_118 = arith.constant 0 : i32
      %dma_wait3A_119 = tpu.memref_slice %arg2[%dma_wait3A_117, %dma_wait3A_118] : memref<10000x64xf32, #tpu.memory_space<hbm>> -> memref<10000x64xf32, #tpu.memory_space<hbm>>
      tpu.wait_indirect_dma semaphore(%arg10 : memref<!tpu.dma_semaphore, #tpu.memory_space<semaphore_mem>>) src(%dma_wait3A_119 : memref<10000x64xf32, #tpu.memory_space<hbm>>) dst(%arg6 : memref<128x64xf32, #tpu.memory_space<vmem>>)
      %run_scoped3A = arith.constant 1 : i32
      "tpu.region"() ({
        %run_scoped3A_141 = tpu.sem_alloc : memref<!tpu.dma_semaphore, #tpu.memory_space<semaphore_mem>>
        %dma_start3A_142 = arith.constant 0 : i32
        %dma_start3A_143 = tpu.memref_slice %arg5[%mul3A_111, %run_scoped3A, %dma_start3A_142] : memref<79x2x128xi32, #tpu.memory_space<vmem>> -> memref<1x1x128xi32, #tpu.memory_space<vmem>>
        %dma_start3A_144 = tpu.memref_squeeze %dma_start3A_143 : memref<1x1x128xi32, #tpu.memory_space<vmem>> -> memref<128xi32, #tpu.memory_space<vmem>>
        %dma_start3A_145 = arith.constant 0 : i32
        %dma_start3A_146 = arith.constant 0 : i32
        %dma_start3A_147 = tpu.memref_slice %arg9[%dma_start3A_145, %dma_start3A_146] : memref<10000x64xf32, #tpu.memory_space<vmem_shared>> -> memref<10000x64xf32, #tpu.memory_space<vmem_shared>>
        tpu.enqueue_indirect_dma source(%arg6 : memref<128x64xf32, #tpu.memory_space<vmem>>) target(%dma_start3A_147 : memref<10000x64xf32, #tpu.memory_space<vmem_shared>>) offsets(%dma_start3A_144 : memref<128xi32, #tpu.memory_space<vmem>>) semaphore(%run_scoped3A_141 : memref<!tpu.dma_semaphore, #tpu.memory_space<semaphore_mem>>) {add = true}
        %dma_wait3A_148 = arith.constant 0 : i32
        %dma_wait3A_149 = tpu.memref_slice %arg5[%mul3A_111, %run_scoped3A, %dma_wait3A_148] : memref<79x2x128xi32, #tpu.memory_space<vmem>> -> memref<1x1x128xi32, #tpu.memory_space<vmem>>
        %dma_wait3A_150 = tpu.memref_squeeze %dma_wait3A_149 : memref<1x1x128xi32, #tpu.memory_space<vmem>> -> memref<128xi32, #tpu.memory_space<vmem>>
        %dma_wait3A_151 = arith.constant 0 : i32
        %dma_wait3A_152 = arith.constant 0 : i32
        %dma_wait3A_153 = tpu.memref_slice %arg9[%dma_wait3A_151, %dma_wait3A_152] : memref<10000x64xf32, #tpu.memory_space<vmem_shared>> -> memref<10000x64xf32, #tpu.memory_space<vmem_shared>>
        tpu.wait_indirect_dma semaphore(%run_scoped3A_141 : memref<!tpu.dma_semaphore, #tpu.memory_space<semaphore_mem>>) src(%arg6 : memref<128x64xf32, #tpu.memory_space<vmem>>) dst(%dma_wait3A_153 : memref<10000x64xf32, #tpu.memory_space<vmem_shared>>)
        tpu.yield
      }) : () -> ()
      %add3A_120 = arith.constant 2 : i32
      %add3A_121 = arith.addi %mul3A_111, %add3A_120 : i32
      %lt3A_122 = arith.cmpi slt, %add3A_121, %select_n3A : i32
      %convert_element_type3A_123 = arith.extui %lt3A_122 : i1 to i32
      %cond3A_124 = arith.constant 0 : i32
      %cond3A_125 = arith.cmpi ne, %convert_element_type3A_123, %cond3A_124 : i32
      scf.if %cond3A_125 {
        %add3A_141 = arith.constant 2 : i32
        %add3A_142 = arith.addi %mul3A_111, %add3A_141 : i32
        %dma_start3A_143 = arith.constant 0 : i32
        %dma_start3A_144 = arith.constant 0 : i32
        %dma_start3A_145 = tpu.memref_slice %arg5[%add3A_142, %dma_start3A_143, %dma_start3A_144] : memref<79x2x128xi32, #tpu.memory_space<vmem>> -> memref<1x1x128xi32, #tpu.memory_space<vmem>>
        %dma_start3A_146 = tpu.memref_squeeze %dma_start3A_145 : memref<1x1x128xi32, #tpu.memory_space<vmem>> -> memref<128xi32, #tpu.memory_space<vmem>>
        %dma_start3A_147 = arith.constant 0 : i32
        %dma_start3A_148 = arith.constant 0 : i32
        %dma_start3A_149 = tpu.memref_slice %arg2[%dma_start3A_147, %dma_start3A_148] : memref<10000x64xf32, #tpu.memory_space<hbm>> -> memref<10000x64xf32, #tpu.memory_space<hbm>>
        tpu.enqueue_indirect_dma source(%dma_start3A_149 : memref<10000x64xf32, #tpu.memory_space<hbm>>) target(%arg6 : memref<128x64xf32, #tpu.memory_space<vmem>>) offsets(%dma_start3A_146 : memref<128xi32, #tpu.memory_space<vmem>>) semaphore(%arg10 : memref<!tpu.dma_semaphore, #tpu.memory_space<semaphore_mem>>)
      } else {
      }
      %dma_wait3A_126 = arith.constant 0 : i32
      %dma_wait3A_127 = arith.constant 0 : i32
      %dma_wait3A_128 = tpu.memref_slice %arg5[%add3A_113, %dma_wait3A_126, %dma_wait3A_127] : memref<79x2x128xi32, #tpu.memory_space<vmem>> -> memref<1x1x128xi32, #tpu.memory_space<vmem>>
      %dma_wait3A_129 = tpu.memref_squeeze %dma_wait3A_128 : memref<1x1x128xi32, #tpu.memory_space<vmem>> -> memref<128xi32, #tpu.memory_space<vmem>>
      %dma_wait3A_130 = arith.constant 0 : i32
      %dma_wait3A_131 = arith.constant 0 : i32
      %dma_wait3A_132 = tpu.memref_slice %arg2[%dma_wait3A_130, %dma_wait3A_131] : memref<10000x64xf32, #tpu.memory_space<hbm>> -> memref<10000x64xf32, #tpu.memory_space<hbm>>
      tpu.wait_indirect_dma semaphore(%arg11 : memref<!tpu.dma_semaphore, #tpu.memory_space<semaphore_mem>>) src(%dma_wait3A_132 : memref<10000x64xf32, #tpu.memory_space<hbm>>) dst(%arg7 : memref<128x64xf32, #tpu.memory_space<vmem>>)
      %run_scoped3A_133 = arith.constant 1 : i32
      "tpu.region"() ({
        %run_scoped3A_141 = tpu.sem_alloc : memref<!tpu.dma_semaphore, #tpu.memory_space<semaphore_mem>>
        %dma_start3A_142 = arith.constant 0 : i32
        %dma_start3A_143 = tpu.memref_slice %arg5[%add3A_113, %run_scoped3A_133, %dma_start3A_142] : memref<79x2x128xi32, #tpu.memory_space<vmem>> -> memref<1x1x128xi32, #tpu.memory_space<vmem>>
        %dma_start3A_144 = tpu.memref_squeeze %dma_start3A_143 : memref<1x1x128xi32, #tpu.memory_space<vmem>> -> memref<128xi32, #tpu.memory_space<vmem>>
        %dma_start3A_145 = arith.constant 0 : i32
        %dma_start3A_146 = arith.constant 0 : i32
        %dma_start3A_147 = tpu.memref_slice %arg9[%dma_start3A_145, %dma_start3A_146] : memref<10000x64xf32, #tpu.memory_space<vmem_shared>> -> memref<10000x64xf32, #tpu.memory_space<vmem_shared>>
        tpu.enqueue_indirect_dma source(%arg7 : memref<128x64xf32, #tpu.memory_space<vmem>>) target(%dma_start3A_147 : memref<10000x64xf32, #tpu.memory_space<vmem_shared>>) offsets(%dma_start3A_144 : memref<128xi32, #tpu.memory_space<vmem>>) semaphore(%run_scoped3A_141 : memref<!tpu.dma_semaphore, #tpu.memory_space<semaphore_mem>>) {add = true}
        %dma_wait3A_148 = arith.constant 0 : i32
        %dma_wait3A_149 = tpu.memref_slice %arg5[%add3A_113, %run_scoped3A_133, %dma_wait3A_148] : memref<79x2x128xi32, #tpu.memory_space<vmem>> -> memref<1x1x128xi32, #tpu.memory_space<vmem>>
        %dma_wait3A_150 = tpu.memref_squeeze %dma_wait3A_149 : memref<1x1x128xi32, #tpu.memory_space<vmem>> -> memref<128xi32, #tpu.memory_space<vmem>>
        %dma_wait3A_151 = arith.constant 0 : i32
        %dma_wait3A_152 = arith.constant 0 : i32
        %dma_wait3A_153 = tpu.memref_slice %arg9[%dma_wait3A_151, %dma_wait3A_152] : memref<10000x64xf32, #tpu.memory_space<vmem_shared>> -> memref<10000x64xf32, #tpu.memory_space<vmem_shared>>
        tpu.wait_indirect_dma semaphore(%run_scoped3A_141 : memref<!tpu.dma_semaphore, #tpu.memory_space<semaphore_mem>>) src(%arg7 : memref<128x64xf32, #tpu.memory_space<vmem>>) dst(%dma_wait3A_153 : memref<10000x64xf32, #tpu.memory_space<vmem_shared>>)
        tpu.yield
      }) : () -> ()
      %add3A_134 = arith.constant 2 : i32
      %add3A_135 = arith.addi %add3A_113, %add3A_134 : i32
      %lt3A_136 = arith.cmpi slt, %add3A_135, %select_n3A : i32
      %convert_element_type3A_137 = arith.extui %lt3A_136 : i1 to i32
      %cond3A_138 = arith.constant 0 : i32
      %cond3A_139 = arith.cmpi ne, %convert_element_type3A_137, %cond3A_138 : i32
      scf.if %cond3A_139 {
        %add3A_141 = arith.constant 2 : i32
        %add3A_142 = arith.addi %add3A_113, %add3A_141 : i32
        %dma_start3A_143 = arith.constant 0 : i32
        %dma_start3A_144 = arith.constant 0 : i32
        %dma_start3A_145 = tpu.memref_slice %arg5[%add3A_142, %dma_start3A_143, %dma_start3A_144] : memref<79x2x128xi32, #tpu.memory_space<vmem>> -> memref<1x1x128xi32, #tpu.memory_space<vmem>>
        %dma_start3A_146 = tpu.memref_squeeze %dma_start3A_145 : memref<1x1x128xi32, #tpu.memory_space<vmem>> -> memref<128xi32, #tpu.memory_space<vmem>>
        %dma_start3A_147 = arith.constant 0 : i32
        %dma_start3A_148 = arith.constant 0 : i32
        %dma_start3A_149 = tpu.memref_slice %arg2[%dma_start3A_147, %dma_start3A_148] : memref<10000x64xf32, #tpu.memory_space<hbm>> -> memref<10000x64xf32, #tpu.memory_space<hbm>>
        tpu.enqueue_indirect_dma source(%dma_start3A_149 : memref<10000x64xf32, #tpu.memory_space<hbm>>) target(%arg7 : memref<128x64xf32, #tpu.memory_space<vmem>>) offsets(%dma_start3A_146 : memref<128xi32, #tpu.memory_space<vmem>>) semaphore(%arg11 : memref<!tpu.dma_semaphore, #tpu.memory_space<semaphore_mem>>)
      } else {
      }
      %while3A_140 = arith.constant 0 : i32
      scf.yield %while3A_140 : i32
    }
    %jit3A_84 = arith.constant 2 : i32
    %eq3A_85 = arith.constant 0 : i32
    %eq3A_86 = arith.cmpi eq, %jit3A_84, %eq3A_85 : i32
    %jit3A_87 = arith.constant 1 : i32
    %select_n3A_88 = arith.select %eq3A_86, %jit3A_87, %jit3A_84 : i32
    %rem3A_89 = arith.remsi %select_n3A, %select_n3A_88 : i32
    %ne3A_90 = arith.constant 0 : i32
    %ne3A_91 = arith.cmpi ne, %rem3A_89, %ne3A_90 : i32
    %lt3A_92 = arith.constant 0 : i32
    %lt3A_93 = arith.cmpi slt, %rem3A_89, %lt3A_92 : i32
    %lt3A_94 = arith.constant 0 : i32
    %lt3A_95 = arith.cmpi slt, %select_n3A_88, %lt3A_94 : i32
    %ne3A_96 = arith.xori %lt3A_93, %lt3A_95 : i1
    %and3A_97 = arith.andi %ne3A_96, %ne3A_91 : i1
    %add3A_98 = arith.addi %rem3A_89, %select_n3A_88 : i32
    %select_n3A_99 = arith.select %and3A_97, %add3A_98, %rem3A_89 : i32
    %eq3A_100 = arith.constant 1 : i32
    %eq3A_101 = arith.cmpi eq, %select_n3A_99, %eq3A_100 : i32
    %convert_element_type3A_102 = arith.extui %eq3A_101 : i1 to i32
    %cond3A_103 = arith.constant 0 : i32
    %cond3A_104 = arith.cmpi ne, %convert_element_type3A_102, %cond3A_103 : i32
    scf.if %cond3A_104 {
      %sub3A_108 = arith.constant 1 : i32
      %sub3A_109 = arith.subi %select_n3A, %sub3A_108 : i32
      %dma_wait3A = arith.constant 0 : i32
      %dma_wait3A_110 = arith.constant 0 : i32
      %dma_wait3A_111 = tpu.memref_slice %arg5[%sub3A_109, %dma_wait3A, %dma_wait3A_110] : memref<79x2x128xi32, #tpu.memory_space<vmem>> -> memref<1x1x128xi32, #tpu.memory_space<vmem>>
      %dma_wait3A_112 = tpu.memref_squeeze %dma_wait3A_111 : memref<1x1x128xi32, #tpu.memory_space<vmem>> -> memref<128xi32, #tpu.memory_space<vmem>>
      %dma_wait3A_113 = arith.constant 0 : i32
      %dma_wait3A_114 = arith.constant 0 : i32
      %dma_wait3A_115 = tpu.memref_slice %arg2[%dma_wait3A_113, %dma_wait3A_114] : memref<10000x64xf32, #tpu.memory_space<hbm>> -> memref<10000x64xf32, #tpu.memory_space<hbm>>
      tpu.wait_indirect_dma semaphore(%arg10 : memref<!tpu.dma_semaphore, #tpu.memory_space<semaphore_mem>>) src(%dma_wait3A_115 : memref<10000x64xf32, #tpu.memory_space<hbm>>) dst(%arg6 : memref<128x64xf32, #tpu.memory_space<vmem>>)
      %run_scoped3A = arith.constant 1 : i32
      "tpu.region"() ({
        %run_scoped3A_116 = tpu.sem_alloc : memref<!tpu.dma_semaphore, #tpu.memory_space<semaphore_mem>>
        %dma_start3A_117 = arith.constant 0 : i32
        %dma_start3A_118 = tpu.memref_slice %arg5[%sub3A_109, %run_scoped3A, %dma_start3A_117] : memref<79x2x128xi32, #tpu.memory_space<vmem>> -> memref<1x1x128xi32, #tpu.memory_space<vmem>>
        %dma_start3A_119 = tpu.memref_squeeze %dma_start3A_118 : memref<1x1x128xi32, #tpu.memory_space<vmem>> -> memref<128xi32, #tpu.memory_space<vmem>>
        %dma_start3A_120 = arith.constant 0 : i32
        %dma_start3A_121 = arith.constant 0 : i32
        %dma_start3A_122 = tpu.memref_slice %arg9[%dma_start3A_120, %dma_start3A_121] : memref<10000x64xf32, #tpu.memory_space<vmem_shared>> -> memref<10000x64xf32, #tpu.memory_space<vmem_shared>>
        tpu.enqueue_indirect_dma source(%arg6 : memref<128x64xf32, #tpu.memory_space<vmem>>) target(%dma_start3A_122 : memref<10000x64xf32, #tpu.memory_space<vmem_shared>>) offsets(%dma_start3A_119 : memref<128xi32, #tpu.memory_space<vmem>>) semaphore(%run_scoped3A_116 : memref<!tpu.dma_semaphore, #tpu.memory_space<semaphore_mem>>) {add = true}
        %dma_wait3A_123 = arith.constant 0 : i32
        %dma_wait3A_124 = tpu.memref_slice %arg5[%sub3A_109, %run_scoped3A, %dma_wait3A_123] : memref<79x2x128xi32, #tpu.memory_space<vmem>> -> memref<1x1x128xi32, #tpu.memory_space<vmem>>
        %dma_wait3A_125 = tpu.memref_squeeze %dma_wait3A_124 : memref<1x1x128xi32, #tpu.memory_space<vmem>> -> memref<128xi32, #tpu.memory_space<vmem>>
        %dma_wait3A_126 = arith.constant 0 : i32
        %dma_wait3A_127 = arith.constant 0 : i32
        %dma_wait3A_128 = tpu.memref_slice %arg9[%dma_wait3A_126, %dma_wait3A_127] : memref<10000x64xf32, #tpu.memory_space<vmem_shared>> -> memref<10000x64xf32, #tpu.memory_space<vmem_shared>>
        tpu.wait_indirect_dma semaphore(%run_scoped3A_116 : memref<!tpu.dma_semaphore, #tpu.memory_space<semaphore_mem>>) src(%arg6 : memref<128x64xf32, #tpu.memory_space<vmem>>) dst(%dma_wait3A_128 : memref<10000x64xf32, #tpu.memory_space<vmem_shared>>)
        tpu.yield
      }) : () -> ()
    } else {
    }
    %barrier3A_105 = arith.constant 0 : index
    tpu.barrier barrier_id(%barrier3A_105)
    %mul3A_106 = arith.constant 625 : i32
    %mul3A_107 = arith.muli %arg1, %mul3A_106 : i32
    "tpu.region"() ({
      %run_scoped3A = tpu.sem_alloc : memref<!tpu.dma_semaphore, #tpu.memory_space<semaphore_mem>>
      %dma_start3A_108 = arith.constant 0 : i32
      %dma_start3A_109 = tpu.memref_slice %arg4[%arg0, %mul3A_107, %dma_start3A_108] : memref<2x10000x64xf32, #tpu.memory_space<hbm>> -> memref<1x625x64xf32, #tpu.memory_space<hbm>>
      %dma_start3A_110 = tpu.memref_squeeze %dma_start3A_109 : memref<1x625x64xf32, #tpu.memory_space<hbm>> -> memref<625x64xf32, #tpu.memory_space<hbm>>
      %dma_start3A_111 = arith.constant 0 : i32
      %dma_start3A_112 = tpu.memref_slice %arg9[%mul3A_107, %dma_start3A_111] : memref<10000x64xf32, #tpu.memory_space<vmem_shared>> -> memref<625x64xf32, #tpu.memory_space<vmem_shared>>
      tpu.enqueue_dma source(%dma_start3A_112 : memref<625x64xf32, #tpu.memory_space<vmem_shared>>) target(%dma_start3A_110 : memref<625x64xf32, #tpu.memory_space<hbm>>) target_semaphore(%run_scoped3A : memref<!tpu.dma_semaphore, #tpu.memory_space<semaphore_mem>>)
      %dma_wait3A = arith.constant 0 : i32
      %dma_wait3A_113 = tpu.memref_slice %arg4[%arg0, %mul3A_107, %dma_wait3A] : memref<2x10000x64xf32, #tpu.memory_space<hbm>> -> memref<1x625x64xf32, #tpu.memory_space<hbm>>
      %dma_wait3A_114 = tpu.memref_squeeze %dma_wait3A_113 : memref<1x625x64xf32, #tpu.memory_space<hbm>> -> memref<625x64xf32, #tpu.memory_space<hbm>>
      %dma_wait3A_115 = arith.constant 0 : i32
      %dma_wait3A_116 = tpu.memref_slice %arg9[%mul3A_107, %dma_wait3A_115] : memref<10000x64xf32, #tpu.memory_space<vmem_shared>> -> memref<625x64xf32, #tpu.memory_space<vmem_shared>>
      tpu.wait_dma2 semaphore(%run_scoped3A : memref<!tpu.dma_semaphore, #tpu.memory_space<semaphore_mem>>) src(%dma_wait3A_116 : memref<625x64xf32, #tpu.memory_space<vmem_shared>>) dst(%dma_wait3A_114 : memref<625x64xf32, #tpu.memory_space<hbm>>)
      tpu.yield
    }) : () -> ()
    return
  }
}

#map = affine_map<(d0, d1) -> (0, 0, 0)>
#map1 = affine_map<(d0, d1) -> (0, 0)>
module attributes {stable_mosaic.version = 14 : i64} {
  func.func @_sc_degree(%arg0: i32, %arg1: i32, %arg2: memref<2500x2x128xi32, #tpu.memory_space<hbm>>, %arg3: memref<2x10240xf32, #tpu.memory_space<hbm>>, %arg4: memref<79x2x128xi32, #tpu.memory_space<vmem>>, %arg5: memref<10240xf32, #tpu.memory_space<vmem>>, %arg6: memref<640xf32, #tpu.memory_space<vmem>>, %arg7: memref<640xf32, #tpu.memory_space<vmem>>, %arg8: memref<16x10240xf32, #tpu.memory_space<vmem_shared>>) attributes {dimension_semantics = [#tpu.dimension_semantics<core_parallel>, #tpu.dimension_semantics<subcore_parallel>], iteration_bounds = array<i64: 2, 16>, scalar_prefetch = 0 : i64, scratch_operands = 5 : i64, tpu.core_type = #tpu.core_type<sc_vector_subcore>, window_params = [{transform_indices = #map}, {transform_indices = #map1}]} {
    %mul3A = arith.constant 16 : i32
    %mul3A_0 = arith.muli %arg0, %mul3A : i32
    %add3A = arith.addi %mul3A_0, %arg1 : i32
    %mul3A_1 = arith.constant 78 : i32
    %mul3A_2 = arith.muli %mul3A_1, %add3A : i32
    %min3A = arith.constant 4 : i32
    %min3A_3 = arith.minsi %add3A, %min3A : i32
    %add3A_4 = arith.addi %mul3A_2, %min3A_3 : i32
    %lt3A = arith.constant 4 : i32
    %lt3A_5 = arith.cmpi slt, %add3A, %lt3A : i32
    %jit3A = arith.constant 79 : i32
    %jit3A_6 = arith.constant 78 : i32
    %select_n3A = arith.select %lt3A_5, %jit3A, %jit3A_6 : i32
    %eq3A = arith.constant 79 : i32
    %eq3A_7 = arith.cmpi eq, %select_n3A, %eq3A : i32
    %convert_element_type3A = arith.extui %eq3A_7 : i1 to i32
    %cond3A = arith.constant 0 : i32
    %cond3A_8 = arith.cmpi ne, %convert_element_type3A, %cond3A : i32
    scf.if %cond3A_8 {
      "tpu.region"() ({
        %run_scoped3A_201 = tpu.sem_alloc : memref<!tpu.dma_semaphore, #tpu.memory_space<semaphore_mem>>
        %dma_start3A = arith.constant 0 : i32
        %dma_start3A_202 = arith.constant 0 : i32
        %dma_start3A_203 = tpu.memref_slice %arg2[%add3A_4, %dma_start3A, %dma_start3A_202] : memref<2500x2x128xi32, #tpu.memory_space<hbm>> -> memref<79x2x128xi32, #tpu.memory_space<hbm>>
        %dma_start3A_204 = arith.constant 0 : i32
        %dma_start3A_205 = arith.constant 0 : i32
        %dma_start3A_206 = tpu.memref_slice %arg2[%add3A_4, %dma_start3A_204, %dma_start3A_205] : memref<2500x2x128xi32, #tpu.memory_space<hbm>> -> memref<79x2x128xi32, #tpu.memory_space<hbm>>
        tpu.enqueue_dma source(%dma_start3A_206 : memref<79x2x128xi32, #tpu.memory_space<hbm>>) target(%arg4 : memref<79x2x128xi32, #tpu.memory_space<vmem>>) target_semaphore(%run_scoped3A_201 : memref<!tpu.dma_semaphore, #tpu.memory_space<semaphore_mem>>)
        %dma_wait3A = arith.constant 0 : i32
        %dma_wait3A_207 = arith.constant 0 : i32
        %dma_wait3A_208 = tpu.memref_slice %arg2[%add3A_4, %dma_wait3A, %dma_wait3A_207] : memref<2500x2x128xi32, #tpu.memory_space<hbm>> -> memref<79x2x128xi32, #tpu.memory_space<hbm>>
        %dma_wait3A_209 = arith.constant 0 : i32
        %dma_wait3A_210 = arith.constant 0 : i32
        %dma_wait3A_211 = tpu.memref_slice %arg2[%add3A_4, %dma_wait3A_209, %dma_wait3A_210] : memref<2500x2x128xi32, #tpu.memory_space<hbm>> -> memref<79x2x128xi32, #tpu.memory_space<hbm>>
        tpu.wait_dma2 semaphore(%run_scoped3A_201 : memref<!tpu.dma_semaphore, #tpu.memory_space<semaphore_mem>>) src(%dma_wait3A_211 : memref<79x2x128xi32, #tpu.memory_space<hbm>>) dst(%arg4 : memref<79x2x128xi32, #tpu.memory_space<vmem>>)
        tpu.yield
      }) : () -> ()
    } else {
    }
    %ne3A = arith.constant 79 : i32
    %ne3A_9 = arith.cmpi ne, %select_n3A, %ne3A : i32
    %convert_element_type3A_10 = arith.extui %ne3A_9 : i1 to i32
    %cond3A_11 = arith.constant 0 : i32
    %cond3A_12 = arith.cmpi ne, %convert_element_type3A_10, %cond3A_11 : i32
    scf.if %cond3A_12 {
      "tpu.region"() ({
        %run_scoped3A_201 = tpu.sem_alloc : memref<!tpu.dma_semaphore, #tpu.memory_space<semaphore_mem>>
        %dma_start3A = arith.constant 0 : i32
        %dma_start3A_202 = arith.constant 0 : i32
        %dma_start3A_203 = arith.constant 0 : i32
        %dma_start3A_204 = tpu.memref_slice %arg4[%dma_start3A, %dma_start3A_202, %dma_start3A_203] : memref<79x2x128xi32, #tpu.memory_space<vmem>> -> memref<78x2x128xi32, #tpu.memory_space<vmem>>
        %dma_start3A_205 = arith.constant 0 : i32
        %dma_start3A_206 = arith.constant 0 : i32
        %dma_start3A_207 = tpu.memref_slice %arg2[%add3A_4, %dma_start3A_205, %dma_start3A_206] : memref<2500x2x128xi32, #tpu.memory_space<hbm>> -> memref<78x2x128xi32, #tpu.memory_space<hbm>>
        %dma_start3A_208 = arith.constant 0 : i32
        %dma_start3A_209 = arith.constant 0 : i32
        %dma_start3A_210 = arith.constant 0 : i32
        %dma_start3A_211 = tpu.memref_slice %arg4[%dma_start3A_208, %dma_start3A_209, %dma_start3A_210] : memref<79x2x128xi32, #tpu.memory_space<vmem>> -> memref<78x2x128xi32, #tpu.memory_space<vmem>>
        %dma_start3A_212 = arith.constant 0 : i32
        %dma_start3A_213 = arith.constant 0 : i32
        %dma_start3A_214 = tpu.memref_slice %arg2[%add3A_4, %dma_start3A_212, %dma_start3A_213] : memref<2500x2x128xi32, #tpu.memory_space<hbm>> -> memref<78x2x128xi32, #tpu.memory_space<hbm>>
        tpu.enqueue_dma source(%dma_start3A_214 : memref<78x2x128xi32, #tpu.memory_space<hbm>>) target(%dma_start3A_211 : memref<78x2x128xi32, #tpu.memory_space<vmem>>) target_semaphore(%run_scoped3A_201 : memref<!tpu.dma_semaphore, #tpu.memory_space<semaphore_mem>>)
        %dma_wait3A = arith.constant 0 : i32
        %dma_wait3A_215 = arith.constant 0 : i32
        %dma_wait3A_216 = arith.constant 0 : i32
        %dma_wait3A_217 = tpu.memref_slice %arg4[%dma_wait3A, %dma_wait3A_215, %dma_wait3A_216] : memref<79x2x128xi32, #tpu.memory_space<vmem>> -> memref<78x2x128xi32, #tpu.memory_space<vmem>>
        %dma_wait3A_218 = arith.constant 0 : i32
        %dma_wait3A_219 = arith.constant 0 : i32
        %dma_wait3A_220 = tpu.memref_slice %arg2[%add3A_4, %dma_wait3A_218, %dma_wait3A_219] : memref<2500x2x128xi32, #tpu.memory_space<hbm>> -> memref<78x2x128xi32, #tpu.memory_space<hbm>>
        %dma_wait3A_221 = arith.constant 0 : i32
        %dma_wait3A_222 = arith.constant 0 : i32
        %dma_wait3A_223 = arith.constant 0 : i32
        %dma_wait3A_224 = tpu.memref_slice %arg4[%dma_wait3A_221, %dma_wait3A_222, %dma_wait3A_223] : memref<79x2x128xi32, #tpu.memory_space<vmem>> -> memref<78x2x128xi32, #tpu.memory_space<vmem>>
        %dma_wait3A_225 = arith.constant 0 : i32
        %dma_wait3A_226 = arith.constant 0 : i32
        %dma_wait3A_227 = tpu.memref_slice %arg2[%add3A_4, %dma_wait3A_225, %dma_wait3A_226] : memref<2500x2x128xi32, #tpu.memory_space<hbm>> -> memref<78x2x128xi32, #tpu.memory_space<hbm>>
        tpu.wait_dma2 semaphore(%run_scoped3A_201 : memref<!tpu.dma_semaphore, #tpu.memory_space<semaphore_mem>>) src(%dma_wait3A_227 : memref<78x2x128xi32, #tpu.memory_space<hbm>>) dst(%dma_wait3A_224 : memref<78x2x128xi32, #tpu.memory_space<vmem>>)
        tpu.yield
      }) : () -> ()
    } else {
    }
    %scan3A = arith.constant 0 : i32
    %scan3A_13 = arith.constant 0 : i32
    %scan3A_14 = arith.constant 640 : i32
    %scan3A_15 = arith.addi %scan3A_13, %scan3A_14 : i32
    %scan3A_16 = arith.constant 1 : i32
    %scan3A_17 = scf.for %scan3A_201 = %scan3A_13 to %scan3A_15 step %scan3A_16 iter_args(%scan3A_202 = %scan3A) -> (i32)  : i32 {
      %broadcast_in_dim3A_203 = arith.constant 0.000000e+00 : f32
      %broadcast_in_dim3A_204 = vector.broadcast %broadcast_in_dim3A_203 : f32 to vector<16xf32>
      %mul3A_205 = arith.constant 16 : i32
      %mul3A_206 = arith.muli %scan3A_201, %mul3A_205 : i32
      %swap3A = arith.index_cast %mul3A_206 : i32 to index
      %swap3A_207 = tpu.vector_load %arg5[%swap3A] {strides = array<i32>} : memref<10240xf32, #tpu.memory_space<vmem>>, vector<16xf32>,
      tpu.vector_store %arg5[%swap3A], %broadcast_in_dim3A_204 {strides = array<i32>} : memref<10240xf32, #tpu.memory_space<vmem>>, vector<16xf32>,
      %scan3A_208 = arith.constant 0 : i32
      scf.yield %scan3A_208 : i32
    }
    %scan3A_18 = arith.constant 640 : i32
    %broadcast_in_dim3A = arith.constant 1.000000e+00 : f32
    %broadcast_in_dim3A_19 = vector.broadcast %broadcast_in_dim3A : f32 to vector<16xf32>
    %mul3A_20 = arith.constant 8 : i32
    %mul3A_21 = arith.muli %select_n3A, %mul3A_20 : i32
    %while3A = arith.constant 0 : i32
    %while3A_22 = arith.constant 0 : i32
    %while3A_23 = arith.subi %mul3A_21, %while3A : i32
    %while3A_24 = arith.addi %while3A, %while3A_23 : i32
    %while3A_25 = arith.constant 1 : i32
    %while3A_26 = arith.divsi %while3A_23, %while3A_25 : i32
    %while3A_27 = arith.muli %while3A_26, %while3A_25 : i32
    %while3A_28 = arith.addi %while3A, %while3A_27 : i32
    %while3A_29 = arith.constant 1 : i32
    %while3A_30 = scf.for %while3A_201 = %while3A to %while3A_28 step %while3A_29 iter_args(%while3A_202 = %while3A_22) -> (i32)  : i32 {
      %jit3A_203 = arith.constant 8 : i32
      %div3A = arith.divsi %while3A_201, %jit3A_203 : i32
      %sign3A = arith.constant 0 : i32
      %sign3A_204 = arith.cmpi sgt, %while3A_201, %sign3A : i32
      %sign3A_205 = arith.extui %sign3A_204 : i1 to i32
      %sign3A_206 = arith.constant 0 : i32
      %sign3A_207 = arith.cmpi slt, %while3A_201, %sign3A_206 : i32
      %sign3A_208 = arith.extui %sign3A_207 : i1 to i32
      %sign3A_209 = arith.subi %sign3A_205, %sign3A_208 : i32
      %sign3A_210 = arith.constant 0 : i32
      %sign3A_211 = arith.cmpi sgt, %jit3A_203, %sign3A_210 : i32
      %sign3A_212 = arith.extui %sign3A_211 : i1 to i32
      %sign3A_213 = arith.constant 0 : i32
      %sign3A_214 = arith.cmpi slt, %jit3A_203, %sign3A_213 : i32
      %sign3A_215 = arith.extui %sign3A_214 : i1 to i32
      %sign3A_216 = arith.subi %sign3A_212, %sign3A_215 : i32
      %ne3A_217 = arith.cmpi ne, %sign3A_209, %sign3A_216 : i32
      %rem3A = arith.remsi %while3A_201, %jit3A_203 : i32
      %ne3A_218 = arith.constant 0 : i32
      %ne3A_219 = arith.cmpi ne, %rem3A, %ne3A_218 : i32
      %and3A = arith.andi %ne3A_217, %ne3A_219 : i1
      %sub3A = arith.constant 1 : i32
      %sub3A_220 = arith.subi %div3A, %sub3A : i32
      %select_n3A_221 = arith.select %and3A, %sub3A_220, %div3A : i32
      %jit3A_222 = arith.constant 8 : i32
      %eq3A_223 = arith.constant 0 : i32
      %eq3A_224 = arith.cmpi eq, %jit3A_222, %eq3A_223 : i32
      %jit3A_225 = arith.constant 1 : i32
      %select_n3A_226 = arith.select %eq3A_224, %jit3A_225, %jit3A_222 : i32
      %rem3A_227 = arith.remsi %while3A_201, %select_n3A_226 : i32
      %ne3A_228 = arith.constant 0 : i32
      %ne3A_229 = arith.cmpi ne, %rem3A_227, %ne3A_228 : i32
      %lt3A_230 = arith.constant 0 : i32
      %lt3A_231 = arith.cmpi slt, %rem3A_227, %lt3A_230 : i32
      %lt3A_232 = arith.constant 0 : i32
      %lt3A_233 = arith.cmpi slt, %select_n3A_226, %lt3A_232 : i32
      %ne3A_234 = arith.xori %lt3A_231, %lt3A_233 : i1
      %and3A_235 = arith.andi %ne3A_234, %ne3A_229 : i1
      %add3A_236 = arith.addi %rem3A_227, %select_n3A_226 : i32
      %select_n3A_237 = arith.select %and3A_235, %add3A_236, %rem3A_227 : i32
      %mul3A_238 = arith.constant 16 : i32
      %mul3A_239 = arith.muli %select_n3A_237, %mul3A_238 : i32
      %get3A = arith.constant 1 : i32
      %get3A_240 = arith.index_cast %select_n3A_221 : i32 to index
      %get3A_241 = arith.index_cast %get3A : i32 to index
      %get3A_242 = arith.index_cast %mul3A_239 : i32 to index
      %get3A_243 = tpu.vector_load %arg4[%get3A_240, %get3A_241, %get3A_242] {strides = array<i32>} : memref<79x2x128xi32, #tpu.memory_space<vmem>>, vector<16xi32>,
      tpu.vector_store_idx %arg5[%get3A_243], %broadcast_in_dim3A_19 {add = true} : memref<10240xf32, #tpu.memory_space<vmem>>[vector<16xi32>], vector<16xf32>,
      %while3A_244 = arith.constant 0 : i32
      scf.yield %while3A_244 : i32
    }
    %while3A_31 = arith.constant 1 : i32
    %while3A_32 = scf.for %while3A_201 = %while3A_28 to %while3A_24 step %while3A_31 iter_args(%while3A_202 = %while3A_30) -> (i32)  : i32 {
      %jit3A_203 = arith.constant 8 : i32
      %div3A = arith.divsi %while3A_201, %jit3A_203 : i32
      %sign3A = arith.constant 0 : i32
      %sign3A_204 = arith.cmpi sgt, %while3A_201, %sign3A : i32
      %sign3A_205 = arith.extui %sign3A_204 : i1 to i32
      %sign3A_206 = arith.constant 0 : i32
      %sign3A_207 = arith.cmpi slt, %while3A_201, %sign3A_206 : i32
      %sign3A_208 = arith.extui %sign3A_207 : i1 to i32
      %sign3A_209 = arith.subi %sign3A_205, %sign3A_208 : i32
      %sign3A_210 = arith.constant 0 : i32
      %sign3A_211 = arith.cmpi sgt, %jit3A_203, %sign3A_210 : i32
      %sign3A_212 = arith.extui %sign3A_211 : i1 to i32
      %sign3A_213 = arith.constant 0 : i32
      %sign3A_214 = arith.cmpi slt, %jit3A_203, %sign3A_213 : i32
      %sign3A_215 = arith.extui %sign3A_214 : i1 to i32
      %sign3A_216 = arith.subi %sign3A_212, %sign3A_215 : i32
      %ne3A_217 = arith.cmpi ne, %sign3A_209, %sign3A_216 : i32
      %rem3A = arith.remsi %while3A_201, %jit3A_203 : i32
      %ne3A_218 = arith.constant 0 : i32
      %ne3A_219 = arith.cmpi ne, %rem3A, %ne3A_218 : i32
      %and3A = arith.andi %ne3A_217, %ne3A_219 : i1
      %sub3A = arith.constant 1 : i32
      %sub3A_220 = arith.subi %div3A, %sub3A : i32
      %select_n3A_221 = arith.select %and3A, %sub3A_220, %div3A : i32
      %jit3A_222 = arith.constant 8 : i32
      %eq3A_223 = arith.constant 0 : i32
      %eq3A_224 = arith.cmpi eq, %jit3A_222, %eq3A_223 : i32
      %jit3A_225 = arith.constant 1 : i32
      %select_n3A_226 = arith.select %eq3A_224, %jit3A_225, %jit3A_222 : i32
      %rem3A_227 = arith.remsi %while3A_201, %select_n3A_226 : i32
      %ne3A_228 = arith.constant 0 : i32
      %ne3A_229 = arith.cmpi ne, %rem3A_227, %ne3A_228 : i32
      %lt3A_230 = arith.constant 0 : i32
      %lt3A_231 = arith.cmpi slt, %rem3A_227, %lt3A_230 : i32
      %lt3A_232 = arith.constant 0 : i32
      %lt3A_233 = arith.cmpi slt, %select_n3A_226, %lt3A_232 : i32
      %ne3A_234 = arith.xori %lt3A_231, %lt3A_233 : i1
      %and3A_235 = arith.andi %ne3A_234, %ne3A_229 : i1
      %add3A_236 = arith.addi %rem3A_227, %select_n3A_226 : i32
      %select_n3A_237 = arith.select %and3A_235, %add3A_236, %rem3A_227 : i32
      %mul3A_238 = arith.constant 16 : i32
      %mul3A_239 = arith.muli %select_n3A_237, %mul3A_238 : i32
      %get3A = arith.constant 1 : i32
      %get3A_240 = arith.index_cast %select_n3A_221 : i32 to index
      %get3A_241 = arith.index_cast %get3A : i32 to index
      %get3A_242 = arith.index_cast %mul3A_239 : i32 to index
      %get3A_243 = tpu.vector_load %arg4[%get3A_240, %get3A_241, %get3A_242] {strides = array<i32>} : memref<79x2x128xi32, #tpu.memory_space<vmem>>, vector<16xi32>,
      tpu.vector_store_idx %arg5[%get3A_243], %broadcast_in_dim3A_19 {add = true} : memref<10240xf32, #tpu.memory_space<vmem>>[vector<16xi32>], vector<16xf32>,
      %while3A_244 = arith.constant 0 : i32
      scf.yield %while3A_244 : i32
    }
    "tpu.region"() ({
      %run_scoped3A_201 = tpu.sem_alloc : memref<!tpu.dma_semaphore, #tpu.memory_space<semaphore_mem>>
      %dma_start3A = arith.constant 0 : i32
      %dma_start3A_202 = tpu.memref_slice %arg8[%arg1, %dma_start3A] : memref<16x10240xf32, #tpu.memory_space<vmem_shared>> -> memref<1x10240xf32, #tpu.memory_space<vmem_shared>>
      %dma_start3A_203 = tpu.memref_squeeze %dma_start3A_202 : memref<1x10240xf32, #tpu.memory_space<vmem_shared>> -> memref<10240xf32, #tpu.memory_space<vmem_shared>>
      %dma_start3A_204 = arith.constant 0 : i32
      %dma_start3A_205 = tpu.memref_slice %arg8[%arg1, %dma_start3A_204] : memref<16x10240xf32, #tpu.memory_space<vmem_shared>> -> memref<1x10240xf32, #tpu.memory_space<vmem_shared>>
      %dma_start3A_206 = tpu.memref_squeeze %dma_start3A_205 : memref<1x10240xf32, #tpu.memory_space<vmem_shared>> -> memref<10240xf32, #tpu.memory_space<vmem_shared>>
      tpu.enqueue_dma source(%arg5 : memref<10240xf32, #tpu.memory_space<vmem>>) target(%dma_start3A_206 : memref<10240xf32, #tpu.memory_space<vmem_shared>>) target_semaphore(%run_scoped3A_201 : memref<!tpu.dma_semaphore, #tpu.memory_space<semaphore_mem>>)
      %dma_wait3A = arith.constant 0 : i32
      %dma_wait3A_207 = tpu.memref_slice %arg8[%arg1, %dma_wait3A] : memref<16x10240xf32, #tpu.memory_space<vmem_shared>> -> memref<1x10240xf32, #tpu.memory_space<vmem_shared>>
      %dma_wait3A_208 = tpu.memref_squeeze %dma_wait3A_207 : memref<1x10240xf32, #tpu.memory_space<vmem_shared>> -> memref<10240xf32, #tpu.memory_space<vmem_shared>>
      %dma_wait3A_209 = arith.constant 0 : i32
      %dma_wait3A_210 = tpu.memref_slice %arg8[%arg1, %dma_wait3A_209] : memref<16x10240xf32, #tpu.memory_space<vmem_shared>> -> memref<1x10240xf32, #tpu.memory_space<vmem_shared>>
      %dma_wait3A_211 = tpu.memref_squeeze %dma_wait3A_210 : memref<1x10240xf32, #tpu.memory_space<vmem_shared>> -> memref<10240xf32, #tpu.memory_space<vmem_shared>>
      tpu.wait_dma2 semaphore(%run_scoped3A_201 : memref<!tpu.dma_semaphore, #tpu.memory_space<semaphore_mem>>) src(%arg5 : memref<10240xf32, #tpu.memory_space<vmem>>) dst(%dma_wait3A_211 : memref<10240xf32, #tpu.memory_space<vmem_shared>>)
      tpu.yield
    }) : () -> ()
    %barrier3A = arith.constant 0 : index
    tpu.barrier barrier_id(%barrier3A)
    %scan3A_33 = arith.constant 0 : i32
    %scan3A_34 = arith.constant 0 : i32
    %scan3A_35 = arith.constant 40 : i32
    %scan3A_36 = arith.addi %scan3A_34, %scan3A_35 : i32
    %scan3A_37 = arith.constant 1 : i32
    %scan3A_38 = scf.for %scan3A_201 = %scan3A_34 to %scan3A_36 step %scan3A_37 iter_args(%scan3A_202 = %scan3A_33) -> (i32)  : i32 {
      %broadcast_in_dim3A_203 = arith.constant 0.000000e+00 : f32
      %broadcast_in_dim3A_204 = vector.broadcast %broadcast_in_dim3A_203 : f32 to vector<16xf32>
      %mul3A_205 = arith.constant 16 : i32
      %mul3A_206 = arith.muli %scan3A_201, %mul3A_205 : i32
      %swap3A = arith.index_cast %mul3A_206 : i32 to index
      %swap3A_207 = tpu.vector_load %arg6[%swap3A] {strides = array<i32>} : memref<640xf32, #tpu.memory_space<vmem>>, vector<16xf32>,
      tpu.vector_store %arg6[%swap3A], %broadcast_in_dim3A_204 {strides = array<i32>} : memref<640xf32, #tpu.memory_space<vmem>>, vector<16xf32>,
      %scan3A_208 = arith.constant 0 : i32
      scf.yield %scan3A_208 : i32
    }
    %scan3A_39 = arith.constant 40 : i32
    %mul3A_40 = arith.constant 640 : i32
    %mul3A_41 = arith.muli %arg1, %mul3A_40 : i32
    %run_scoped3A = arith.constant 0 : i32
    "tpu.region"() ({
      %run_scoped3A_201 = tpu.sem_alloc : memref<!tpu.dma_semaphore, #tpu.memory_space<semaphore_mem>>
      %dma_start3A = tpu.memref_slice %arg8[%run_scoped3A, %mul3A_41] : memref<16x10240xf32, #tpu.memory_space<vmem_shared>> -> memref<1x640xf32, #tpu.memory_space<vmem_shared>>
      %dma_start3A_202 = tpu.memref_squeeze %dma_start3A : memref<1x640xf32, #tpu.memory_space<vmem_shared>> -> memref<640xf32, #tpu.memory_space<vmem_shared>>
      %dma_start3A_203 = tpu.memref_slice %arg8[%run_scoped3A, %mul3A_41] : memref<16x10240xf32, #tpu.memory_space<vmem_shared>> -> memref<1x640xf32, #tpu.memory_space<vmem_shared>>
      %dma_start3A_204 = tpu.memref_squeeze %dma_start3A_203 : memref<1x640xf32, #tpu.memory_space<vmem_shared>> -> memref<640xf32, #tpu.memory_space<vmem_shared>>
      tpu.enqueue_dma source(%dma_start3A_204 : memref<640xf32, #tpu.memory_space<vmem_shared>>) target(%arg7 : memref<640xf32, #tpu.memory_space<vmem>>) target_semaphore(%run_scoped3A_201 : memref<!tpu.dma_semaphore, #tpu.memory_space<semaphore_mem>>)
      %dma_wait3A = tpu.memref_slice %arg8[%run_scoped3A, %mul3A_41] : memref<16x10240xf32, #tpu.memory_space<vmem_shared>> -> memref<1x640xf32, #tpu.memory_space<vmem_shared>>
      %dma_wait3A_205 = tpu.memref_squeeze %dma_wait3A : memref<1x640xf32, #tpu.memory_space<vmem_shared>> -> memref<640xf32, #tpu.memory_space<vmem_shared>>
      %dma_wait3A_206 = tpu.memref_slice %arg8[%run_scoped3A, %mul3A_41] : memref<16x10240xf32, #tpu.memory_space<vmem_shared>> -> memref<1x640xf32, #tpu.memory_space<vmem_shared>>
      %dma_wait3A_207 = tpu.memref_squeeze %dma_wait3A_206 : memref<1x640xf32, #tpu.memory_space<vmem_shared>> -> memref<640xf32, #tpu.memory_space<vmem_shared>>
      tpu.wait_dma2 semaphore(%run_scoped3A_201 : memref<!tpu.dma_semaphore, #tpu.memory_space<semaphore_mem>>) src(%dma_wait3A_207 : memref<640xf32, #tpu.memory_space<vmem_shared>>) dst(%arg7 : memref<640xf32, #tpu.memory_space<vmem>>)
      tpu.yield
    }) : () -> ()
    %scan3A_42 = arith.constant 0 : i32
    %scan3A_43 = arith.constant 0 : i32
    %scan3A_44 = arith.constant 40 : i32
    %scan3A_45 = arith.addi %scan3A_43, %scan3A_44 : i32
    %scan3A_46 = arith.constant 1 : i32
    %scan3A_47 = scf.for %scan3A_201 = %scan3A_43 to %scan3A_45 step %scan3A_46 iter_args(%scan3A_202 = %scan3A_42) -> (i32)  : i32 {
      %mul3A_203 = arith.constant 16 : i32
      %mul3A_204 = arith.muli %scan3A_201, %mul3A_203 : i32
      %get3A = arith.index_cast %mul3A_204 : i32 to index
      %get3A_205 = tpu.vector_load %arg6[%get3A] {strides = array<i32>} : memref<640xf32, #tpu.memory_space<vmem>>, vector<16xf32>,
      %get3A_206 = arith.index_cast %mul3A_204 : i32 to index
      %get3A_207 = tpu.vector_load %arg7[%get3A_206] {strides = array<i32>} : memref<640xf32, #tpu.memory_space<vmem>>, vector<16xf32>,
      %add3A_208 = arith.addf %get3A_205, %get3A_207 : vector<16xf32>
      %swap3A = arith.index_cast %mul3A_204 : i32 to index
      %swap3A_209 = tpu.vector_load %arg6[%swap3A] {strides = array<i32>} : memref<640xf32, #tpu.memory_space<vmem>>, vector<16xf32>,
      tpu.vector_store %arg6[%swap3A], %add3A_208 {strides = array<i32>} : memref<640xf32, #tpu.memory_space<vmem>>, vector<16xf32>,
      %scan3A_210 = arith.constant 0 : i32
      scf.yield %scan3A_210 : i32
    }
    %scan3A_48 = arith.constant 40 : i32
    %mul3A_49 = arith.constant 640 : i32
    %mul3A_50 = arith.muli %arg1, %mul3A_49 : i32
    %run_scoped3A_51 = arith.constant 1 : i32
    "tpu.region"() ({
      %run_scoped3A_201 = tpu.sem_alloc : memref<!tpu.dma_semaphore, #tpu.memory_space<semaphore_mem>>
      %dma_start3A = tpu.memref_slice %arg8[%run_scoped3A_51, %mul3A_50] : memref<16x10240xf32, #tpu.memory_space<vmem_shared>> -> memref<1x640xf32, #tpu.memory_space<vmem_shared>>
      %dma_start3A_202 = tpu.memref_squeeze %dma_start3A : memref<1x640xf32, #tpu.memory_space<vmem_shared>> -> memref<640xf32, #tpu.memory_space<vmem_shared>>
      %dma_start3A_203 = tpu.memref_slice %arg8[%run_scoped3A_51, %mul3A_50] : memref<16x10240xf32, #tpu.memory_space<vmem_shared>> -> memref<1x640xf32, #tpu.memory_space<vmem_shared>>
      %dma_start3A_204 = tpu.memref_squeeze %dma_start3A_203 : memref<1x640xf32, #tpu.memory_space<vmem_shared>> -> memref<640xf32, #tpu.memory_space<vmem_shared>>
      tpu.enqueue_dma source(%dma_start3A_204 : memref<640xf32, #tpu.memory_space<vmem_shared>>) target(%arg7 : memref<640xf32, #tpu.memory_space<vmem>>) target_semaphore(%run_scoped3A_201 : memref<!tpu.dma_semaphore, #tpu.memory_space<semaphore_mem>>)
      %dma_wait3A = tpu.memref_slice %arg8[%run_scoped3A_51, %mul3A_50] : memref<16x10240xf32, #tpu.memory_space<vmem_shared>> -> memref<1x640xf32, #tpu.memory_space<vmem_shared>>
      %dma_wait3A_205 = tpu.memref_squeeze %dma_wait3A : memref<1x640xf32, #tpu.memory_space<vmem_shared>> -> memref<640xf32, #tpu.memory_space<vmem_shared>>
      %dma_wait3A_206 = tpu.memref_slice %arg8[%run_scoped3A_51, %mul3A_50] : memref<16x10240xf32, #tpu.memory_space<vmem_shared>> -> memref<1x640xf32, #tpu.memory_space<vmem_shared>>
      %dma_wait3A_207 = tpu.memref_squeeze %dma_wait3A_206 : memref<1x640xf32, #tpu.memory_space<vmem_shared>> -> memref<640xf32, #tpu.memory_space<vmem_shared>>
      tpu.wait_dma2 semaphore(%run_scoped3A_201 : memref<!tpu.dma_semaphore, #tpu.memory_space<semaphore_mem>>) src(%dma_wait3A_207 : memref<640xf32, #tpu.memory_space<vmem_shared>>) dst(%arg7 : memref<640xf32, #tpu.memory_space<vmem>>)
      tpu.yield
    }) : () -> ()
    %scan3A_52 = arith.constant 0 : i32
    %scan3A_53 = arith.constant 0 : i32
    %scan3A_54 = arith.constant 40 : i32
    %scan3A_55 = arith.addi %scan3A_53, %scan3A_54 : i32
    %scan3A_56 = arith.constant 1 : i32
    %scan3A_57 = scf.for %scan3A_201 = %scan3A_53 to %scan3A_55 step %scan3A_56 iter_args(%scan3A_202 = %scan3A_52) -> (i32)  : i32 {
      %mul3A_203 = arith.constant 16 : i32
      %mul3A_204 = arith.muli %scan3A_201, %mul3A_203 : i32
      %get3A = arith.index_cast %mul3A_204 : i32 to index
      %get3A_205 = tpu.vector_load %arg6[%get3A] {strides = array<i32>} : memref<640xf32, #tpu.memory_space<vmem>>, vector<16xf32>,
      %get3A_206 = arith.index_cast %mul3A_204 : i32 to index
      %get3A_207 = tpu.vector_load %arg7[%get3A_206] {strides = array<i32>} : memref<640xf32, #tpu.memory_space<vmem>>, vector<16xf32>,
      %add3A_208 = arith.addf %get3A_205, %get3A_207 : vector<16xf32>
      %swap3A = arith.index_cast %mul3A_204 : i32 to index
      %swap3A_209 = tpu.vector_load %arg6[%swap3A] {strides = array<i32>} : memref<640xf32, #tpu.memory_space<vmem>>, vector<16xf32>,
      tpu.vector_store %arg6[%swap3A], %add3A_208 {strides = array<i32>} : memref<640xf32, #tpu.memory_space<vmem>>, vector<16xf32>,
      %scan3A_210 = arith.constant 0 : i32
      scf.yield %scan3A_210 : i32
    }
    %scan3A_58 = arith.constant 40 : i32
    %mul3A_59 = arith.constant 640 : i32
    %mul3A_60 = arith.muli %arg1, %mul3A_59 : i32
    %run_scoped3A_61 = arith.constant 2 : i32
    "tpu.region"() ({
      %run_scoped3A_201 = tpu.sem_alloc : memref<!tpu.dma_semaphore, #tpu.memory_space<semaphore_mem>>
      %dma_start3A = tpu.memref_slice %arg8[%run_scoped3A_61, %mul3A_60] : memref<16x10240xf32, #tpu.memory_space<vmem_shared>> -> memref<1x640xf32, #tpu.memory_space<vmem_shared>>
      %dma_start3A_202 = tpu.memref_squeeze %dma_start3A : memref<1x640xf32, #tpu.memory_space<vmem_shared>> -> memref<640xf32, #tpu.memory_space<vmem_shared>>
      %dma_start3A_203 = tpu.memref_slice %arg8[%run_scoped3A_61, %mul3A_60] : memref<16x10240xf32, #tpu.memory_space<vmem_shared>> -> memref<1x640xf32, #tpu.memory_space<vmem_shared>>
      %dma_start3A_204 = tpu.memref_squeeze %dma_start3A_203 : memref<1x640xf32, #tpu.memory_space<vmem_shared>> -> memref<640xf32, #tpu.memory_space<vmem_shared>>
      tpu.enqueue_dma source(%dma_start3A_204 : memref<640xf32, #tpu.memory_space<vmem_shared>>) target(%arg7 : memref<640xf32, #tpu.memory_space<vmem>>) target_semaphore(%run_scoped3A_201 : memref<!tpu.dma_semaphore, #tpu.memory_space<semaphore_mem>>)
      %dma_wait3A = tpu.memref_slice %arg8[%run_scoped3A_61, %mul3A_60] : memref<16x10240xf32, #tpu.memory_space<vmem_shared>> -> memref<1x640xf32, #tpu.memory_space<vmem_shared>>
      %dma_wait3A_205 = tpu.memref_squeeze %dma_wait3A : memref<1x640xf32, #tpu.memory_space<vmem_shared>> -> memref<640xf32, #tpu.memory_space<vmem_shared>>
      %dma_wait3A_206 = tpu.memref_slice %arg8[%run_scoped3A_61, %mul3A_60] : memref<16x10240xf32, #tpu.memory_space<vmem_shared>> -> memref<1x640xf32, #tpu.memory_space<vmem_shared>>
      %dma_wait3A_207 = tpu.memref_squeeze %dma_wait3A_206 : memref<1x640xf32, #tpu.memory_space<vmem_shared>> -> memref<640xf32, #tpu.memory_space<vmem_shared>>
      tpu.wait_dma2 semaphore(%run_scoped3A_201 : memref<!tpu.dma_semaphore, #tpu.memory_space<semaphore_mem>>) src(%dma_wait3A_207 : memref<640xf32, #tpu.memory_space<vmem_shared>>) dst(%arg7 : memref<640xf32, #tpu.memory_space<vmem>>)
      tpu.yield
    }) : () -> ()
    %scan3A_62 = arith.constant 0 : i32
    %scan3A_63 = arith.constant 0 : i32
    %scan3A_64 = arith.constant 40 : i32
    %scan3A_65 = arith.addi %scan3A_63, %scan3A_64 : i32
    %scan3A_66 = arith.constant 1 : i32
    %scan3A_67 = scf.for %scan3A_201 = %scan3A_63 to %scan3A_65 step %scan3A_66 iter_args(%scan3A_202 = %scan3A_62) -> (i32)  : i32 {
      %mul3A_203 = arith.constant 16 : i32
      %mul3A_204 = arith.muli %scan3A_201, %mul3A_203 : i32
      %get3A = arith.index_cast %mul3A_204 : i32 to index
      %get3A_205 = tpu.vector_load %arg6[%get3A] {strides = array<i32>} : memref<640xf32, #tpu.memory_space<vmem>>, vector<16xf32>,
      %get3A_206 = arith.index_cast %mul3A_204 : i32 to index
      %get3A_207 = tpu.vector_load %arg7[%get3A_206] {strides = array<i32>} : memref<640xf32, #tpu.memory_space<vmem>>, vector<16xf32>,
      %add3A_208 = arith.addf %get3A_205, %get3A_207 : vector<16xf32>
      %swap3A = arith.index_cast %mul3A_204 : i32 to index
      %swap3A_209 = tpu.vector_load %arg6[%swap3A] {strides = array<i32>} : memref<640xf32, #tpu.memory_space<vmem>>, vector<16xf32>,
      tpu.vector_store %arg6[%swap3A], %add3A_208 {strides = array<i32>} : memref<640xf32, #tpu.memory_space<vmem>>, vector<16xf32>,
      %scan3A_210 = arith.constant 0 : i32
      scf.yield %scan3A_210 : i32
    }
    %scan3A_68 = arith.constant 40 : i32
    %mul3A_69 = arith.constant 640 : i32
    %mul3A_70 = arith.muli %arg1, %mul3A_69 : i32
    %run_scoped3A_71 = arith.constant 3 : i32
    "tpu.region"() ({
      %run_scoped3A_201 = tpu.sem_alloc : memref<!tpu.dma_semaphore, #tpu.memory_space<semaphore_mem>>
      %dma_start3A = tpu.memref_slice %arg8[%run_scoped3A_71, %mul3A_70] : memref<16x10240xf32, #tpu.memory_space<vmem_shared>> -> memref<1x640xf32, #tpu.memory_space<vmem_shared>>
      %dma_start3A_202 = tpu.memref_squeeze %dma_start3A : memref<1x640xf32, #tpu.memory_space<vmem_shared>> -> memref<640xf32, #tpu.memory_space<vmem_shared>>
      %dma_start3A_203 = tpu.memref_slice %arg8[%run_scoped3A_71, %mul3A_70] : memref<16x10240xf32, #tpu.memory_space<vmem_shared>> -> memref<1x640xf32, #tpu.memory_space<vmem_shared>>
      %dma_start3A_204 = tpu.memref_squeeze %dma_start3A_203 : memref<1x640xf32, #tpu.memory_space<vmem_shared>> -> memref<640xf32, #tpu.memory_space<vmem_shared>>
      tpu.enqueue_dma source(%dma_start3A_204 : memref<640xf32, #tpu.memory_space<vmem_shared>>) target(%arg7 : memref<640xf32, #tpu.memory_space<vmem>>) target_semaphore(%run_scoped3A_201 : memref<!tpu.dma_semaphore, #tpu.memory_space<semaphore_mem>>)
      %dma_wait3A = tpu.memref_slice %arg8[%run_scoped3A_71, %mul3A_70] : memref<16x10240xf32, #tpu.memory_space<vmem_shared>> -> memref<1x640xf32, #tpu.memory_space<vmem_shared>>
      %dma_wait3A_205 = tpu.memref_squeeze %dma_wait3A : memref<1x640xf32, #tpu.memory_space<vmem_shared>> -> memref<640xf32, #tpu.memory_space<vmem_shared>>
      %dma_wait3A_206 = tpu.memref_slice %arg8[%run_scoped3A_71, %mul3A_70] : memref<16x10240xf32, #tpu.memory_space<vmem_shared>> -> memref<1x640xf32, #tpu.memory_space<vmem_shared>>
      %dma_wait3A_207 = tpu.memref_squeeze %dma_wait3A_206 : memref<1x640xf32, #tpu.memory_space<vmem_shared>> -> memref<640xf32, #tpu.memory_space<vmem_shared>>
      tpu.wait_dma2 semaphore(%run_scoped3A_201 : memref<!tpu.dma_semaphore, #tpu.memory_space<semaphore_mem>>) src(%dma_wait3A_207 : memref<640xf32, #tpu.memory_space<vmem_shared>>) dst(%arg7 : memref<640xf32, #tpu.memory_space<vmem>>)
      tpu.yield
    }) : () -> ()
    %scan3A_72 = arith.constant 0 : i32
    %scan3A_73 = arith.constant 0 : i32
    %scan3A_74 = arith.constant 40 : i32
    %scan3A_75 = arith.addi %scan3A_73, %scan3A_74 : i32
    %scan3A_76 = arith.constant 1 : i32
    %scan3A_77 = scf.for %scan3A_201 = %scan3A_73 to %scan3A_75 step %scan3A_76 iter_args(%scan3A_202 = %scan3A_72) -> (i32)  : i32 {
      %mul3A_203 = arith.constant 16 : i32
      %mul3A_204 = arith.muli %scan3A_201, %mul3A_203 : i32
      %get3A = arith.index_cast %mul3A_204 : i32 to index
      %get3A_205 = tpu.vector_load %arg6[%get3A] {strides = array<i32>} : memref<640xf32, #tpu.memory_space<vmem>>, vector<16xf32>,
      %get3A_206 = arith.index_cast %mul3A_204 : i32 to index
      %get3A_207 = tpu.vector_load %arg7[%get3A_206] {strides = array<i32>} : memref<640xf32, #tpu.memory_space<vmem>>, vector<16xf32>,
      %add3A_208 = arith.addf %get3A_205, %get3A_207 : vector<16xf32>
      %swap3A = arith.index_cast %mul3A_204 : i32 to index
      %swap3A_209 = tpu.vector_load %arg6[%swap3A] {strides = array<i32>} : memref<640xf32, #tpu.memory_space<vmem>>, vector<16xf32>,
      tpu.vector_store %arg6[%swap3A], %add3A_208 {strides = array<i32>} : memref<640xf32, #tpu.memory_space<vmem>>, vector<16xf32>,
      %scan3A_210 = arith.constant 0 : i32
      scf.yield %scan3A_210 : i32
    }
    %scan3A_78 = arith.constant 40 : i32
    %mul3A_79 = arith.constant 640 : i32
    %mul3A_80 = arith.muli %arg1, %mul3A_79 : i32
    %run_scoped3A_81 = arith.constant 4 : i32
    "tpu.region"() ({
      %run_scoped3A_201 = tpu.sem_alloc : memref<!tpu.dma_semaphore, #tpu.memory_space<semaphore_mem>>
      %dma_start3A = tpu.memref_slice %arg8[%run_scoped3A_81, %mul3A_80] : memref<16x10240xf32, #tpu.memory_space<vmem_shared>> -> memref<1x640xf32, #tpu.memory_space<vmem_shared>>
      %dma_start3A_202 = tpu.memref_squeeze %dma_start3A : memref<1x640xf32, #tpu.memory_space<vmem_shared>> -> memref<640xf32, #tpu.memory_space<vmem_shared>>
      %dma_start3A_203 = tpu.memref_slice %arg8[%run_scoped3A_81, %mul3A_80] : memref<16x10240xf32, #tpu.memory_space<vmem_shared>> -> memref<1x640xf32, #tpu.memory_space<vmem_shared>>
      %dma_start3A_204 = tpu.memref_squeeze %dma_start3A_203 : memref<1x640xf32, #tpu.memory_space<vmem_shared>> -> memref<640xf32, #tpu.memory_space<vmem_shared>>
      tpu.enqueue_dma source(%dma_start3A_204 : memref<640xf32, #tpu.memory_space<vmem_shared>>) target(%arg7 : memref<640xf32, #tpu.memory_space<vmem>>) target_semaphore(%run_scoped3A_201 : memref<!tpu.dma_semaphore, #tpu.memory_space<semaphore_mem>>)
      %dma_wait3A = tpu.memref_slice %arg8[%run_scoped3A_81, %mul3A_80] : memref<16x10240xf32, #tpu.memory_space<vmem_shared>> -> memref<1x640xf32, #tpu.memory_space<vmem_shared>>
      %dma_wait3A_205 = tpu.memref_squeeze %dma_wait3A : memref<1x640xf32, #tpu.memory_space<vmem_shared>> -> memref<640xf32, #tpu.memory_space<vmem_shared>>
      %dma_wait3A_206 = tpu.memref_slice %arg8[%run_scoped3A_81, %mul3A_80] : memref<16x10240xf32, #tpu.memory_space<vmem_shared>> -> memref<1x640xf32, #tpu.memory_space<vmem_shared>>
      %dma_wait3A_207 = tpu.memref_squeeze %dma_wait3A_206 : memref<1x640xf32, #tpu.memory_space<vmem_shared>> -> memref<640xf32, #tpu.memory_space<vmem_shared>>
      tpu.wait_dma2 semaphore(%run_scoped3A_201 : memref<!tpu.dma_semaphore, #tpu.memory_space<semaphore_mem>>) src(%dma_wait3A_207 : memref<640xf32, #tpu.memory_space<vmem_shared>>) dst(%arg7 : memref<640xf32, #tpu.memory_space<vmem>>)
      tpu.yield
    }) : () -> ()
    %scan3A_82 = arith.constant 0 : i32
    %scan3A_83 = arith.constant 0 : i32
    %scan3A_84 = arith.constant 40 : i32
    %scan3A_85 = arith.addi %scan3A_83, %scan3A_84 : i32
    %scan3A_86 = arith.constant 1 : i32
    %scan3A_87 = scf.for %scan3A_201 = %scan3A_83 to %scan3A_85 step %scan3A_86 iter_args(%scan3A_202 = %scan3A_82) -> (i32)  : i32 {
      %mul3A_203 = arith.constant 16 : i32
      %mul3A_204 = arith.muli %scan3A_201, %mul3A_203 : i32
      %get3A = arith.index_cast %mul3A_204 : i32 to index
      %get3A_205 = tpu.vector_load %arg6[%get3A] {strides = array<i32>} : memref<640xf32, #tpu.memory_space<vmem>>, vector<16xf32>,
      %get3A_206 = arith.index_cast %mul3A_204 : i32 to index
      %get3A_207 = tpu.vector_load %arg7[%get3A_206] {strides = array<i32>} : memref<640xf32, #tpu.memory_space<vmem>>, vector<16xf32>,
      %add3A_208 = arith.addf %get3A_205, %get3A_207 : vector<16xf32>
      %swap3A = arith.index_cast %mul3A_204 : i32 to index
      %swap3A_209 = tpu.vector_load %arg6[%swap3A] {strides = array<i32>} : memref<640xf32, #tpu.memory_space<vmem>>, vector<16xf32>,
      tpu.vector_store %arg6[%swap3A], %add3A_208 {strides = array<i32>} : memref<640xf32, #tpu.memory_space<vmem>>, vector<16xf32>,
      %scan3A_210 = arith.constant 0 : i32
      scf.yield %scan3A_210 : i32
    }
    %scan3A_88 = arith.constant 40 : i32
    %mul3A_89 = arith.constant 640 : i32
    %mul3A_90 = arith.muli %arg1, %mul3A_89 : i32
    %run_scoped3A_91 = arith.constant 5 : i32
    "tpu.region"() ({
      %run_scoped3A_201 = tpu.sem_alloc : memref<!tpu.dma_semaphore, #tpu.memory_space<semaphore_mem>>
      %dma_start3A = tpu.memref_slice %arg8[%run_scoped3A_91, %mul3A_90] : memref<16x10240xf32, #tpu.memory_space<vmem_shared>> -> memref<1x640xf32, #tpu.memory_space<vmem_shared>>
      %dma_start3A_202 = tpu.memref_squeeze %dma_start3A : memref<1x640xf32, #tpu.memory_space<vmem_shared>> -> memref<640xf32, #tpu.memory_space<vmem_shared>>
      %dma_start3A_203 = tpu.memref_slice %arg8[%run_scoped3A_91, %mul3A_90] : memref<16x10240xf32, #tpu.memory_space<vmem_shared>> -> memref<1x640xf32, #tpu.memory_space<vmem_shared>>
      %dma_start3A_204 = tpu.memref_squeeze %dma_start3A_203 : memref<1x640xf32, #tpu.memory_space<vmem_shared>> -> memref<640xf32, #tpu.memory_space<vmem_shared>>
      tpu.enqueue_dma source(%dma_start3A_204 : memref<640xf32, #tpu.memory_space<vmem_shared>>) target(%arg7 : memref<640xf32, #tpu.memory_space<vmem>>) target_semaphore(%run_scoped3A_201 : memref<!tpu.dma_semaphore, #tpu.memory_space<semaphore_mem>>)
      %dma_wait3A = tpu.memref_slice %arg8[%run_scoped3A_91, %mul3A_90] : memref<16x10240xf32, #tpu.memory_space<vmem_shared>> -> memref<1x640xf32, #tpu.memory_space<vmem_shared>>
      %dma_wait3A_205 = tpu.memref_squeeze %dma_wait3A : memref<1x640xf32, #tpu.memory_space<vmem_shared>> -> memref<640xf32, #tpu.memory_space<vmem_shared>>
      %dma_wait3A_206 = tpu.memref_slice %arg8[%run_scoped3A_91, %mul3A_90] : memref<16x10240xf32, #tpu.memory_space<vmem_shared>> -> memref<1x640xf32, #tpu.memory_space<vmem_shared>>
      %dma_wait3A_207 = tpu.memref_squeeze %dma_wait3A_206 : memref<1x640xf32, #tpu.memory_space<vmem_shared>> -> memref<640xf32, #tpu.memory_space<vmem_shared>>
      tpu.wait_dma2 semaphore(%run_scoped3A_201 : memref<!tpu.dma_semaphore, #tpu.memory_space<semaphore_mem>>) src(%dma_wait3A_207 : memref<640xf32, #tpu.memory_space<vmem_shared>>) dst(%arg7 : memref<640xf32, #tpu.memory_space<vmem>>)
      tpu.yield
    }) : () -> ()
    %scan3A_92 = arith.constant 0 : i32
    %scan3A_93 = arith.constant 0 : i32
    %scan3A_94 = arith.constant 40 : i32
    %scan3A_95 = arith.addi %scan3A_93, %scan3A_94 : i32
    %scan3A_96 = arith.constant 1 : i32
    %scan3A_97 = scf.for %scan3A_201 = %scan3A_93 to %scan3A_95 step %scan3A_96 iter_args(%scan3A_202 = %scan3A_92) -> (i32)  : i32 {
      %mul3A_203 = arith.constant 16 : i32
      %mul3A_204 = arith.muli %scan3A_201, %mul3A_203 : i32
      %get3A = arith.index_cast %mul3A_204 : i32 to index
      %get3A_205 = tpu.vector_load %arg6[%get3A] {strides = array<i32>} : memref<640xf32, #tpu.memory_space<vmem>>, vector<16xf32>,
      %get3A_206 = arith.index_cast %mul3A_204 : i32 to index
      %get3A_207 = tpu.vector_load %arg7[%get3A_206] {strides = array<i32>} : memref<640xf32, #tpu.memory_space<vmem>>, vector<16xf32>,
      %add3A_208 = arith.addf %get3A_205, %get3A_207 : vector<16xf32>
      %swap3A = arith.index_cast %mul3A_204 : i32 to index
      %swap3A_209 = tpu.vector_load %arg6[%swap3A] {strides = array<i32>} : memref<640xf32, #tpu.memory_space<vmem>>, vector<16xf32>,
      tpu.vector_store %arg6[%swap3A], %add3A_208 {strides = array<i32>} : memref<640xf32, #tpu.memory_space<vmem>>, vector<16xf32>,
      %scan3A_210 = arith.constant 0 : i32
      scf.yield %scan3A_210 : i32
    }
    %scan3A_98 = arith.constant 40 : i32
    %mul3A_99 = arith.constant 640 : i32
    %mul3A_100 = arith.muli %arg1, %mul3A_99 : i32
    %run_scoped3A_101 = arith.constant 6 : i32
    "tpu.region"() ({
      %run_scoped3A_201 = tpu.sem_alloc : memref<!tpu.dma_semaphore, #tpu.memory_space<semaphore_mem>>
      %dma_start3A = tpu.memref_slice %arg8[%run_scoped3A_101, %mul3A_100] : memref<16x10240xf32, #tpu.memory_space<vmem_shared>> -> memref<1x640xf32, #tpu.memory_space<vmem_shared>>
      %dma_start3A_202 = tpu.memref_squeeze %dma_start3A : memref<1x640xf32, #tpu.memory_space<vmem_shared>> -> memref<640xf32, #tpu.memory_space<vmem_shared>>
      %dma_start3A_203 = tpu.memref_slice %arg8[%run_scoped3A_101, %mul3A_100] : memref<16x10240xf32, #tpu.memory_space<vmem_shared>> -> memref<1x640xf32, #tpu.memory_space<vmem_shared>>
      %dma_start3A_204 = tpu.memref_squeeze %dma_start3A_203 : memref<1x640xf32, #tpu.memory_space<vmem_shared>> -> memref<640xf32, #tpu.memory_space<vmem_shared>>
      tpu.enqueue_dma source(%dma_start3A_204 : memref<640xf32, #tpu.memory_space<vmem_shared>>) target(%arg7 : memref<640xf32, #tpu.memory_space<vmem>>) target_semaphore(%run_scoped3A_201 : memref<!tpu.dma_semaphore, #tpu.memory_space<semaphore_mem>>)
      %dma_wait3A = tpu.memref_slice %arg8[%run_scoped3A_101, %mul3A_100] : memref<16x10240xf32, #tpu.memory_space<vmem_shared>> -> memref<1x640xf32, #tpu.memory_space<vmem_shared>>
      %dma_wait3A_205 = tpu.memref_squeeze %dma_wait3A : memref<1x640xf32, #tpu.memory_space<vmem_shared>> -> memref<640xf32, #tpu.memory_space<vmem_shared>>
      %dma_wait3A_206 = tpu.memref_slice %arg8[%run_scoped3A_101, %mul3A_100] : memref<16x10240xf32, #tpu.memory_space<vmem_shared>> -> memref<1x640xf32, #tpu.memory_space<vmem_shared>>
      %dma_wait3A_207 = tpu.memref_squeeze %dma_wait3A_206 : memref<1x640xf32, #tpu.memory_space<vmem_shared>> -> memref<640xf32, #tpu.memory_space<vmem_shared>>
      tpu.wait_dma2 semaphore(%run_scoped3A_201 : memref<!tpu.dma_semaphore, #tpu.memory_space<semaphore_mem>>) src(%dma_wait3A_207 : memref<640xf32, #tpu.memory_space<vmem_shared>>) dst(%arg7 : memref<640xf32, #tpu.memory_space<vmem>>)
      tpu.yield
    }) : () -> ()
    %scan3A_102 = arith.constant 0 : i32
    %scan3A_103 = arith.constant 0 : i32
    %scan3A_104 = arith.constant 40 : i32
    %scan3A_105 = arith.addi %scan3A_103, %scan3A_104 : i32
    %scan3A_106 = arith.constant 1 : i32
    %scan3A_107 = scf.for %scan3A_201 = %scan3A_103 to %scan3A_105 step %scan3A_106 iter_args(%scan3A_202 = %scan3A_102) -> (i32)  : i32 {
      %mul3A_203 = arith.constant 16 : i32
      %mul3A_204 = arith.muli %scan3A_201, %mul3A_203 : i32
      %get3A = arith.index_cast %mul3A_204 : i32 to index
      %get3A_205 = tpu.vector_load %arg6[%get3A] {strides = array<i32>} : memref<640xf32, #tpu.memory_space<vmem>>, vector<16xf32>,
      %get3A_206 = arith.index_cast %mul3A_204 : i32 to index
      %get3A_207 = tpu.vector_load %arg7[%get3A_206] {strides = array<i32>} : memref<640xf32, #tpu.memory_space<vmem>>, vector<16xf32>,
      %add3A_208 = arith.addf %get3A_205, %get3A_207 : vector<16xf32>
      %swap3A = arith.index_cast %mul3A_204 : i32 to index
      %swap3A_209 = tpu.vector_load %arg6[%swap3A] {strides = array<i32>} : memref<640xf32, #tpu.memory_space<vmem>>, vector<16xf32>,
      tpu.vector_store %arg6[%swap3A], %add3A_208 {strides = array<i32>} : memref<640xf32, #tpu.memory_space<vmem>>, vector<16xf32>,
      %scan3A_210 = arith.constant 0 : i32
      scf.yield %scan3A_210 : i32
    }
    %scan3A_108 = arith.constant 40 : i32
    %mul3A_109 = arith.constant 640 : i32
    %mul3A_110 = arith.muli %arg1, %mul3A_109 : i32
    %run_scoped3A_111 = arith.constant 7 : i32
    "tpu.region"() ({
      %run_scoped3A_201 = tpu.sem_alloc : memref<!tpu.dma_semaphore, #tpu.memory_space<semaphore_mem>>
      %dma_start3A = tpu.memref_slice %arg8[%run_scoped3A_111, %mul3A_110] : memref<16x10240xf32, #tpu.memory_space<vmem_shared>> -> memref<1x640xf32, #tpu.memory_space<vmem_shared>>
      %dma_start3A_202 = tpu.memref_squeeze %dma_start3A : memref<1x640xf32, #tpu.memory_space<vmem_shared>> -> memref<640xf32, #tpu.memory_space<vmem_shared>>
      %dma_start3A_203 = tpu.memref_slice %arg8[%run_scoped3A_111, %mul3A_110] : memref<16x10240xf32, #tpu.memory_space<vmem_shared>> -> memref<1x640xf32, #tpu.memory_space<vmem_shared>>
      %dma_start3A_204 = tpu.memref_squeeze %dma_start3A_203 : memref<1x640xf32, #tpu.memory_space<vmem_shared>> -> memref<640xf32, #tpu.memory_space<vmem_shared>>
      tpu.enqueue_dma source(%dma_start3A_204 : memref<640xf32, #tpu.memory_space<vmem_shared>>) target(%arg7 : memref<640xf32, #tpu.memory_space<vmem>>) target_semaphore(%run_scoped3A_201 : memref<!tpu.dma_semaphore, #tpu.memory_space<semaphore_mem>>)
      %dma_wait3A = tpu.memref_slice %arg8[%run_scoped3A_111, %mul3A_110] : memref<16x10240xf32, #tpu.memory_space<vmem_shared>> -> memref<1x640xf32, #tpu.memory_space<vmem_shared>>
      %dma_wait3A_205 = tpu.memref_squeeze %dma_wait3A : memref<1x640xf32, #tpu.memory_space<vmem_shared>> -> memref<640xf32, #tpu.memory_space<vmem_shared>>
      %dma_wait3A_206 = tpu.memref_slice %arg8[%run_scoped3A_111, %mul3A_110] : memref<16x10240xf32, #tpu.memory_space<vmem_shared>> -> memref<1x640xf32, #tpu.memory_space<vmem_shared>>
      %dma_wait3A_207 = tpu.memref_squeeze %dma_wait3A_206 : memref<1x640xf32, #tpu.memory_space<vmem_shared>> -> memref<640xf32, #tpu.memory_space<vmem_shared>>
      tpu.wait_dma2 semaphore(%run_scoped3A_201 : memref<!tpu.dma_semaphore, #tpu.memory_space<semaphore_mem>>) src(%dma_wait3A_207 : memref<640xf32, #tpu.memory_space<vmem_shared>>) dst(%arg7 : memref<640xf32, #tpu.memory_space<vmem>>)
      tpu.yield
    }) : () -> ()
    %scan3A_112 = arith.constant 0 : i32
    %scan3A_113 = arith.constant 0 : i32
    %scan3A_114 = arith.constant 40 : i32
    %scan3A_115 = arith.addi %scan3A_113, %scan3A_114 : i32
    %scan3A_116 = arith.constant 1 : i32
    %scan3A_117 = scf.for %scan3A_201 = %scan3A_113 to %scan3A_115 step %scan3A_116 iter_args(%scan3A_202 = %scan3A_112) -> (i32)  : i32 {
      %mul3A_203 = arith.constant 16 : i32
      %mul3A_204 = arith.muli %scan3A_201, %mul3A_203 : i32
      %get3A = arith.index_cast %mul3A_204 : i32 to index
      %get3A_205 = tpu.vector_load %arg6[%get3A] {strides = array<i32>} : memref<640xf32, #tpu.memory_space<vmem>>, vector<16xf32>,
      %get3A_206 = arith.index_cast %mul3A_204 : i32 to index
      %get3A_207 = tpu.vector_load %arg7[%get3A_206] {strides = array<i32>} : memref<640xf32, #tpu.memory_space<vmem>>, vector<16xf32>,
      %add3A_208 = arith.addf %get3A_205, %get3A_207 : vector<16xf32>
      %swap3A = arith.index_cast %mul3A_204 : i32 to index
      %swap3A_209 = tpu.vector_load %arg6[%swap3A] {strides = array<i32>} : memref<640xf32, #tpu.memory_space<vmem>>, vector<16xf32>,
      tpu.vector_store %arg6[%swap3A], %add3A_208 {strides = array<i32>} : memref<640xf32, #tpu.memory_space<vmem>>, vector<16xf32>,
      %scan3A_210 = arith.constant 0 : i32
      scf.yield %scan3A_210 : i32
    }
    %scan3A_118 = arith.constant 40 : i32
    %mul3A_119 = arith.constant 640 : i32
    %mul3A_120 = arith.muli %arg1, %mul3A_119 : i32
    %run_scoped3A_121 = arith.constant 8 : i32
    "tpu.region"() ({
      %run_scoped3A_201 = tpu.sem_alloc : memref<!tpu.dma_semaphore, #tpu.memory_space<semaphore_mem>>
      %dma_start3A = tpu.memref_slice %arg8[%run_scoped3A_121, %mul3A_120] : memref<16x10240xf32, #tpu.memory_space<vmem_shared>> -> memref<1x640xf32, #tpu.memory_space<vmem_shared>>
      %dma_start3A_202 = tpu.memref_squeeze %dma_start3A : memref<1x640xf32, #tpu.memory_space<vmem_shared>> -> memref<640xf32, #tpu.memory_space<vmem_shared>>
      %dma_start3A_203 = tpu.memref_slice %arg8[%run_scoped3A_121, %mul3A_120] : memref<16x10240xf32, #tpu.memory_space<vmem_shared>> -> memref<1x640xf32, #tpu.memory_space<vmem_shared>>
      %dma_start3A_204 = tpu.memref_squeeze %dma_start3A_203 : memref<1x640xf32, #tpu.memory_space<vmem_shared>> -> memref<640xf32, #tpu.memory_space<vmem_shared>>
      tpu.enqueue_dma source(%dma_start3A_204 : memref<640xf32, #tpu.memory_space<vmem_shared>>) target(%arg7 : memref<640xf32, #tpu.memory_space<vmem>>) target_semaphore(%run_scoped3A_201 : memref<!tpu.dma_semaphore, #tpu.memory_space<semaphore_mem>>)
      %dma_wait3A = tpu.memref_slice %arg8[%run_scoped3A_121, %mul3A_120] : memref<16x10240xf32, #tpu.memory_space<vmem_shared>> -> memref<1x640xf32, #tpu.memory_space<vmem_shared>>
      %dma_wait3A_205 = tpu.memref_squeeze %dma_wait3A : memref<1x640xf32, #tpu.memory_space<vmem_shared>> -> memref<640xf32, #tpu.memory_space<vmem_shared>>
      %dma_wait3A_206 = tpu.memref_slice %arg8[%run_scoped3A_121, %mul3A_120] : memref<16x10240xf32, #tpu.memory_space<vmem_shared>> -> memref<1x640xf32, #tpu.memory_space<vmem_shared>>
      %dma_wait3A_207 = tpu.memref_squeeze %dma_wait3A_206 : memref<1x640xf32, #tpu.memory_space<vmem_shared>> -> memref<640xf32, #tpu.memory_space<vmem_shared>>
      tpu.wait_dma2 semaphore(%run_scoped3A_201 : memref<!tpu.dma_semaphore, #tpu.memory_space<semaphore_mem>>) src(%dma_wait3A_207 : memref<640xf32, #tpu.memory_space<vmem_shared>>) dst(%arg7 : memref<640xf32, #tpu.memory_space<vmem>>)
      tpu.yield
    }) : () -> ()
    %scan3A_122 = arith.constant 0 : i32
    %scan3A_123 = arith.constant 0 : i32
    %scan3A_124 = arith.constant 40 : i32
    %scan3A_125 = arith.addi %scan3A_123, %scan3A_124 : i32
    %scan3A_126 = arith.constant 1 : i32
    %scan3A_127 = scf.for %scan3A_201 = %scan3A_123 to %scan3A_125 step %scan3A_126 iter_args(%scan3A_202 = %scan3A_122) -> (i32)  : i32 {
      %mul3A_203 = arith.constant 16 : i32
      %mul3A_204 = arith.muli %scan3A_201, %mul3A_203 : i32
      %get3A = arith.index_cast %mul3A_204 : i32 to index
      %get3A_205 = tpu.vector_load %arg6[%get3A] {strides = array<i32>} : memref<640xf32, #tpu.memory_space<vmem>>, vector<16xf32>,
      %get3A_206 = arith.index_cast %mul3A_204 : i32 to index
      %get3A_207 = tpu.vector_load %arg7[%get3A_206] {strides = array<i32>} : memref<640xf32, #tpu.memory_space<vmem>>, vector<16xf32>,
      %add3A_208 = arith.addf %get3A_205, %get3A_207 : vector<16xf32>
      %swap3A = arith.index_cast %mul3A_204 : i32 to index
      %swap3A_209 = tpu.vector_load %arg6[%swap3A] {strides = array<i32>} : memref<640xf32, #tpu.memory_space<vmem>>, vector<16xf32>,
      tpu.vector_store %arg6[%swap3A], %add3A_208 {strides = array<i32>} : memref<640xf32, #tpu.memory_space<vmem>>, vector<16xf32>,
      %scan3A_210 = arith.constant 0 : i32
      scf.yield %scan3A_210 : i32
    }
    %scan3A_128 = arith.constant 40 : i32
    %mul3A_129 = arith.constant 640 : i32
    %mul3A_130 = arith.muli %arg1, %mul3A_129 : i32
    %run_scoped3A_131 = arith.constant 9 : i32
    "tpu.region"() ({
      %run_scoped3A_201 = tpu.sem_alloc : memref<!tpu.dma_semaphore, #tpu.memory_space<semaphore_mem>>
      %dma_start3A = tpu.memref_slice %arg8[%run_scoped3A_131, %mul3A_130] : memref<16x10240xf32, #tpu.memory_space<vmem_shared>> -> memref<1x640xf32, #tpu.memory_space<vmem_shared>>
      %dma_start3A_202 = tpu.memref_squeeze %dma_start3A : memref<1x640xf32, #tpu.memory_space<vmem_shared>> -> memref<640xf32, #tpu.memory_space<vmem_shared>>
      %dma_start3A_203 = tpu.memref_slice %arg8[%run_scoped3A_131, %mul3A_130] : memref<16x10240xf32, #tpu.memory_space<vmem_shared>> -> memref<1x640xf32, #tpu.memory_space<vmem_shared>>
      %dma_start3A_204 = tpu.memref_squeeze %dma_start3A_203 : memref<1x640xf32, #tpu.memory_space<vmem_shared>> -> memref<640xf32, #tpu.memory_space<vmem_shared>>
      tpu.enqueue_dma source(%dma_start3A_204 : memref<640xf32, #tpu.memory_space<vmem_shared>>) target(%arg7 : memref<640xf32, #tpu.memory_space<vmem>>) target_semaphore(%run_scoped3A_201 : memref<!tpu.dma_semaphore, #tpu.memory_space<semaphore_mem>>)
      %dma_wait3A = tpu.memref_slice %arg8[%run_scoped3A_131, %mul3A_130] : memref<16x10240xf32, #tpu.memory_space<vmem_shared>> -> memref<1x640xf32, #tpu.memory_space<vmem_shared>>
      %dma_wait3A_205 = tpu.memref_squeeze %dma_wait3A : memref<1x640xf32, #tpu.memory_space<vmem_shared>> -> memref<640xf32, #tpu.memory_space<vmem_shared>>
      %dma_wait3A_206 = tpu.memref_slice %arg8[%run_scoped3A_131, %mul3A_130] : memref<16x10240xf32, #tpu.memory_space<vmem_shared>> -> memref<1x640xf32, #tpu.memory_space<vmem_shared>>
      %dma_wait3A_207 = tpu.memref_squeeze %dma_wait3A_206 : memref<1x640xf32, #tpu.memory_space<vmem_shared>> -> memref<640xf32, #tpu.memory_space<vmem_shared>>
      tpu.wait_dma2 semaphore(%run_scoped3A_201 : memref<!tpu.dma_semaphore, #tpu.memory_space<semaphore_mem>>) src(%dma_wait3A_207 : memref<640xf32, #tpu.memory_space<vmem_shared>>) dst(%arg7 : memref<640xf32, #tpu.memory_space<vmem>>)
      tpu.yield
    }) : () -> ()
    %scan3A_132 = arith.constant 0 : i32
    %scan3A_133 = arith.constant 0 : i32
    %scan3A_134 = arith.constant 40 : i32
    %scan3A_135 = arith.addi %scan3A_133, %scan3A_134 : i32
    %scan3A_136 = arith.constant 1 : i32
    %scan3A_137 = scf.for %scan3A_201 = %scan3A_133 to %scan3A_135 step %scan3A_136 iter_args(%scan3A_202 = %scan3A_132) -> (i32)  : i32 {
      %mul3A_203 = arith.constant 16 : i32
      %mul3A_204 = arith.muli %scan3A_201, %mul3A_203 : i32
      %get3A = arith.index_cast %mul3A_204 : i32 to index
      %get3A_205 = tpu.vector_load %arg6[%get3A] {strides = array<i32>} : memref<640xf32, #tpu.memory_space<vmem>>, vector<16xf32>,
      %get3A_206 = arith.index_cast %mul3A_204 : i32 to index
      %get3A_207 = tpu.vector_load %arg7[%get3A_206] {strides = array<i32>} : memref<640xf32, #tpu.memory_space<vmem>>, vector<16xf32>,
      %add3A_208 = arith.addf %get3A_205, %get3A_207 : vector<16xf32>
      %swap3A = arith.index_cast %mul3A_204 : i32 to index
      %swap3A_209 = tpu.vector_load %arg6[%swap3A] {strides = array<i32>} : memref<640xf32, #tpu.memory_space<vmem>>, vector<16xf32>,
      tpu.vector_store %arg6[%swap3A], %add3A_208 {strides = array<i32>} : memref<640xf32, #tpu.memory_space<vmem>>, vector<16xf32>,
      %scan3A_210 = arith.constant 0 : i32
      scf.yield %scan3A_210 : i32
    }
    %scan3A_138 = arith.constant 40 : i32
    %mul3A_139 = arith.constant 640 : i32
    %mul3A_140 = arith.muli %arg1, %mul3A_139 : i32
    %run_scoped3A_141 = arith.constant 10 : i32
    "tpu.region"() ({
      %run_scoped3A_201 = tpu.sem_alloc : memref<!tpu.dma_semaphore, #tpu.memory_space<semaphore_mem>>
      %dma_start3A = tpu.memref_slice %arg8[%run_scoped3A_141, %mul3A_140] : memref<16x10240xf32, #tpu.memory_space<vmem_shared>> -> memref<1x640xf32, #tpu.memory_space<vmem_shared>>
      %dma_start3A_202 = tpu.memref_squeeze %dma_start3A : memref<1x640xf32, #tpu.memory_space<vmem_shared>> -> memref<640xf32, #tpu.memory_space<vmem_shared>>
      %dma_start3A_203 = tpu.memref_slice %arg8[%run_scoped3A_141, %mul3A_140] : memref<16x10240xf32, #tpu.memory_space<vmem_shared>> -> memref<1x640xf32, #tpu.memory_space<vmem_shared>>
      %dma_start3A_204 = tpu.memref_squeeze %dma_start3A_203 : memref<1x640xf32, #tpu.memory_space<vmem_shared>> -> memref<640xf32, #tpu.memory_space<vmem_shared>>
      tpu.enqueue_dma source(%dma_start3A_204 : memref<640xf32, #tpu.memory_space<vmem_shared>>) target(%arg7 : memref<640xf32, #tpu.memory_space<vmem>>) target_semaphore(%run_scoped3A_201 : memref<!tpu.dma_semaphore, #tpu.memory_space<semaphore_mem>>)
      %dma_wait3A = tpu.memref_slice %arg8[%run_scoped3A_141, %mul3A_140] : memref<16x10240xf32, #tpu.memory_space<vmem_shared>> -> memref<1x640xf32, #tpu.memory_space<vmem_shared>>
      %dma_wait3A_205 = tpu.memref_squeeze %dma_wait3A : memref<1x640xf32, #tpu.memory_space<vmem_shared>> -> memref<640xf32, #tpu.memory_space<vmem_shared>>
      %dma_wait3A_206 = tpu.memref_slice %arg8[%run_scoped3A_141, %mul3A_140] : memref<16x10240xf32, #tpu.memory_space<vmem_shared>> -> memref<1x640xf32, #tpu.memory_space<vmem_shared>>
      %dma_wait3A_207 = tpu.memref_squeeze %dma_wait3A_206 : memref<1x640xf32, #tpu.memory_space<vmem_shared>> -> memref<640xf32, #tpu.memory_space<vmem_shared>>
      tpu.wait_dma2 semaphore(%run_scoped3A_201 : memref<!tpu.dma_semaphore, #tpu.memory_space<semaphore_mem>>) src(%dma_wait3A_207 : memref<640xf32, #tpu.memory_space<vmem_shared>>) dst(%arg7 : memref<640xf32, #tpu.memory_space<vmem>>)
      tpu.yield
    }) : () -> ()
    %scan3A_142 = arith.constant 0 : i32
    %scan3A_143 = arith.constant 0 : i32
    %scan3A_144 = arith.constant 40 : i32
    %scan3A_145 = arith.addi %scan3A_143, %scan3A_144 : i32
    %scan3A_146 = arith.constant 1 : i32
    %scan3A_147 = scf.for %scan3A_201 = %scan3A_143 to %scan3A_145 step %scan3A_146 iter_args(%scan3A_202 = %scan3A_142) -> (i32)  : i32 {
      %mul3A_203 = arith.constant 16 : i32
      %mul3A_204 = arith.muli %scan3A_201, %mul3A_203 : i32
      %get3A = arith.index_cast %mul3A_204 : i32 to index
      %get3A_205 = tpu.vector_load %arg6[%get3A] {strides = array<i32>} : memref<640xf32, #tpu.memory_space<vmem>>, vector<16xf32>,
      %get3A_206 = arith.index_cast %mul3A_204 : i32 to index
      %get3A_207 = tpu.vector_load %arg7[%get3A_206] {strides = array<i32>} : memref<640xf32, #tpu.memory_space<vmem>>, vector<16xf32>,
      %add3A_208 = arith.addf %get3A_205, %get3A_207 : vector<16xf32>
      %swap3A = arith.index_cast %mul3A_204 : i32 to index
      %swap3A_209 = tpu.vector_load %arg6[%swap3A] {strides = array<i32>} : memref<640xf32, #tpu.memory_space<vmem>>, vector<16xf32>,
      tpu.vector_store %arg6[%swap3A], %add3A_208 {strides = array<i32>} : memref<640xf32, #tpu.memory_space<vmem>>, vector<16xf32>,
      %scan3A_210 = arith.constant 0 : i32
      scf.yield %scan3A_210 : i32
    }
    %scan3A_148 = arith.constant 40 : i32
    %mul3A_149 = arith.constant 640 : i32
    %mul3A_150 = arith.muli %arg1, %mul3A_149 : i32
    %run_scoped3A_151 = arith.constant 11 : i32
    "tpu.region"() ({
      %run_scoped3A_201 = tpu.sem_alloc : memref<!tpu.dma_semaphore, #tpu.memory_space<semaphore_mem>>
      %dma_start3A = tpu.memref_slice %arg8[%run_scoped3A_151, %mul3A_150] : memref<16x10240xf32, #tpu.memory_space<vmem_shared>> -> memref<1x640xf32, #tpu.memory_space<vmem_shared>>
      %dma_start3A_202 = tpu.memref_squeeze %dma_start3A : memref<1x640xf32, #tpu.memory_space<vmem_shared>> -> memref<640xf32, #tpu.memory_space<vmem_shared>>
      %dma_start3A_203 = tpu.memref_slice %arg8[%run_scoped3A_151, %mul3A_150] : memref<16x10240xf32, #tpu.memory_space<vmem_shared>> -> memref<1x640xf32, #tpu.memory_space<vmem_shared>>
      %dma_start3A_204 = tpu.memref_squeeze %dma_start3A_203 : memref<1x640xf32, #tpu.memory_space<vmem_shared>> -> memref<640xf32, #tpu.memory_space<vmem_shared>>
      tpu.enqueue_dma source(%dma_start3A_204 : memref<640xf32, #tpu.memory_space<vmem_shared>>) target(%arg7 : memref<640xf32, #tpu.memory_space<vmem>>) target_semaphore(%run_scoped3A_201 : memref<!tpu.dma_semaphore, #tpu.memory_space<semaphore_mem>>)
      %dma_wait3A = tpu.memref_slice %arg8[%run_scoped3A_151, %mul3A_150] : memref<16x10240xf32, #tpu.memory_space<vmem_shared>> -> memref<1x640xf32, #tpu.memory_space<vmem_shared>>
      %dma_wait3A_205 = tpu.memref_squeeze %dma_wait3A : memref<1x640xf32, #tpu.memory_space<vmem_shared>> -> memref<640xf32, #tpu.memory_space<vmem_shared>>
      %dma_wait3A_206 = tpu.memref_slice %arg8[%run_scoped3A_151, %mul3A_150] : memref<16x10240xf32, #tpu.memory_space<vmem_shared>> -> memref<1x640xf32, #tpu.memory_space<vmem_shared>>
      %dma_wait3A_207 = tpu.memref_squeeze %dma_wait3A_206 : memref<1x640xf32, #tpu.memory_space<vmem_shared>> -> memref<640xf32, #tpu.memory_space<vmem_shared>>
      tpu.wait_dma2 semaphore(%run_scoped3A_201 : memref<!tpu.dma_semaphore, #tpu.memory_space<semaphore_mem>>) src(%dma_wait3A_207 : memref<640xf32, #tpu.memory_space<vmem_shared>>) dst(%arg7 : memref<640xf32, #tpu.memory_space<vmem>>)
      tpu.yield
    }) : () -> ()
    %scan3A_152 = arith.constant 0 : i32
    %scan3A_153 = arith.constant 0 : i32
    %scan3A_154 = arith.constant 40 : i32
    %scan3A_155 = arith.addi %scan3A_153, %scan3A_154 : i32
    %scan3A_156 = arith.constant 1 : i32
    %scan3A_157 = scf.for %scan3A_201 = %scan3A_153 to %scan3A_155 step %scan3A_156 iter_args(%scan3A_202 = %scan3A_152) -> (i32)  : i32 {
      %mul3A_203 = arith.constant 16 : i32
      %mul3A_204 = arith.muli %scan3A_201, %mul3A_203 : i32
      %get3A = arith.index_cast %mul3A_204 : i32 to index
      %get3A_205 = tpu.vector_load %arg6[%get3A] {strides = array<i32>} : memref<640xf32, #tpu.memory_space<vmem>>, vector<16xf32>,
      %get3A_206 = arith.index_cast %mul3A_204 : i32 to index
      %get3A_207 = tpu.vector_load %arg7[%get3A_206] {strides = array<i32>} : memref<640xf32, #tpu.memory_space<vmem>>, vector<16xf32>,
      %add3A_208 = arith.addf %get3A_205, %get3A_207 : vector<16xf32>
      %swap3A = arith.index_cast %mul3A_204 : i32 to index
      %swap3A_209 = tpu.vector_load %arg6[%swap3A] {strides = array<i32>} : memref<640xf32, #tpu.memory_space<vmem>>, vector<16xf32>,
      tpu.vector_store %arg6[%swap3A], %add3A_208 {strides = array<i32>} : memref<640xf32, #tpu.memory_space<vmem>>, vector<16xf32>,
      %scan3A_210 = arith.constant 0 : i32
      scf.yield %scan3A_210 : i32
    }
    %scan3A_158 = arith.constant 40 : i32
    %mul3A_159 = arith.constant 640 : i32
    %mul3A_160 = arith.muli %arg1, %mul3A_159 : i32
    %run_scoped3A_161 = arith.constant 12 : i32
    "tpu.region"() ({
      %run_scoped3A_201 = tpu.sem_alloc : memref<!tpu.dma_semaphore, #tpu.memory_space<semaphore_mem>>
      %dma_start3A = tpu.memref_slice %arg8[%run_scoped3A_161, %mul3A_160] : memref<16x10240xf32, #tpu.memory_space<vmem_shared>> -> memref<1x640xf32, #tpu.memory_space<vmem_shared>>
      %dma_start3A_202 = tpu.memref_squeeze %dma_start3A : memref<1x640xf32, #tpu.memory_space<vmem_shared>> -> memref<640xf32, #tpu.memory_space<vmem_shared>>
      %dma_start3A_203 = tpu.memref_slice %arg8[%run_scoped3A_161, %mul3A_160] : memref<16x10240xf32, #tpu.memory_space<vmem_shared>> -> memref<1x640xf32, #tpu.memory_space<vmem_shared>>
      %dma_start3A_204 = tpu.memref_squeeze %dma_start3A_203 : memref<1x640xf32, #tpu.memory_space<vmem_shared>> -> memref<640xf32, #tpu.memory_space<vmem_shared>>
      tpu.enqueue_dma source(%dma_start3A_204 : memref<640xf32, #tpu.memory_space<vmem_shared>>) target(%arg7 : memref<640xf32, #tpu.memory_space<vmem>>) target_semaphore(%run_scoped3A_201 : memref<!tpu.dma_semaphore, #tpu.memory_space<semaphore_mem>>)
      %dma_wait3A = tpu.memref_slice %arg8[%run_scoped3A_161, %mul3A_160] : memref<16x10240xf32, #tpu.memory_space<vmem_shared>> -> memref<1x640xf32, #tpu.memory_space<vmem_shared>>
      %dma_wait3A_205 = tpu.memref_squeeze %dma_wait3A : memref<1x640xf32, #tpu.memory_space<vmem_shared>> -> memref<640xf32, #tpu.memory_space<vmem_shared>>
      %dma_wait3A_206 = tpu.memref_slice %arg8[%run_scoped3A_161, %mul3A_160] : memref<16x10240xf32, #tpu.memory_space<vmem_shared>> -> memref<1x640xf32, #tpu.memory_space<vmem_shared>>
      %dma_wait3A_207 = tpu.memref_squeeze %dma_wait3A_206 : memref<1x640xf32, #tpu.memory_space<vmem_shared>> -> memref<640xf32, #tpu.memory_space<vmem_shared>>
      tpu.wait_dma2 semaphore(%run_scoped3A_201 : memref<!tpu.dma_semaphore, #tpu.memory_space<semaphore_mem>>) src(%dma_wait3A_207 : memref<640xf32, #tpu.memory_space<vmem_shared>>) dst(%arg7 : memref<640xf32, #tpu.memory_space<vmem>>)
      tpu.yield
    }) : () -> ()
    %scan3A_162 = arith.constant 0 : i32
    %scan3A_163 = arith.constant 0 : i32
    %scan3A_164 = arith.constant 40 : i32
    %scan3A_165 = arith.addi %scan3A_163, %scan3A_164 : i32
    %scan3A_166 = arith.constant 1 : i32
    %scan3A_167 = scf.for %scan3A_201 = %scan3A_163 to %scan3A_165 step %scan3A_166 iter_args(%scan3A_202 = %scan3A_162) -> (i32)  : i32 {
      %mul3A_203 = arith.constant 16 : i32
      %mul3A_204 = arith.muli %scan3A_201, %mul3A_203 : i32
      %get3A = arith.index_cast %mul3A_204 : i32 to index
      %get3A_205 = tpu.vector_load %arg6[%get3A] {strides = array<i32>} : memref<640xf32, #tpu.memory_space<vmem>>, vector<16xf32>,
      %get3A_206 = arith.index_cast %mul3A_204 : i32 to index
      %get3A_207 = tpu.vector_load %arg7[%get3A_206] {strides = array<i32>} : memref<640xf32, #tpu.memory_space<vmem>>, vector<16xf32>,
      %add3A_208 = arith.addf %get3A_205, %get3A_207 : vector<16xf32>
      %swap3A = arith.index_cast %mul3A_204 : i32 to index
      %swap3A_209 = tpu.vector_load %arg6[%swap3A] {strides = array<i32>} : memref<640xf32, #tpu.memory_space<vmem>>, vector<16xf32>,
      tpu.vector_store %arg6[%swap3A], %add3A_208 {strides = array<i32>} : memref<640xf32, #tpu.memory_space<vmem>>, vector<16xf32>,
      %scan3A_210 = arith.constant 0 : i32
      scf.yield %scan3A_210 : i32
    }
    %scan3A_168 = arith.constant 40 : i32
    %mul3A_169 = arith.constant 640 : i32
    %mul3A_170 = arith.muli %arg1, %mul3A_169 : i32
    %run_scoped3A_171 = arith.constant 13 : i32
    "tpu.region"() ({
      %run_scoped3A_201 = tpu.sem_alloc : memref<!tpu.dma_semaphore, #tpu.memory_space<semaphore_mem>>
      %dma_start3A = tpu.memref_slice %arg8[%run_scoped3A_171, %mul3A_170] : memref<16x10240xf32, #tpu.memory_space<vmem_shared>> -> memref<1x640xf32, #tpu.memory_space<vmem_shared>>
      %dma_start3A_202 = tpu.memref_squeeze %dma_start3A : memref<1x640xf32, #tpu.memory_space<vmem_shared>> -> memref<640xf32, #tpu.memory_space<vmem_shared>>
      %dma_start3A_203 = tpu.memref_slice %arg8[%run_scoped3A_171, %mul3A_170] : memref<16x10240xf32, #tpu.memory_space<vmem_shared>> -> memref<1x640xf32, #tpu.memory_space<vmem_shared>>
      %dma_start3A_204 = tpu.memref_squeeze %dma_start3A_203 : memref<1x640xf32, #tpu.memory_space<vmem_shared>> -> memref<640xf32, #tpu.memory_space<vmem_shared>>
      tpu.enqueue_dma source(%dma_start3A_204 : memref<640xf32, #tpu.memory_space<vmem_shared>>) target(%arg7 : memref<640xf32, #tpu.memory_space<vmem>>) target_semaphore(%run_scoped3A_201 : memref<!tpu.dma_semaphore, #tpu.memory_space<semaphore_mem>>)
      %dma_wait3A = tpu.memref_slice %arg8[%run_scoped3A_171, %mul3A_170] : memref<16x10240xf32, #tpu.memory_space<vmem_shared>> -> memref<1x640xf32, #tpu.memory_space<vmem_shared>>
      %dma_wait3A_205 = tpu.memref_squeeze %dma_wait3A : memref<1x640xf32, #tpu.memory_space<vmem_shared>> -> memref<640xf32, #tpu.memory_space<vmem_shared>>
      %dma_wait3A_206 = tpu.memref_slice %arg8[%run_scoped3A_171, %mul3A_170] : memref<16x10240xf32, #tpu.memory_space<vmem_shared>> -> memref<1x640xf32, #tpu.memory_space<vmem_shared>>
      %dma_wait3A_207 = tpu.memref_squeeze %dma_wait3A_206 : memref<1x640xf32, #tpu.memory_space<vmem_shared>> -> memref<640xf32, #tpu.memory_space<vmem_shared>>
      tpu.wait_dma2 semaphore(%run_scoped3A_201 : memref<!tpu.dma_semaphore, #tpu.memory_space<semaphore_mem>>) src(%dma_wait3A_207 : memref<640xf32, #tpu.memory_space<vmem_shared>>) dst(%arg7 : memref<640xf32, #tpu.memory_space<vmem>>)
      tpu.yield
    }) : () -> ()
    %scan3A_172 = arith.constant 0 : i32
    %scan3A_173 = arith.constant 0 : i32
    %scan3A_174 = arith.constant 40 : i32
    %scan3A_175 = arith.addi %scan3A_173, %scan3A_174 : i32
    %scan3A_176 = arith.constant 1 : i32
    %scan3A_177 = scf.for %scan3A_201 = %scan3A_173 to %scan3A_175 step %scan3A_176 iter_args(%scan3A_202 = %scan3A_172) -> (i32)  : i32 {
      %mul3A_203 = arith.constant 16 : i32
      %mul3A_204 = arith.muli %scan3A_201, %mul3A_203 : i32
      %get3A = arith.index_cast %mul3A_204 : i32 to index
      %get3A_205 = tpu.vector_load %arg6[%get3A] {strides = array<i32>} : memref<640xf32, #tpu.memory_space<vmem>>, vector<16xf32>,
      %get3A_206 = arith.index_cast %mul3A_204 : i32 to index
      %get3A_207 = tpu.vector_load %arg7[%get3A_206] {strides = array<i32>} : memref<640xf32, #tpu.memory_space<vmem>>, vector<16xf32>,
      %add3A_208 = arith.addf %get3A_205, %get3A_207 : vector<16xf32>
      %swap3A = arith.index_cast %mul3A_204 : i32 to index
      %swap3A_209 = tpu.vector_load %arg6[%swap3A] {strides = array<i32>} : memref<640xf32, #tpu.memory_space<vmem>>, vector<16xf32>,
      tpu.vector_store %arg6[%swap3A], %add3A_208 {strides = array<i32>} : memref<640xf32, #tpu.memory_space<vmem>>, vector<16xf32>,
      %scan3A_210 = arith.constant 0 : i32
      scf.yield %scan3A_210 : i32
    }
    %scan3A_178 = arith.constant 40 : i32
    %mul3A_179 = arith.constant 640 : i32
    %mul3A_180 = arith.muli %arg1, %mul3A_179 : i32
    %run_scoped3A_181 = arith.constant 14 : i32
    "tpu.region"() ({
      %run_scoped3A_201 = tpu.sem_alloc : memref<!tpu.dma_semaphore, #tpu.memory_space<semaphore_mem>>
      %dma_start3A = tpu.memref_slice %arg8[%run_scoped3A_181, %mul3A_180] : memref<16x10240xf32, #tpu.memory_space<vmem_shared>> -> memref<1x640xf32, #tpu.memory_space<vmem_shared>>
      %dma_start3A_202 = tpu.memref_squeeze %dma_start3A : memref<1x640xf32, #tpu.memory_space<vmem_shared>> -> memref<640xf32, #tpu.memory_space<vmem_shared>>
      %dma_start3A_203 = tpu.memref_slice %arg8[%run_scoped3A_181, %mul3A_180] : memref<16x10240xf32, #tpu.memory_space<vmem_shared>> -> memref<1x640xf32, #tpu.memory_space<vmem_shared>>
      %dma_start3A_204 = tpu.memref_squeeze %dma_start3A_203 : memref<1x640xf32, #tpu.memory_space<vmem_shared>> -> memref<640xf32, #tpu.memory_space<vmem_shared>>
      tpu.enqueue_dma source(%dma_start3A_204 : memref<640xf32, #tpu.memory_space<vmem_shared>>) target(%arg7 : memref<640xf32, #tpu.memory_space<vmem>>) target_semaphore(%run_scoped3A_201 : memref<!tpu.dma_semaphore, #tpu.memory_space<semaphore_mem>>)
      %dma_wait3A = tpu.memref_slice %arg8[%run_scoped3A_181, %mul3A_180] : memref<16x10240xf32, #tpu.memory_space<vmem_shared>> -> memref<1x640xf32, #tpu.memory_space<vmem_shared>>
      %dma_wait3A_205 = tpu.memref_squeeze %dma_wait3A : memref<1x640xf32, #tpu.memory_space<vmem_shared>> -> memref<640xf32, #tpu.memory_space<vmem_shared>>
      %dma_wait3A_206 = tpu.memref_slice %arg8[%run_scoped3A_181, %mul3A_180] : memref<16x10240xf32, #tpu.memory_space<vmem_shared>> -> memref<1x640xf32, #tpu.memory_space<vmem_shared>>
      %dma_wait3A_207 = tpu.memref_squeeze %dma_wait3A_206 : memref<1x640xf32, #tpu.memory_space<vmem_shared>> -> memref<640xf32, #tpu.memory_space<vmem_shared>>
      tpu.wait_dma2 semaphore(%run_scoped3A_201 : memref<!tpu.dma_semaphore, #tpu.memory_space<semaphore_mem>>) src(%dma_wait3A_207 : memref<640xf32, #tpu.memory_space<vmem_shared>>) dst(%arg7 : memref<640xf32, #tpu.memory_space<vmem>>)
      tpu.yield
    }) : () -> ()
    %scan3A_182 = arith.constant 0 : i32
    %scan3A_183 = arith.constant 0 : i32
    %scan3A_184 = arith.constant 40 : i32
    %scan3A_185 = arith.addi %scan3A_183, %scan3A_184 : i32
    %scan3A_186 = arith.constant 1 : i32
    %scan3A_187 = scf.for %scan3A_201 = %scan3A_183 to %scan3A_185 step %scan3A_186 iter_args(%scan3A_202 = %scan3A_182) -> (i32)  : i32 {
      %mul3A_203 = arith.constant 16 : i32
      %mul3A_204 = arith.muli %scan3A_201, %mul3A_203 : i32
      %get3A = arith.index_cast %mul3A_204 : i32 to index
      %get3A_205 = tpu.vector_load %arg6[%get3A] {strides = array<i32>} : memref<640xf32, #tpu.memory_space<vmem>>, vector<16xf32>,
      %get3A_206 = arith.index_cast %mul3A_204 : i32 to index
      %get3A_207 = tpu.vector_load %arg7[%get3A_206] {strides = array<i32>} : memref<640xf32, #tpu.memory_space<vmem>>, vector<16xf32>,
      %add3A_208 = arith.addf %get3A_205, %get3A_207 : vector<16xf32>
      %swap3A = arith.index_cast %mul3A_204 : i32 to index
      %swap3A_209 = tpu.vector_load %arg6[%swap3A] {strides = array<i32>} : memref<640xf32, #tpu.memory_space<vmem>>, vector<16xf32>,
      tpu.vector_store %arg6[%swap3A], %add3A_208 {strides = array<i32>} : memref<640xf32, #tpu.memory_space<vmem>>, vector<16xf32>,
      %scan3A_210 = arith.constant 0 : i32
      scf.yield %scan3A_210 : i32
    }
    %scan3A_188 = arith.constant 40 : i32
    %mul3A_189 = arith.constant 640 : i32
    %mul3A_190 = arith.muli %arg1, %mul3A_189 : i32
    %run_scoped3A_191 = arith.constant 15 : i32
    "tpu.region"() ({
      %run_scoped3A_201 = tpu.sem_alloc : memref<!tpu.dma_semaphore, #tpu.memory_space<semaphore_mem>>
      %dma_start3A = tpu.memref_slice %arg8[%run_scoped3A_191, %mul3A_190] : memref<16x10240xf32, #tpu.memory_space<vmem_shared>> -> memref<1x640xf32, #tpu.memory_space<vmem_shared>>
      %dma_start3A_202 = tpu.memref_squeeze %dma_start3A : memref<1x640xf32, #tpu.memory_space<vmem_shared>> -> memref<640xf32, #tpu.memory_space<vmem_shared>>
      %dma_start3A_203 = tpu.memref_slice %arg8[%run_scoped3A_191, %mul3A_190] : memref<16x10240xf32, #tpu.memory_space<vmem_shared>> -> memref<1x640xf32, #tpu.memory_space<vmem_shared>>
      %dma_start3A_204 = tpu.memref_squeeze %dma_start3A_203 : memref<1x640xf32, #tpu.memory_space<vmem_shared>> -> memref<640xf32, #tpu.memory_space<vmem_shared>>
      tpu.enqueue_dma source(%dma_start3A_204 : memref<640xf32, #tpu.memory_space<vmem_shared>>) target(%arg7 : memref<640xf32, #tpu.memory_space<vmem>>) target_semaphore(%run_scoped3A_201 : memref<!tpu.dma_semaphore, #tpu.memory_space<semaphore_mem>>)
      %dma_wait3A = tpu.memref_slice %arg8[%run_scoped3A_191, %mul3A_190] : memref<16x10240xf32, #tpu.memory_space<vmem_shared>> -> memref<1x640xf32, #tpu.memory_space<vmem_shared>>
      %dma_wait3A_205 = tpu.memref_squeeze %dma_wait3A : memref<1x640xf32, #tpu.memory_space<vmem_shared>> -> memref<640xf32, #tpu.memory_space<vmem_shared>>
      %dma_wait3A_206 = tpu.memref_slice %arg8[%run_scoped3A_191, %mul3A_190] : memref<16x10240xf32, #tpu.memory_space<vmem_shared>> -> memref<1x640xf32, #tpu.memory_space<vmem_shared>>
      %dma_wait3A_207 = tpu.memref_squeeze %dma_wait3A_206 : memref<1x640xf32, #tpu.memory_space<vmem_shared>> -> memref<640xf32, #tpu.memory_space<vmem_shared>>
      tpu.wait_dma2 semaphore(%run_scoped3A_201 : memref<!tpu.dma_semaphore, #tpu.memory_space<semaphore_mem>>) src(%dma_wait3A_207 : memref<640xf32, #tpu.memory_space<vmem_shared>>) dst(%arg7 : memref<640xf32, #tpu.memory_space<vmem>>)
      tpu.yield
    }) : () -> ()
    %scan3A_192 = arith.constant 0 : i32
    %scan3A_193 = arith.constant 0 : i32
    %scan3A_194 = arith.constant 40 : i32
    %scan3A_195 = arith.addi %scan3A_193, %scan3A_194 : i32
    %scan3A_196 = arith.constant 1 : i32
    %scan3A_197 = scf.for %scan3A_201 = %scan3A_193 to %scan3A_195 step %scan3A_196 iter_args(%scan3A_202 = %scan3A_192) -> (i32)  : i32 {
      %mul3A_203 = arith.constant 16 : i32
      %mul3A_204 = arith.muli %scan3A_201, %mul3A_203 : i32
      %get3A = arith.index_cast %mul3A_204 : i32 to index
      %get3A_205 = tpu.vector_load %arg6[%get3A] {strides = array<i32>} : memref<640xf32, #tpu.memory_space<vmem>>, vector<16xf32>,
      %get3A_206 = arith.index_cast %mul3A_204 : i32 to index
      %get3A_207 = tpu.vector_load %arg7[%get3A_206] {strides = array<i32>} : memref<640xf32, #tpu.memory_space<vmem>>, vector<16xf32>,
      %add3A_208 = arith.addf %get3A_205, %get3A_207 : vector<16xf32>
      %swap3A = arith.index_cast %mul3A_204 : i32 to index
      %swap3A_209 = tpu.vector_load %arg6[%swap3A] {strides = array<i32>} : memref<640xf32, #tpu.memory_space<vmem>>, vector<16xf32>,
      tpu.vector_store %arg6[%swap3A], %add3A_208 {strides = array<i32>} : memref<640xf32, #tpu.memory_space<vmem>>, vector<16xf32>,
      %scan3A_210 = arith.constant 0 : i32
      scf.yield %scan3A_210 : i32
    }
    %scan3A_198 = arith.constant 40 : i32
    %mul3A_199 = arith.constant 640 : i32
    %mul3A_200 = arith.muli %arg1, %mul3A_199 : i32
    "tpu.region"() ({
      %run_scoped3A_201 = tpu.sem_alloc : memref<!tpu.dma_semaphore, #tpu.memory_space<semaphore_mem>>
      %dma_start3A = tpu.memref_slice %arg3[%arg0, %mul3A_200] : memref<2x10240xf32, #tpu.memory_space<hbm>> -> memref<1x640xf32, #tpu.memory_space<hbm>>
      %dma_start3A_202 = tpu.memref_squeeze %dma_start3A : memref<1x640xf32, #tpu.memory_space<hbm>> -> memref<640xf32, #tpu.memory_space<hbm>>
      %dma_start3A_203 = tpu.memref_slice %arg3[%arg0, %mul3A_200] : memref<2x10240xf32, #tpu.memory_space<hbm>> -> memref<1x640xf32, #tpu.memory_space<hbm>>
      %dma_start3A_204 = tpu.memref_squeeze %dma_start3A_203 : memref<1x640xf32, #tpu.memory_space<hbm>> -> memref<640xf32, #tpu.memory_space<hbm>>
      tpu.enqueue_dma source(%arg6 : memref<640xf32, #tpu.memory_space<vmem>>) target(%dma_start3A_204 : memref<640xf32, #tpu.memory_space<hbm>>) target_semaphore(%run_scoped3A_201 : memref<!tpu.dma_semaphore, #tpu.memory_space<semaphore_mem>>)
      %dma_wait3A = tpu.memref_slice %arg3[%arg0, %mul3A_200] : memref<2x10240xf32, #tpu.memory_space<hbm>> -> memref<1x640xf32, #tpu.memory_space<hbm>>
      %dma_wait3A_205 = tpu.memref_squeeze %dma_wait3A : memref<1x640xf32, #tpu.memory_space<hbm>> -> memref<640xf32, #tpu.memory_space<hbm>>
      %dma_wait3A_206 = tpu.memref_slice %arg3[%arg0, %mul3A_200] : memref<2x10240xf32, #tpu.memory_space<hbm>> -> memref<1x640xf32, #tpu.memory_space<hbm>>
      %dma_wait3A_207 = tpu.memref_squeeze %dma_wait3A_206 : memref<1x640xf32, #tpu.memory_space<hbm>> -> memref<640xf32, #tpu.memory_space<hbm>>
      tpu.wait_dma2 semaphore(%run_scoped3A_201 : memref<!tpu.dma_semaphore, #tpu.memory_space<semaphore_mem>>) src(%arg6 : memref<640xf32, #tpu.memory_space<vmem>>) dst(%dma_wait3A_207 : memref<640xf32, #tpu.memory_space<hbm>>)
      tpu.yield
    }) : () -> ()
    return
  }
}

#map = affine_map<(d0, d1) -> (0, 0)>
#map1 = affine_map<(d0, d1) -> (0, 0, 0)>
module attributes {stable_mosaic.version = 14 : i64} {
  func.func @_sc_edge_pass(%arg0: i32, %arg1: i32, %arg2: memref<10000x64xf32, #tpu.memory_space<hbm>>, %arg3: memref<2500x2x128xi32, #tpu.memory_space<hbm>>, %arg4: memref<2x10000x64xf32, #tpu.memory_space<hbm>>, %arg5: memref<79x2x128xi32, #tpu.memory_space<vmem>>, %arg6: memref<128x64xf32, #tpu.memory_space<vmem>>, %arg7: memref<128x64xf32, #tpu.memory_space<vmem>>, %arg8: memref<125x64xf32, #tpu.memory_space<vmem>>, %arg9: memref<10000x64xf32, #tpu.memory_space<vmem_shared>>, %arg10: memref<!tpu.dma_semaphore, #tpu.memory_space<semaphore_mem>>, %arg11: memref<!tpu.dma_semaphore, #tpu.memory_space<semaphore_mem>>) attributes {dimension_semantics = [#tpu.dimension_semantics<core_parallel>, #tpu.dimension_semantics<subcore_parallel>], iteration_bounds = array<i64: 2, 16>, scalar_prefetch = 0 : i64, scratch_operands = 7 : i64, tpu.core_type = #tpu.core_type<sc_vector_subcore>, window_params = [{transform_indices = #map}, {transform_indices = #map1}, {transform_indices = #map1}]} {
    %mul3A = arith.constant 16 : i32
    %mul3A_0 = arith.muli %arg0, %mul3A : i32
    %add3A = arith.addi %mul3A_0, %arg1 : i32
    %mul3A_1 = arith.constant 78 : i32
    %mul3A_2 = arith.muli %mul3A_1, %add3A : i32
    %min3A = arith.constant 4 : i32
    %min3A_3 = arith.minsi %add3A, %min3A : i32
    %add3A_4 = arith.addi %mul3A_2, %min3A_3 : i32
    %lt3A = arith.constant 4 : i32
    %lt3A_5 = arith.cmpi slt, %add3A, %lt3A : i32
    %jit3A = arith.constant 79 : i32
    %jit3A_6 = arith.constant 78 : i32
    %select_n3A = arith.select %lt3A_5, %jit3A, %jit3A_6 : i32
    %eq3A = arith.constant 79 : i32
    %eq3A_7 = arith.cmpi eq, %select_n3A, %eq3A : i32
    %convert_element_type3A = arith.extui %eq3A_7 : i1 to i32
    %cond3A = arith.constant 0 : i32
    %cond3A_8 = arith.cmpi ne, %convert_element_type3A, %cond3A : i32
    scf.if %cond3A_8 {
      "tpu.region"() ({
        %run_scoped3A = tpu.sem_alloc : memref<!tpu.dma_semaphore, #tpu.memory_space<semaphore_mem>>
        %dma_start3A_108 = arith.constant 0 : i32
        %dma_start3A_109 = arith.constant 0 : i32
        %dma_start3A_110 = tpu.memref_slice %arg3[%add3A_4, %dma_start3A_108, %dma_start3A_109] : memref<2500x2x128xi32, #tpu.memory_space<hbm>> -> memref<79x2x128xi32, #tpu.memory_space<hbm>>
        %dma_start3A_111 = arith.constant 0 : i32
        %dma_start3A_112 = arith.constant 0 : i32
        %dma_start3A_113 = tpu.memref_slice %arg3[%add3A_4, %dma_start3A_111, %dma_start3A_112] : memref<2500x2x128xi32, #tpu.memory_space<hbm>> -> memref<79x2x128xi32, #tpu.memory_space<hbm>>
        tpu.enqueue_dma source(%dma_start3A_113 : memref<79x2x128xi32, #tpu.memory_space<hbm>>) target(%arg5 : memref<79x2x128xi32, #tpu.memory_space<vmem>>) target_semaphore(%run_scoped3A : memref<!tpu.dma_semaphore, #tpu.memory_space<semaphore_mem>>)
        %dma_wait3A = arith.constant 0 : i32
        %dma_wait3A_114 = arith.constant 0 : i32
        %dma_wait3A_115 = tpu.memref_slice %arg3[%add3A_4, %dma_wait3A, %dma_wait3A_114] : memref<2500x2x128xi32, #tpu.memory_space<hbm>> -> memref<79x2x128xi32, #tpu.memory_space<hbm>>
        %dma_wait3A_116 = arith.constant 0 : i32
        %dma_wait3A_117 = arith.constant 0 : i32
        %dma_wait3A_118 = tpu.memref_slice %arg3[%add3A_4, %dma_wait3A_116, %dma_wait3A_117] : memref<2500x2x128xi32, #tpu.memory_space<hbm>> -> memref<79x2x128xi32, #tpu.memory_space<hbm>>
        tpu.wait_dma2 semaphore(%run_scoped3A : memref<!tpu.dma_semaphore, #tpu.memory_space<semaphore_mem>>) src(%dma_wait3A_118 : memref<79x2x128xi32, #tpu.memory_space<hbm>>) dst(%arg5 : memref<79x2x128xi32, #tpu.memory_space<vmem>>)
        tpu.yield
      }) : () -> ()
    } else {
    }
    %ne3A = arith.constant 79 : i32
    %ne3A_9 = arith.cmpi ne, %select_n3A, %ne3A : i32
    %convert_element_type3A_10 = arith.extui %ne3A_9 : i1 to i32
    %cond3A_11 = arith.constant 0 : i32
    %cond3A_12 = arith.cmpi ne, %convert_element_type3A_10, %cond3A_11 : i32
    scf.if %cond3A_12 {
      "tpu.region"() ({
        %run_scoped3A = tpu.sem_alloc : memref<!tpu.dma_semaphore, #tpu.memory_space<semaphore_mem>>
        %dma_start3A_108 = arith.constant 0 : i32
        %dma_start3A_109 = arith.constant 0 : i32
        %dma_start3A_110 = arith.constant 0 : i32
        %dma_start3A_111 = tpu.memref_slice %arg5[%dma_start3A_108, %dma_start3A_109, %dma_start3A_110] : memref<79x2x128xi32, #tpu.memory_space<vmem>> -> memref<78x2x128xi32, #tpu.memory_space<vmem>>
        %dma_start3A_112 = arith.constant 0 : i32
        %dma_start3A_113 = arith.constant 0 : i32
        %dma_start3A_114 = tpu.memref_slice %arg3[%add3A_4, %dma_start3A_112, %dma_start3A_113] : memref<2500x2x128xi32, #tpu.memory_space<hbm>> -> memref<78x2x128xi32, #tpu.memory_space<hbm>>
        %dma_start3A_115 = arith.constant 0 : i32
        %dma_start3A_116 = arith.constant 0 : i32
        %dma_start3A_117 = arith.constant 0 : i32
        %dma_start3A_118 = tpu.memref_slice %arg5[%dma_start3A_115, %dma_start3A_116, %dma_start3A_117] : memref<79x2x128xi32, #tpu.memory_space<vmem>> -> memref<78x2x128xi32, #tpu.memory_space<vmem>>
        %dma_start3A_119 = arith.constant 0 : i32
        %dma_start3A_120 = arith.constant 0 : i32
        %dma_start3A_121 = tpu.memref_slice %arg3[%add3A_4, %dma_start3A_119, %dma_start3A_120] : memref<2500x2x128xi32, #tpu.memory_space<hbm>> -> memref<78x2x128xi32, #tpu.memory_space<hbm>>
        tpu.enqueue_dma source(%dma_start3A_121 : memref<78x2x128xi32, #tpu.memory_space<hbm>>) target(%dma_start3A_118 : memref<78x2x128xi32, #tpu.memory_space<vmem>>) target_semaphore(%run_scoped3A : memref<!tpu.dma_semaphore, #tpu.memory_space<semaphore_mem>>)
        %dma_wait3A = arith.constant 0 : i32
        %dma_wait3A_122 = arith.constant 0 : i32
        %dma_wait3A_123 = arith.constant 0 : i32
        %dma_wait3A_124 = tpu.memref_slice %arg5[%dma_wait3A, %dma_wait3A_122, %dma_wait3A_123] : memref<79x2x128xi32, #tpu.memory_space<vmem>> -> memref<78x2x128xi32, #tpu.memory_space<vmem>>
        %dma_wait3A_125 = arith.constant 0 : i32
        %dma_wait3A_126 = arith.constant 0 : i32
        %dma_wait3A_127 = tpu.memref_slice %arg3[%add3A_4, %dma_wait3A_125, %dma_wait3A_126] : memref<2500x2x128xi32, #tpu.memory_space<hbm>> -> memref<78x2x128xi32, #tpu.memory_space<hbm>>
        %dma_wait3A_128 = arith.constant 0 : i32
        %dma_wait3A_129 = arith.constant 0 : i32
        %dma_wait3A_130 = arith.constant 0 : i32
        %dma_wait3A_131 = tpu.memref_slice %arg5[%dma_wait3A_128, %dma_wait3A_129, %dma_wait3A_130] : memref<79x2x128xi32, #tpu.memory_space<vmem>> -> memref<78x2x128xi32, #tpu.memory_space<vmem>>
        %dma_wait3A_132 = arith.constant 0 : i32
        %dma_wait3A_133 = arith.constant 0 : i32
        %dma_wait3A_134 = tpu.memref_slice %arg3[%add3A_4, %dma_wait3A_132, %dma_wait3A_133] : memref<2500x2x128xi32, #tpu.memory_space<hbm>> -> memref<78x2x128xi32, #tpu.memory_space<hbm>>
        tpu.wait_dma2 semaphore(%run_scoped3A : memref<!tpu.dma_semaphore, #tpu.memory_space<semaphore_mem>>) src(%dma_wait3A_134 : memref<78x2x128xi32, #tpu.memory_space<hbm>>) dst(%dma_wait3A_131 : memref<78x2x128xi32, #tpu.memory_space<vmem>>)
        tpu.yield
      }) : () -> ()
    } else {
    }
    %scan3A = arith.constant 0 : i32
    %scan3A_13 = arith.constant 0 : i32
    %scan3A_14 = arith.constant 125 : i32
    %scan3A_15 = arith.addi %scan3A_13, %scan3A_14 : i32
    %scan3A_16 = arith.constant 1 : i32
    %scan3A_17 = scf.for %scan3A_108 = %scan3A_13 to %scan3A_15 step %scan3A_16 iter_args(%scan3A_109 = %scan3A) -> (i32)  : i32 {
      %broadcast_in_dim3A = arith.constant 0.000000e+00 : f32
      %broadcast_in_dim3A_110 = vector.broadcast %broadcast_in_dim3A : f32 to vector<16xf32>
      %swap3A = arith.index_cast %scan3A_108 : i32 to index
      %swap3A_111 = arith.constant 0 : index
      %swap3A_112 = tpu.vector_load %arg8[%swap3A, %swap3A_111] {strides = array<i32>} : memref<125x64xf32, #tpu.memory_space<vmem>>, vector<16xf32>,
      tpu.vector_store %arg8[%swap3A, %swap3A_111], %broadcast_in_dim3A_110 {strides = array<i32>} : memref<125x64xf32, #tpu.memory_space<vmem>>, vector<16xf32>,
      %broadcast_in_dim3A_113 = arith.constant 0.000000e+00 : f32
      %broadcast_in_dim3A_114 = vector.broadcast %broadcast_in_dim3A_113 : f32 to vector<16xf32>
      %swap3A_115 = arith.index_cast %scan3A_108 : i32 to index
      %swap3A_116 = arith.constant 16 : index
      %swap3A_117 = tpu.vector_load %arg8[%swap3A_115, %swap3A_116] {strides = array<i32>} : memref<125x64xf32, #tpu.memory_space<vmem>>, vector<16xf32>,
      tpu.vector_store %arg8[%swap3A_115, %swap3A_116], %broadcast_in_dim3A_114 {strides = array<i32>} : memref<125x64xf32, #tpu.memory_space<vmem>>, vector<16xf32>,
      %broadcast_in_dim3A_118 = arith.constant 0.000000e+00 : f32
      %broadcast_in_dim3A_119 = vector.broadcast %broadcast_in_dim3A_118 : f32 to vector<16xf32>
      %swap3A_120 = arith.index_cast %scan3A_108 : i32 to index
      %swap3A_121 = arith.constant 32 : index
      %swap3A_122 = tpu.vector_load %arg8[%swap3A_120, %swap3A_121] {strides = array<i32>} : memref<125x64xf32, #tpu.memory_space<vmem>>, vector<16xf32>,
      tpu.vector_store %arg8[%swap3A_120, %swap3A_121], %broadcast_in_dim3A_119 {strides = array<i32>} : memref<125x64xf32, #tpu.memory_space<vmem>>, vector<16xf32>,
      %broadcast_in_dim3A_123 = arith.constant 0.000000e+00 : f32
      %broadcast_in_dim3A_124 = vector.broadcast %broadcast_in_dim3A_123 : f32 to vector<16xf32>
      %swap3A_125 = arith.index_cast %scan3A_108 : i32 to index
      %swap3A_126 = arith.constant 48 : index
      %swap3A_127 = tpu.vector_load %arg8[%swap3A_125, %swap3A_126] {strides = array<i32>} : memref<125x64xf32, #tpu.memory_space<vmem>>, vector<16xf32>,
      tpu.vector_store %arg8[%swap3A_125, %swap3A_126], %broadcast_in_dim3A_124 {strides = array<i32>} : memref<125x64xf32, #tpu.memory_space<vmem>>, vector<16xf32>,
      %scan3A_128 = arith.constant 0 : i32
      scf.yield %scan3A_128 : i32
    }
    %scan3A_18 = arith.constant 125 : i32
    %mul3A_19 = arith.constant 625 : i32
    %mul3A_20 = arith.muli %arg1, %mul3A_19 : i32
    %add3A_21 = arith.constant 0 : i32
    %add3A_22 = arith.addi %mul3A_20, %add3A_21 : i32
    "tpu.region"() ({
      %run_scoped3A = tpu.sem_alloc : memref<!tpu.dma_semaphore, #tpu.memory_space<semaphore_mem>>
      %dma_start3A_108 = arith.constant 0 : i32
      %dma_start3A_109 = tpu.memref_slice %arg9[%add3A_22, %dma_start3A_108] : memref<10000x64xf32, #tpu.memory_space<vmem_shared>> -> memref<125x64xf32, #tpu.memory_space<vmem_shared>>
      %dma_start3A_110 = arith.constant 0 : i32
      %dma_start3A_111 = tpu.memref_slice %arg9[%add3A_22, %dma_start3A_110] : memref<10000x64xf32, #tpu.memory_space<vmem_shared>> -> memref<125x64xf32, #tpu.memory_space<vmem_shared>>
      tpu.enqueue_dma source(%arg8 : memref<125x64xf32, #tpu.memory_space<vmem>>) target(%dma_start3A_111 : memref<125x64xf32, #tpu.memory_space<vmem_shared>>) target_semaphore(%run_scoped3A : memref<!tpu.dma_semaphore, #tpu.memory_space<semaphore_mem>>)
      %dma_wait3A = arith.constant 0 : i32
      %dma_wait3A_112 = tpu.memref_slice %arg9[%add3A_22, %dma_wait3A] : memref<10000x64xf32, #tpu.memory_space<vmem_shared>> -> memref<125x64xf32, #tpu.memory_space<vmem_shared>>
      %dma_wait3A_113 = arith.constant 0 : i32
      %dma_wait3A_114 = tpu.memref_slice %arg9[%add3A_22, %dma_wait3A_113] : memref<10000x64xf32, #tpu.memory_space<vmem_shared>> -> memref<125x64xf32, #tpu.memory_space<vmem_shared>>
      tpu.wait_dma2 semaphore(%run_scoped3A : memref<!tpu.dma_semaphore, #tpu.memory_space<semaphore_mem>>) src(%arg8 : memref<125x64xf32, #tpu.memory_space<vmem>>) dst(%dma_wait3A_114 : memref<125x64xf32, #tpu.memory_space<vmem_shared>>)
      tpu.yield
    }) : () -> ()
    %mul3A_23 = arith.constant 625 : i32
    %mul3A_24 = arith.muli %arg1, %mul3A_23 : i32
    %add3A_25 = arith.constant 125 : i32
    %add3A_26 = arith.addi %mul3A_24, %add3A_25 : i32
    "tpu.region"() ({
      %run_scoped3A = tpu.sem_alloc : memref<!tpu.dma_semaphore, #tpu.memory_space<semaphore_mem>>
      %dma_start3A_108 = arith.constant 0 : i32
      %dma_start3A_109 = tpu.memref_slice %arg9[%add3A_26, %dma_start3A_108] : memref<10000x64xf32, #tpu.memory_space<vmem_shared>> -> memref<125x64xf32, #tpu.memory_space<vmem_shared>>
      %dma_start3A_110 = arith.constant 0 : i32
      %dma_start3A_111 = tpu.memref_slice %arg9[%add3A_26, %dma_start3A_110] : memref<10000x64xf32, #tpu.memory_space<vmem_shared>> -> memref<125x64xf32, #tpu.memory_space<vmem_shared>>
      tpu.enqueue_dma source(%arg8 : memref<125x64xf32, #tpu.memory_space<vmem>>) target(%dma_start3A_111 : memref<125x64xf32, #tpu.memory_space<vmem_shared>>) target_semaphore(%run_scoped3A : memref<!tpu.dma_semaphore, #tpu.memory_space<semaphore_mem>>)
      %dma_wait3A = arith.constant 0 : i32
      %dma_wait3A_112 = tpu.memref_slice %arg9[%add3A_26, %dma_wait3A] : memref<10000x64xf32, #tpu.memory_space<vmem_shared>> -> memref<125x64xf32, #tpu.memory_space<vmem_shared>>
      %dma_wait3A_113 = arith.constant 0 : i32
      %dma_wait3A_114 = tpu.memref_slice %arg9[%add3A_26, %dma_wait3A_113] : memref<10000x64xf32, #tpu.memory_space<vmem_shared>> -> memref<125x64xf32, #tpu.memory_space<vmem_shared>>
      tpu.wait_dma2 semaphore(%run_scoped3A : memref<!tpu.dma_semaphore, #tpu.memory_space<semaphore_mem>>) src(%arg8 : memref<125x64xf32, #tpu.memory_space<vmem>>) dst(%dma_wait3A_114 : memref<125x64xf32, #tpu.memory_space<vmem_shared>>)
      tpu.yield
    }) : () -> ()
    %mul3A_27 = arith.constant 625 : i32
    %mul3A_28 = arith.muli %arg1, %mul3A_27 : i32
    %add3A_29 = arith.constant 250 : i32
    %add3A_30 = arith.addi %mul3A_28, %add3A_29 : i32
    "tpu.region"() ({
      %run_scoped3A = tpu.sem_alloc : memref<!tpu.dma_semaphore, #tpu.memory_space<semaphore_mem>>
      %dma_start3A_108 = arith.constant 0 : i32
      %dma_start3A_109 = tpu.memref_slice %arg9[%add3A_30, %dma_start3A_108] : memref<10000x64xf32, #tpu.memory_space<vmem_shared>> -> memref<125x64xf32, #tpu.memory_space<vmem_shared>>
      %dma_start3A_110 = arith.constant 0 : i32
      %dma_start3A_111 = tpu.memref_slice %arg9[%add3A_30, %dma_start3A_110] : memref<10000x64xf32, #tpu.memory_space<vmem_shared>> -> memref<125x64xf32, #tpu.memory_space<vmem_shared>>
      tpu.enqueue_dma source(%arg8 : memref<125x64xf32, #tpu.memory_space<vmem>>) target(%dma_start3A_111 : memref<125x64xf32, #tpu.memory_space<vmem_shared>>) target_semaphore(%run_scoped3A : memref<!tpu.dma_semaphore, #tpu.memory_space<semaphore_mem>>)
      %dma_wait3A = arith.constant 0 : i32
      %dma_wait3A_112 = tpu.memref_slice %arg9[%add3A_30, %dma_wait3A] : memref<10000x64xf32, #tpu.memory_space<vmem_shared>> -> memref<125x64xf32, #tpu.memory_space<vmem_shared>>
      %dma_wait3A_113 = arith.constant 0 : i32
      %dma_wait3A_114 = tpu.memref_slice %arg9[%add3A_30, %dma_wait3A_113] : memref<10000x64xf32, #tpu.memory_space<vmem_shared>> -> memref<125x64xf32, #tpu.memory_space<vmem_shared>>
      tpu.wait_dma2 semaphore(%run_scoped3A : memref<!tpu.dma_semaphore, #tpu.memory_space<semaphore_mem>>) src(%arg8 : memref<125x64xf32, #tpu.memory_space<vmem>>) dst(%dma_wait3A_114 : memref<125x64xf32, #tpu.memory_space<vmem_shared>>)
      tpu.yield
    }) : () -> ()
    %mul3A_31 = arith.constant 625 : i32
    %mul3A_32 = arith.muli %arg1, %mul3A_31 : i32
    %add3A_33 = arith.constant 375 : i32
    %add3A_34 = arith.addi %mul3A_32, %add3A_33 : i32
    "tpu.region"() ({
      %run_scoped3A = tpu.sem_alloc : memref<!tpu.dma_semaphore, #tpu.memory_space<semaphore_mem>>
      %dma_start3A_108 = arith.constant 0 : i32
      %dma_start3A_109 = tpu.memref_slice %arg9[%add3A_34, %dma_start3A_108] : memref<10000x64xf32, #tpu.memory_space<vmem_shared>> -> memref<125x64xf32, #tpu.memory_space<vmem_shared>>
      %dma_start3A_110 = arith.constant 0 : i32
      %dma_start3A_111 = tpu.memref_slice %arg9[%add3A_34, %dma_start3A_110] : memref<10000x64xf32, #tpu.memory_space<vmem_shared>> -> memref<125x64xf32, #tpu.memory_space<vmem_shared>>
      tpu.enqueue_dma source(%arg8 : memref<125x64xf32, #tpu.memory_space<vmem>>) target(%dma_start3A_111 : memref<125x64xf32, #tpu.memory_space<vmem_shared>>) target_semaphore(%run_scoped3A : memref<!tpu.dma_semaphore, #tpu.memory_space<semaphore_mem>>)
      %dma_wait3A = arith.constant 0 : i32
      %dma_wait3A_112 = tpu.memref_slice %arg9[%add3A_34, %dma_wait3A] : memref<10000x64xf32, #tpu.memory_space<vmem_shared>> -> memref<125x64xf32, #tpu.memory_space<vmem_shared>>
      %dma_wait3A_113 = arith.constant 0 : i32
      %dma_wait3A_114 = tpu.memref_slice %arg9[%add3A_34, %dma_wait3A_113] : memref<10000x64xf32, #tpu.memory_space<vmem_shared>> -> memref<125x64xf32, #tpu.memory_space<vmem_shared>>
      tpu.wait_dma2 semaphore(%run_scoped3A : memref<!tpu.dma_semaphore, #tpu.memory_space<semaphore_mem>>) src(%arg8 : memref<125x64xf32, #tpu.memory_space<vmem>>) dst(%dma_wait3A_114 : memref<125x64xf32, #tpu.memory_space<vmem_shared>>)
      tpu.yield
    }) : () -> ()
    %mul3A_35 = arith.constant 625 : i32
    %mul3A_36 = arith.muli %arg1, %mul3A_35 : i32
    %add3A_37 = arith.constant 500 : i32
    %add3A_38 = arith.addi %mul3A_36, %add3A_37 : i32
    "tpu.region"() ({
      %run_scoped3A = tpu.sem_alloc : memref<!tpu.dma_semaphore, #tpu.memory_space<semaphore_mem>>
      %dma_start3A_108 = arith.constant 0 : i32
      %dma_start3A_109 = tpu.memref_slice %arg9[%add3A_38, %dma_start3A_108] : memref<10000x64xf32, #tpu.memory_space<vmem_shared>> -> memref<125x64xf32, #tpu.memory_space<vmem_shared>>
      %dma_start3A_110 = arith.constant 0 : i32
      %dma_start3A_111 = tpu.memref_slice %arg9[%add3A_38, %dma_start3A_110] : memref<10000x64xf32, #tpu.memory_space<vmem_shared>> -> memref<125x64xf32, #tpu.memory_space<vmem_shared>>
      tpu.enqueue_dma source(%arg8 : memref<125x64xf32, #tpu.memory_space<vmem>>) target(%dma_start3A_111 : memref<125x64xf32, #tpu.memory_space<vmem_shared>>) target_semaphore(%run_scoped3A : memref<!tpu.dma_semaphore, #tpu.memory_space<semaphore_mem>>)
      %dma_wait3A = arith.constant 0 : i32
      %dma_wait3A_112 = tpu.memref_slice %arg9[%add3A_38, %dma_wait3A] : memref<10000x64xf32, #tpu.memory_space<vmem_shared>> -> memref<125x64xf32, #tpu.memory_space<vmem_shared>>
      %dma_wait3A_113 = arith.constant 0 : i32
      %dma_wait3A_114 = tpu.memref_slice %arg9[%add3A_38, %dma_wait3A_113] : memref<10000x64xf32, #tpu.memory_space<vmem_shared>> -> memref<125x64xf32, #tpu.memory_space<vmem_shared>>
      tpu.wait_dma2 semaphore(%run_scoped3A : memref<!tpu.dma_semaphore, #tpu.memory_space<semaphore_mem>>) src(%arg8 : memref<125x64xf32, #tpu.memory_space<vmem>>) dst(%dma_wait3A_114 : memref<125x64xf32, #tpu.memory_space<vmem_shared>>)
      tpu.yield
    }) : () -> ()
    %barrier3A = arith.constant 0 : index
    tpu.barrier barrier_id(%barrier3A)
    %dma_start3A = arith.constant 0 : i32
    %dma_start3A_39 = arith.constant 0 : i32
    %dma_start3A_40 = arith.constant 0 : i32
    %dma_start3A_41 = tpu.memref_slice %arg5[%dma_start3A, %dma_start3A_39, %dma_start3A_40] : memref<79x2x128xi32, #tpu.memory_space<vmem>> -> memref<1x1x128xi32, #tpu.memory_space<vmem>>
    %dma_start3A_42 = tpu.memref_squeeze %dma_start3A_41 : memref<1x1x128xi32, #tpu.memory_space<vmem>> -> memref<128xi32, #tpu.memory_space<vmem>>
    %dma_start3A_43 = arith.constant 0 : i32
    %dma_start3A_44 = arith.constant 0 : i32
    %dma_start3A_45 = tpu.memref_slice %arg2[%dma_start3A_43, %dma_start3A_44] : memref<10000x64xf32, #tpu.memory_space<hbm>> -> memref<10000x64xf32, #tpu.memory_space<hbm>>
    tpu.enqueue_indirect_dma source(%dma_start3A_45 : memref<10000x64xf32, #tpu.memory_space<hbm>>) target(%arg6 : memref<128x64xf32, #tpu.memory_space<vmem>>) offsets(%dma_start3A_42 : memref<128xi32, #tpu.memory_space<vmem>>) semaphore(%arg10 : memref<!tpu.dma_semaphore, #tpu.memory_space<semaphore_mem>>)
    %dma_start3A_46 = arith.constant 1 : i32
    %dma_start3A_47 = arith.constant 0 : i32
    %dma_start3A_48 = arith.constant 0 : i32
    %dma_start3A_49 = tpu.memref_slice %arg5[%dma_start3A_46, %dma_start3A_47, %dma_start3A_48] : memref<79x2x128xi32, #tpu.memory_space<vmem>> -> memref<1x1x128xi32, #tpu.memory_space<vmem>>
    %dma_start3A_50 = tpu.memref_squeeze %dma_start3A_49 : memref<1x1x128xi32, #tpu.memory_space<vmem>> -> memref<128xi32, #tpu.memory_space<vmem>>
    %dma_start3A_51 = arith.constant 0 : i32
    %dma_start3A_52 = arith.constant 0 : i32
    %dma_start3A_53 = tpu.memref_slice %arg2[%dma_start3A_51, %dma_start3A_52] : memref<10000x64xf32, #tpu.memory_space<hbm>> -> memref<10000x64xf32, #tpu.memory_space<hbm>>
    tpu.enqueue_indirect_dma source(%dma_start3A_53 : memref<10000x64xf32, #tpu.memory_space<hbm>>) target(%arg7 : memref<128x64xf32, #tpu.memory_space<vmem>>) offsets(%dma_start3A_50 : memref<128xi32, #tpu.memory_space<vmem>>) semaphore(%arg11 : memref<!tpu.dma_semaphore, #tpu.memory_space<semaphore_mem>>)
    %jit3A_54 = arith.constant 2 : i32
    %div3A = arith.divsi %select_n3A, %jit3A_54 : i32
    %sign3A = arith.constant 0 : i32
    %sign3A_55 = arith.cmpi sgt, %select_n3A, %sign3A : i32
    %sign3A_56 = arith.extui %sign3A_55 : i1 to i32
    %sign3A_57 = arith.constant 0 : i32
    %sign3A_58 = arith.cmpi slt, %select_n3A, %sign3A_57 : i32
    %sign3A_59 = arith.extui %sign3A_58 : i1 to i32
    %sign3A_60 = arith.subi %sign3A_56, %sign3A_59 : i32
    %sign3A_61 = arith.constant 0 : i32
    %sign3A_62 = arith.cmpi sgt, %jit3A_54, %sign3A_61 : i32
    %sign3A_63 = arith.extui %sign3A_62 : i1 to i32
    %sign3A_64 = arith.constant 0 : i32
    %sign3A_65 = arith.cmpi slt, %jit3A_54, %sign3A_64 : i32
    %sign3A_66 = arith.extui %sign3A_65 : i1 to i32
    %sign3A_67 = arith.subi %sign3A_63, %sign3A_66 : i32
    %ne3A_68 = arith.cmpi ne, %sign3A_60, %sign3A_67 : i32
    %rem3A = arith.remsi %select_n3A, %jit3A_54 : i32
    %ne3A_69 = arith.constant 0 : i32
    %ne3A_70 = arith.cmpi ne, %rem3A, %ne3A_69 : i32
    %and3A = arith.andi %ne3A_68, %ne3A_70 : i1
    %sub3A = arith.constant 1 : i32
    %sub3A_71 = arith.subi %div3A, %sub3A : i32
    %select_n3A_72 = arith.select %and3A, %sub3A_71, %div3A : i32
    %while3A = arith.constant 0 : i32
    %while3A_73 = arith.constant 0 : i32
    %while3A_74 = arith.subi %select_n3A_72, %while3A : i32
    %while3A_75 = arith.addi %while3A, %while3A_74 : i32
    %while3A_76 = arith.constant 1 : i32
    %while3A_77 = arith.divsi %while3A_74, %while3A_76 : i32
    %while3A_78 = arith.muli %while3A_77, %while3A_76 : i32
    %while3A_79 = arith.addi %while3A, %while3A_78 : i32
    %while3A_80 = arith.constant 1 : i32
    %while3A_81 = scf.for %while3A_108 = %while3A to %while3A_79 step %while3A_80 iter_args(%while3A_109 = %while3A_73) -> (i32)  : i32 {
      %mul3A_110 = arith.constant 2 : i32
      %mul3A_111 = arith.muli %mul3A_110, %while3A_108 : i32
      %add3A_112 = arith.constant 1 : i32
      %add3A_113 = arith.addi %mul3A_111, %add3A_112 : i32
      %dma_wait3A = arith.constant 0 : i32
      %dma_wait3A_114 = arith.constant 0 : i32
      %dma_wait3A_115 = tpu.memref_slice %arg5[%mul3A_111, %dma_wait3A, %dma_wait3A_114] : memref<79x2x128xi32, #tpu.memory_space<vmem>> -> memref<1x1x128xi32, #tpu.memory_space<vmem>>
      %dma_wait3A_116 = tpu.memref_squeeze %dma_wait3A_115 : memref<1x1x128xi32, #tpu.memory_space<vmem>> -> memref<128xi32, #tpu.memory_space<vmem>>
      %dma_wait3A_117 = arith.constant 0 : i32
      %dma_wait3A_118 = arith.constant 0 : i32
      %dma_wait3A_119 = tpu.memref_slice %arg2[%dma_wait3A_117, %dma_wait3A_118] : memref<10000x64xf32, #tpu.memory_space<hbm>> -> memref<10000x64xf32, #tpu.memory_space<hbm>>
      tpu.wait_indirect_dma semaphore(%arg10 : memref<!tpu.dma_semaphore, #tpu.memory_space<semaphore_mem>>) src(%dma_wait3A_119 : memref<10000x64xf32, #tpu.memory_space<hbm>>) dst(%arg6 : memref<128x64xf32, #tpu.memory_space<vmem>>)
      %run_scoped3A = arith.constant 1 : i32
      "tpu.region"() ({
        %run_scoped3A_141 = tpu.sem_alloc : memref<!tpu.dma_semaphore, #tpu.memory_space<semaphore_mem>>
        %dma_start3A_142 = arith.constant 0 : i32
        %dma_start3A_143 = tpu.memref_slice %arg5[%mul3A_111, %run_scoped3A, %dma_start3A_142] : memref<79x2x128xi32, #tpu.memory_space<vmem>> -> memref<1x1x128xi32, #tpu.memory_space<vmem>>
        %dma_start3A_144 = tpu.memref_squeeze %dma_start3A_143 : memref<1x1x128xi32, #tpu.memory_space<vmem>> -> memref<128xi32, #tpu.memory_space<vmem>>
        %dma_start3A_145 = arith.constant 0 : i32
        %dma_start3A_146 = arith.constant 0 : i32
        %dma_start3A_147 = tpu.memref_slice %arg9[%dma_start3A_145, %dma_start3A_146] : memref<10000x64xf32, #tpu.memory_space<vmem_shared>> -> memref<10000x64xf32, #tpu.memory_space<vmem_shared>>
        tpu.enqueue_indirect_dma source(%arg6 : memref<128x64xf32, #tpu.memory_space<vmem>>) target(%dma_start3A_147 : memref<10000x64xf32, #tpu.memory_space<vmem_shared>>) offsets(%dma_start3A_144 : memref<128xi32, #tpu.memory_space<vmem>>) semaphore(%run_scoped3A_141 : memref<!tpu.dma_semaphore, #tpu.memory_space<semaphore_mem>>) {add = true}
        %dma_wait3A_148 = arith.constant 0 : i32
        %dma_wait3A_149 = tpu.memref_slice %arg5[%mul3A_111, %run_scoped3A, %dma_wait3A_148] : memref<79x2x128xi32, #tpu.memory_space<vmem>> -> memref<1x1x128xi32, #tpu.memory_space<vmem>>
        %dma_wait3A_150 = tpu.memref_squeeze %dma_wait3A_149 : memref<1x1x128xi32, #tpu.memory_space<vmem>> -> memref<128xi32, #tpu.memory_space<vmem>>
        %dma_wait3A_151 = arith.constant 0 : i32
        %dma_wait3A_152 = arith.constant 0 : i32
        %dma_wait3A_153 = tpu.memref_slice %arg9[%dma_wait3A_151, %dma_wait3A_152] : memref<10000x64xf32, #tpu.memory_space<vmem_shared>> -> memref<10000x64xf32, #tpu.memory_space<vmem_shared>>
        tpu.wait_indirect_dma semaphore(%run_scoped3A_141 : memref<!tpu.dma_semaphore, #tpu.memory_space<semaphore_mem>>) src(%arg6 : memref<128x64xf32, #tpu.memory_space<vmem>>) dst(%dma_wait3A_153 : memref<10000x64xf32, #tpu.memory_space<vmem_shared>>)
        tpu.yield
      }) : () -> ()
      %add3A_120 = arith.constant 2 : i32
      %add3A_121 = arith.addi %mul3A_111, %add3A_120 : i32
      %lt3A_122 = arith.cmpi slt, %add3A_121, %select_n3A : i32
      %convert_element_type3A_123 = arith.extui %lt3A_122 : i1 to i32
      %cond3A_124 = arith.constant 0 : i32
      %cond3A_125 = arith.cmpi ne, %convert_element_type3A_123, %cond3A_124 : i32
      scf.if %cond3A_125 {
        %add3A_141 = arith.constant 2 : i32
        %add3A_142 = arith.addi %mul3A_111, %add3A_141 : i32
        %dma_start3A_143 = arith.constant 0 : i32
        %dma_start3A_144 = arith.constant 0 : i32
        %dma_start3A_145 = tpu.memref_slice %arg5[%add3A_142, %dma_start3A_143, %dma_start3A_144] : memref<79x2x128xi32, #tpu.memory_space<vmem>> -> memref<1x1x128xi32, #tpu.memory_space<vmem>>
        %dma_start3A_146 = tpu.memref_squeeze %dma_start3A_145 : memref<1x1x128xi32, #tpu.memory_space<vmem>> -> memref<128xi32, #tpu.memory_space<vmem>>
        %dma_start3A_147 = arith.constant 0 : i32
        %dma_start3A_148 = arith.constant 0 : i32
        %dma_start3A_149 = tpu.memref_slice %arg2[%dma_start3A_147, %dma_start3A_148] : memref<10000x64xf32, #tpu.memory_space<hbm>> -> memref<10000x64xf32, #tpu.memory_space<hbm>>
        tpu.enqueue_indirect_dma source(%dma_start3A_149 : memref<10000x64xf32, #tpu.memory_space<hbm>>) target(%arg6 : memref<128x64xf32, #tpu.memory_space<vmem>>) offsets(%dma_start3A_146 : memref<128xi32, #tpu.memory_space<vmem>>) semaphore(%arg10 : memref<!tpu.dma_semaphore, #tpu.memory_space<semaphore_mem>>)
      } else {
      }
      %dma_wait3A_126 = arith.constant 0 : i32
      %dma_wait3A_127 = arith.constant 0 : i32
      %dma_wait3A_128 = tpu.memref_slice %arg5[%add3A_113, %dma_wait3A_126, %dma_wait3A_127] : memref<79x2x128xi32, #tpu.memory_space<vmem>> -> memref<1x1x128xi32, #tpu.memory_space<vmem>>
      %dma_wait3A_129 = tpu.memref_squeeze %dma_wait3A_128 : memref<1x1x128xi32, #tpu.memory_space<vmem>> -> memref<128xi32, #tpu.memory_space<vmem>>
      %dma_wait3A_130 = arith.constant 0 : i32
      %dma_wait3A_131 = arith.constant 0 : i32
      %dma_wait3A_132 = tpu.memref_slice %arg2[%dma_wait3A_130, %dma_wait3A_131] : memref<10000x64xf32, #tpu.memory_space<hbm>> -> memref<10000x64xf32, #tpu.memory_space<hbm>>
      tpu.wait_indirect_dma semaphore(%arg11 : memref<!tpu.dma_semaphore, #tpu.memory_space<semaphore_mem>>) src(%dma_wait3A_132 : memref<10000x64xf32, #tpu.memory_space<hbm>>) dst(%arg7 : memref<128x64xf32, #tpu.memory_space<vmem>>)
      %run_scoped3A_133 = arith.constant 1 : i32
      "tpu.region"() ({
        %run_scoped3A_141 = tpu.sem_alloc : memref<!tpu.dma_semaphore, #tpu.memory_space<semaphore_mem>>
        %dma_start3A_142 = arith.constant 0 : i32
        %dma_start3A_143 = tpu.memref_slice %arg5[%add3A_113, %run_scoped3A_133, %dma_start3A_142] : memref<79x2x128xi32, #tpu.memory_space<vmem>> -> memref<1x1x128xi32, #tpu.memory_space<vmem>>
        %dma_start3A_144 = tpu.memref_squeeze %dma_start3A_143 : memref<1x1x128xi32, #tpu.memory_space<vmem>> -> memref<128xi32, #tpu.memory_space<vmem>>
        %dma_start3A_145 = arith.constant 0 : i32
        %dma_start3A_146 = arith.constant 0 : i32
        %dma_start3A_147 = tpu.memref_slice %arg9[%dma_start3A_145, %dma_start3A_146] : memref<10000x64xf32, #tpu.memory_space<vmem_shared>> -> memref<10000x64xf32, #tpu.memory_space<vmem_shared>>
        tpu.enqueue_indirect_dma source(%arg7 : memref<128x64xf32, #tpu.memory_space<vmem>>) target(%dma_start3A_147 : memref<10000x64xf32, #tpu.memory_space<vmem_shared>>) offsets(%dma_start3A_144 : memref<128xi32, #tpu.memory_space<vmem>>) semaphore(%run_scoped3A_141 : memref<!tpu.dma_semaphore, #tpu.memory_space<semaphore_mem>>) {add = true}
        %dma_wait3A_148 = arith.constant 0 : i32
        %dma_wait3A_149 = tpu.memref_slice %arg5[%add3A_113, %run_scoped3A_133, %dma_wait3A_148] : memref<79x2x128xi32, #tpu.memory_space<vmem>> -> memref<1x1x128xi32, #tpu.memory_space<vmem>>
        %dma_wait3A_150 = tpu.memref_squeeze %dma_wait3A_149 : memref<1x1x128xi32, #tpu.memory_space<vmem>> -> memref<128xi32, #tpu.memory_space<vmem>>
        %dma_wait3A_151 = arith.constant 0 : i32
        %dma_wait3A_152 = arith.constant 0 : i32
        %dma_wait3A_153 = tpu.memref_slice %arg9[%dma_wait3A_151, %dma_wait3A_152] : memref<10000x64xf32, #tpu.memory_space<vmem_shared>> -> memref<10000x64xf32, #tpu.memory_space<vmem_shared>>
        tpu.wait_indirect_dma semaphore(%run_scoped3A_141 : memref<!tpu.dma_semaphore, #tpu.memory_space<semaphore_mem>>) src(%arg7 : memref<128x64xf32, #tpu.memory_space<vmem>>) dst(%dma_wait3A_153 : memref<10000x64xf32, #tpu.memory_space<vmem_shared>>)
        tpu.yield
      }) : () -> ()
      %add3A_134 = arith.constant 2 : i32
      %add3A_135 = arith.addi %add3A_113, %add3A_134 : i32
      %lt3A_136 = arith.cmpi slt, %add3A_135, %select_n3A : i32
      %convert_element_type3A_137 = arith.extui %lt3A_136 : i1 to i32
      %cond3A_138 = arith.constant 0 : i32
      %cond3A_139 = arith.cmpi ne, %convert_element_type3A_137, %cond3A_138 : i32
      scf.if %cond3A_139 {
        %add3A_141 = arith.constant 2 : i32
        %add3A_142 = arith.addi %add3A_113, %add3A_141 : i32
        %dma_start3A_143 = arith.constant 0 : i32
        %dma_start3A_144 = arith.constant 0 : i32
        %dma_start3A_145 = tpu.memref_slice %arg5[%add3A_142, %dma_start3A_143, %dma_start3A_144] : memref<79x2x128xi32, #tpu.memory_space<vmem>> -> memref<1x1x128xi32, #tpu.memory_space<vmem>>
        %dma_start3A_146 = tpu.memref_squeeze %dma_start3A_145 : memref<1x1x128xi32, #tpu.memory_space<vmem>> -> memref<128xi32, #tpu.memory_space<vmem>>
        %dma_start3A_147 = arith.constant 0 : i32
        %dma_start3A_148 = arith.constant 0 : i32
        %dma_start3A_149 = tpu.memref_slice %arg2[%dma_start3A_147, %dma_start3A_148] : memref<10000x64xf32, #tpu.memory_space<hbm>> -> memref<10000x64xf32, #tpu.memory_space<hbm>>
        tpu.enqueue_indirect_dma source(%dma_start3A_149 : memref<10000x64xf32, #tpu.memory_space<hbm>>) target(%arg7 : memref<128x64xf32, #tpu.memory_space<vmem>>) offsets(%dma_start3A_146 : memref<128xi32, #tpu.memory_space<vmem>>) semaphore(%arg11 : memref<!tpu.dma_semaphore, #tpu.memory_space<semaphore_mem>>)
      } else {
      }
      %while3A_140 = arith.constant 0 : i32
      scf.yield %while3A_140 : i32
    }
    %while3A_82 = arith.constant 1 : i32
    %while3A_83 = scf.for %while3A_108 = %while3A_79 to %while3A_75 step %while3A_82 iter_args(%while3A_109 = %while3A_81) -> (i32)  : i32 {
      %mul3A_110 = arith.constant 2 : i32
      %mul3A_111 = arith.muli %mul3A_110, %while3A_108 : i32
      %add3A_112 = arith.constant 1 : i32
      %add3A_113 = arith.addi %mul3A_111, %add3A_112 : i32
      %dma_wait3A = arith.constant 0 : i32
      %dma_wait3A_114 = arith.constant 0 : i32
      %dma_wait3A_115 = tpu.memref_slice %arg5[%mul3A_111, %dma_wait3A, %dma_wait3A_114] : memref<79x2x128xi32, #tpu.memory_space<vmem>> -> memref<1x1x128xi32, #tpu.memory_space<vmem>>
      %dma_wait3A_116 = tpu.memref_squeeze %dma_wait3A_115 : memref<1x1x128xi32, #tpu.memory_space<vmem>> -> memref<128xi32, #tpu.memory_space<vmem>>
      %dma_wait3A_117 = arith.constant 0 : i32
      %dma_wait3A_118 = arith.constant 0 : i32
      %dma_wait3A_119 = tpu.memref_slice %arg2[%dma_wait3A_117, %dma_wait3A_118] : memref<10000x64xf32, #tpu.memory_space<hbm>> -> memref<10000x64xf32, #tpu.memory_space<hbm>>
      tpu.wait_indirect_dma semaphore(%arg10 : memref<!tpu.dma_semaphore, #tpu.memory_space<semaphore_mem>>) src(%dma_wait3A_119 : memref<10000x64xf32, #tpu.memory_space<hbm>>) dst(%arg6 : memref<128x64xf32, #tpu.memory_space<vmem>>)
      %run_scoped3A = arith.constant 1 : i32
      "tpu.region"() ({
        %run_scoped3A_141 = tpu.sem_alloc : memref<!tpu.dma_semaphore, #tpu.memory_space<semaphore_mem>>
        %dma_start3A_142 = arith.constant 0 : i32
        %dma_start3A_143 = tpu.memref_slice %arg5[%mul3A_111, %run_scoped3A, %dma_start3A_142] : memref<79x2x128xi32, #tpu.memory_space<vmem>> -> memref<1x1x128xi32, #tpu.memory_space<vmem>>
        %dma_start3A_144 = tpu.memref_squeeze %dma_start3A_143 : memref<1x1x128xi32, #tpu.memory_space<vmem>> -> memref<128xi32, #tpu.memory_space<vmem>>
        %dma_start3A_145 = arith.constant 0 : i32
        %dma_start3A_146 = arith.constant 0 : i32
        %dma_start3A_147 = tpu.memref_slice %arg9[%dma_start3A_145, %dma_start3A_146] : memref<10000x64xf32, #tpu.memory_space<vmem_shared>> -> memref<10000x64xf32, #tpu.memory_space<vmem_shared>>
        tpu.enqueue_indirect_dma source(%arg6 : memref<128x64xf32, #tpu.memory_space<vmem>>) target(%dma_start3A_147 : memref<10000x64xf32, #tpu.memory_space<vmem_shared>>) offsets(%dma_start3A_144 : memref<128xi32, #tpu.memory_space<vmem>>) semaphore(%run_scoped3A_141 : memref<!tpu.dma_semaphore, #tpu.memory_space<semaphore_mem>>) {add = true}
        %dma_wait3A_148 = arith.constant 0 : i32
        %dma_wait3A_149 = tpu.memref_slice %arg5[%mul3A_111, %run_scoped3A, %dma_wait3A_148] : memref<79x2x128xi32, #tpu.memory_space<vmem>> -> memref<1x1x128xi32, #tpu.memory_space<vmem>>
        %dma_wait3A_150 = tpu.memref_squeeze %dma_wait3A_149 : memref<1x1x128xi32, #tpu.memory_space<vmem>> -> memref<128xi32, #tpu.memory_space<vmem>>
        %dma_wait3A_151 = arith.constant 0 : i32
        %dma_wait3A_152 = arith.constant 0 : i32
        %dma_wait3A_153 = tpu.memref_slice %arg9[%dma_wait3A_151, %dma_wait3A_152] : memref<10000x64xf32, #tpu.memory_space<vmem_shared>> -> memref<10000x64xf32, #tpu.memory_space<vmem_shared>>
        tpu.wait_indirect_dma semaphore(%run_scoped3A_141 : memref<!tpu.dma_semaphore, #tpu.memory_space<semaphore_mem>>) src(%arg6 : memref<128x64xf32, #tpu.memory_space<vmem>>) dst(%dma_wait3A_153 : memref<10000x64xf32, #tpu.memory_space<vmem_shared>>)
        tpu.yield
      }) : () -> ()
      %add3A_120 = arith.constant 2 : i32
      %add3A_121 = arith.addi %mul3A_111, %add3A_120 : i32
      %lt3A_122 = arith.cmpi slt, %add3A_121, %select_n3A : i32
      %convert_element_type3A_123 = arith.extui %lt3A_122 : i1 to i32
      %cond3A_124 = arith.constant 0 : i32
      %cond3A_125 = arith.cmpi ne, %convert_element_type3A_123, %cond3A_124 : i32
      scf.if %cond3A_125 {
        %add3A_141 = arith.constant 2 : i32
        %add3A_142 = arith.addi %mul3A_111, %add3A_141 : i32
        %dma_start3A_143 = arith.constant 0 : i32
        %dma_start3A_144 = arith.constant 0 : i32
        %dma_start3A_145 = tpu.memref_slice %arg5[%add3A_142, %dma_start3A_143, %dma_start3A_144] : memref<79x2x128xi32, #tpu.memory_space<vmem>> -> memref<1x1x128xi32, #tpu.memory_space<vmem>>
        %dma_start3A_146 = tpu.memref_squeeze %dma_start3A_145 : memref<1x1x128xi32, #tpu.memory_space<vmem>> -> memref<128xi32, #tpu.memory_space<vmem>>
        %dma_start3A_147 = arith.constant 0 : i32
        %dma_start3A_148 = arith.constant 0 : i32
        %dma_start3A_149 = tpu.memref_slice %arg2[%dma_start3A_147, %dma_start3A_148] : memref<10000x64xf32, #tpu.memory_space<hbm>> -> memref<10000x64xf32, #tpu.memory_space<hbm>>
        tpu.enqueue_indirect_dma source(%dma_start3A_149 : memref<10000x64xf32, #tpu.memory_space<hbm>>) target(%arg6 : memref<128x64xf32, #tpu.memory_space<vmem>>) offsets(%dma_start3A_146 : memref<128xi32, #tpu.memory_space<vmem>>) semaphore(%arg10 : memref<!tpu.dma_semaphore, #tpu.memory_space<semaphore_mem>>)
      } else {
      }
      %dma_wait3A_126 = arith.constant 0 : i32
      %dma_wait3A_127 = arith.constant 0 : i32
      %dma_wait3A_128 = tpu.memref_slice %arg5[%add3A_113, %dma_wait3A_126, %dma_wait3A_127] : memref<79x2x128xi32, #tpu.memory_space<vmem>> -> memref<1x1x128xi32, #tpu.memory_space<vmem>>
      %dma_wait3A_129 = tpu.memref_squeeze %dma_wait3A_128 : memref<1x1x128xi32, #tpu.memory_space<vmem>> -> memref<128xi32, #tpu.memory_space<vmem>>
      %dma_wait3A_130 = arith.constant 0 : i32
      %dma_wait3A_131 = arith.constant 0 : i32
      %dma_wait3A_132 = tpu.memref_slice %arg2[%dma_wait3A_130, %dma_wait3A_131] : memref<10000x64xf32, #tpu.memory_space<hbm>> -> memref<10000x64xf32, #tpu.memory_space<hbm>>
      tpu.wait_indirect_dma semaphore(%arg11 : memref<!tpu.dma_semaphore, #tpu.memory_space<semaphore_mem>>) src(%dma_wait3A_132 : memref<10000x64xf32, #tpu.memory_space<hbm>>) dst(%arg7 : memref<128x64xf32, #tpu.memory_space<vmem>>)
      %run_scoped3A_133 = arith.constant 1 : i32
      "tpu.region"() ({
        %run_scoped3A_141 = tpu.sem_alloc : memref<!tpu.dma_semaphore, #tpu.memory_space<semaphore_mem>>
        %dma_start3A_142 = arith.constant 0 : i32
        %dma_start3A_143 = tpu.memref_slice %arg5[%add3A_113, %run_scoped3A_133, %dma_start3A_142] : memref<79x2x128xi32, #tpu.memory_space<vmem>> -> memref<1x1x128xi32, #tpu.memory_space<vmem>>
        %dma_start3A_144 = tpu.memref_squeeze %dma_start3A_143 : memref<1x1x128xi32, #tpu.memory_space<vmem>> -> memref<128xi32, #tpu.memory_space<vmem>>
        %dma_start3A_145 = arith.constant 0 : i32
        %dma_start3A_146 = arith.constant 0 : i32
        %dma_start3A_147 = tpu.memref_slice %arg9[%dma_start3A_145, %dma_start3A_146] : memref<10000x64xf32, #tpu.memory_space<vmem_shared>> -> memref<10000x64xf32, #tpu.memory_space<vmem_shared>>
        tpu.enqueue_indirect_dma source(%arg7 : memref<128x64xf32, #tpu.memory_space<vmem>>) target(%dma_start3A_147 : memref<10000x64xf32, #tpu.memory_space<vmem_shared>>) offsets(%dma_start3A_144 : memref<128xi32, #tpu.memory_space<vmem>>) semaphore(%run_scoped3A_141 : memref<!tpu.dma_semaphore, #tpu.memory_space<semaphore_mem>>) {add = true}
        %dma_wait3A_148 = arith.constant 0 : i32
        %dma_wait3A_149 = tpu.memref_slice %arg5[%add3A_113, %run_scoped3A_133, %dma_wait3A_148] : memref<79x2x128xi32, #tpu.memory_space<vmem>> -> memref<1x1x128xi32, #tpu.memory_space<vmem>>
        %dma_wait3A_150 = tpu.memref_squeeze %dma_wait3A_149 : memref<1x1x128xi32, #tpu.memory_space<vmem>> -> memref<128xi32, #tpu.memory_space<vmem>>
        %dma_wait3A_151 = arith.constant 0 : i32
        %dma_wait3A_152 = arith.constant 0 : i32
        %dma_wait3A_153 = tpu.memref_slice %arg9[%dma_wait3A_151, %dma_wait3A_152] : memref<10000x64xf32, #tpu.memory_space<vmem_shared>> -> memref<10000x64xf32, #tpu.memory_space<vmem_shared>>
        tpu.wait_indirect_dma semaphore(%run_scoped3A_141 : memref<!tpu.dma_semaphore, #tpu.memory_space<semaphore_mem>>) src(%arg7 : memref<128x64xf32, #tpu.memory_space<vmem>>) dst(%dma_wait3A_153 : memref<10000x64xf32, #tpu.memory_space<vmem_shared>>)
        tpu.yield
      }) : () -> ()
      %add3A_134 = arith.constant 2 : i32
      %add3A_135 = arith.addi %add3A_113, %add3A_134 : i32
      %lt3A_136 = arith.cmpi slt, %add3A_135, %select_n3A : i32
      %convert_element_type3A_137 = arith.extui %lt3A_136 : i1 to i32
      %cond3A_138 = arith.constant 0 : i32
      %cond3A_139 = arith.cmpi ne, %convert_element_type3A_137, %cond3A_138 : i32
      scf.if %cond3A_139 {
        %add3A_141 = arith.constant 2 : i32
        %add3A_142 = arith.addi %add3A_113, %add3A_141 : i32
        %dma_start3A_143 = arith.constant 0 : i32
        %dma_start3A_144 = arith.constant 0 : i32
        %dma_start3A_145 = tpu.memref_slice %arg5[%add3A_142, %dma_start3A_143, %dma_start3A_144] : memref<79x2x128xi32, #tpu.memory_space<vmem>> -> memref<1x1x128xi32, #tpu.memory_space<vmem>>
        %dma_start3A_146 = tpu.memref_squeeze %dma_start3A_145 : memref<1x1x128xi32, #tpu.memory_space<vmem>> -> memref<128xi32, #tpu.memory_space<vmem>>
        %dma_start3A_147 = arith.constant 0 : i32
        %dma_start3A_148 = arith.constant 0 : i32
        %dma_start3A_149 = tpu.memref_slice %arg2[%dma_start3A_147, %dma_start3A_148] : memref<10000x64xf32, #tpu.memory_space<hbm>> -> memref<10000x64xf32, #tpu.memory_space<hbm>>
        tpu.enqueue_indirect_dma source(%dma_start3A_149 : memref<10000x64xf32, #tpu.memory_space<hbm>>) target(%arg7 : memref<128x64xf32, #tpu.memory_space<vmem>>) offsets(%dma_start3A_146 : memref<128xi32, #tpu.memory_space<vmem>>) semaphore(%arg11 : memref<!tpu.dma_semaphore, #tpu.memory_space<semaphore_mem>>)
      } else {
      }
      %while3A_140 = arith.constant 0 : i32
      scf.yield %while3A_140 : i32
    }
    %jit3A_84 = arith.constant 2 : i32
    %eq3A_85 = arith.constant 0 : i32
    %eq3A_86 = arith.cmpi eq, %jit3A_84, %eq3A_85 : i32
    %jit3A_87 = arith.constant 1 : i32
    %select_n3A_88 = arith.select %eq3A_86, %jit3A_87, %jit3A_84 : i32
    %rem3A_89 = arith.remsi %select_n3A, %select_n3A_88 : i32
    %ne3A_90 = arith.constant 0 : i32
    %ne3A_91 = arith.cmpi ne, %rem3A_89, %ne3A_90 : i32
    %lt3A_92 = arith.constant 0 : i32
    %lt3A_93 = arith.cmpi slt, %rem3A_89, %lt3A_92 : i32
    %lt3A_94 = arith.constant 0 : i32
    %lt3A_95 = arith.cmpi slt, %select_n3A_88, %lt3A_94 : i32
    %ne3A_96 = arith.xori %lt3A_93, %lt3A_95 : i1
    %and3A_97 = arith.andi %ne3A_96, %ne3A_91 : i1
    %add3A_98 = arith.addi %rem3A_89, %select_n3A_88 : i32
    %select_n3A_99 = arith.select %and3A_97, %add3A_98, %rem3A_89 : i32
    %eq3A_100 = arith.constant 1 : i32
    %eq3A_101 = arith.cmpi eq, %select_n3A_99, %eq3A_100 : i32
    %convert_element_type3A_102 = arith.extui %eq3A_101 : i1 to i32
    %cond3A_103 = arith.constant 0 : i32
    %cond3A_104 = arith.cmpi ne, %convert_element_type3A_102, %cond3A_103 : i32
    scf.if %cond3A_104 {
      %sub3A_108 = arith.constant 1 : i32
      %sub3A_109 = arith.subi %select_n3A, %sub3A_108 : i32
      %dma_wait3A = arith.constant 0 : i32
      %dma_wait3A_110 = arith.constant 0 : i32
      %dma_wait3A_111 = tpu.memref_slice %arg5[%sub3A_109, %dma_wait3A, %dma_wait3A_110] : memref<79x2x128xi32, #tpu.memory_space<vmem>> -> memref<1x1x128xi32, #tpu.memory_space<vmem>>
      %dma_wait3A_112 = tpu.memref_squeeze %dma_wait3A_111 : memref<1x1x128xi32, #tpu.memory_space<vmem>> -> memref<128xi32, #tpu.memory_space<vmem>>
      %dma_wait3A_113 = arith.constant 0 : i32
      %dma_wait3A_114 = arith.constant 0 : i32
      %dma_wait3A_115 = tpu.memref_slice %arg2[%dma_wait3A_113, %dma_wait3A_114] : memref<10000x64xf32, #tpu.memory_space<hbm>> -> memref<10000x64xf32, #tpu.memory_space<hbm>>
      tpu.wait_indirect_dma semaphore(%arg10 : memref<!tpu.dma_semaphore, #tpu.memory_space<semaphore_mem>>) src(%dma_wait3A_115 : memref<10000x64xf32, #tpu.memory_space<hbm>>) dst(%arg6 : memref<128x64xf32, #tpu.memory_space<vmem>>)
      %run_scoped3A = arith.constant 1 : i32
      "tpu.region"() ({
        %run_scoped3A_116 = tpu.sem_alloc : memref<!tpu.dma_semaphore, #tpu.memory_space<semaphore_mem>>
        %dma_start3A_117 = arith.constant 0 : i32
        %dma_start3A_118 = tpu.memref_slice %arg5[%sub3A_109, %run_scoped3A, %dma_start3A_117] : memref<79x2x128xi32, #tpu.memory_space<vmem>> -> memref<1x1x128xi32, #tpu.memory_space<vmem>>
        %dma_start3A_119 = tpu.memref_squeeze %dma_start3A_118 : memref<1x1x128xi32, #tpu.memory_space<vmem>> -> memref<128xi32, #tpu.memory_space<vmem>>
        %dma_start3A_120 = arith.constant 0 : i32
        %dma_start3A_121 = arith.constant 0 : i32
        %dma_start3A_122 = tpu.memref_slice %arg9[%dma_start3A_120, %dma_start3A_121] : memref<10000x64xf32, #tpu.memory_space<vmem_shared>> -> memref<10000x64xf32, #tpu.memory_space<vmem_shared>>
        tpu.enqueue_indirect_dma source(%arg6 : memref<128x64xf32, #tpu.memory_space<vmem>>) target(%dma_start3A_122 : memref<10000x64xf32, #tpu.memory_space<vmem_shared>>) offsets(%dma_start3A_119 : memref<128xi32, #tpu.memory_space<vmem>>) semaphore(%run_scoped3A_116 : memref<!tpu.dma_semaphore, #tpu.memory_space<semaphore_mem>>) {add = true}
        %dma_wait3A_123 = arith.constant 0 : i32
        %dma_wait3A_124 = tpu.memref_slice %arg5[%sub3A_109, %run_scoped3A, %dma_wait3A_123] : memref<79x2x128xi32, #tpu.memory_space<vmem>> -> memref<1x1x128xi32, #tpu.memory_space<vmem>>
        %dma_wait3A_125 = tpu.memref_squeeze %dma_wait3A_124 : memref<1x1x128xi32, #tpu.memory_space<vmem>> -> memref<128xi32, #tpu.memory_space<vmem>>
        %dma_wait3A_126 = arith.constant 0 : i32
        %dma_wait3A_127 = arith.constant 0 : i32
        %dma_wait3A_128 = tpu.memref_slice %arg9[%dma_wait3A_126, %dma_wait3A_127] : memref<10000x64xf32, #tpu.memory_space<vmem_shared>> -> memref<10000x64xf32, #tpu.memory_space<vmem_shared>>
        tpu.wait_indirect_dma semaphore(%run_scoped3A_116 : memref<!tpu.dma_semaphore, #tpu.memory_space<semaphore_mem>>) src(%arg6 : memref<128x64xf32, #tpu.memory_space<vmem>>) dst(%dma_wait3A_128 : memref<10000x64xf32, #tpu.memory_space<vmem_shared>>)
        tpu.yield
      }) : () -> ()
    } else {
    }
    %barrier3A_105 = arith.constant 0 : index
    tpu.barrier barrier_id(%barrier3A_105)
    %mul3A_106 = arith.constant 625 : i32
    %mul3A_107 = arith.muli %arg1, %mul3A_106 : i32
    "tpu.region"() ({
      %run_scoped3A = tpu.sem_alloc : memref<!tpu.dma_semaphore, #tpu.memory_space<semaphore_mem>>
      %dma_start3A_108 = arith.constant 0 : i32
      %dma_start3A_109 = tpu.memref_slice %arg4[%arg0, %mul3A_107, %dma_start3A_108] : memref<2x10000x64xf32, #tpu.memory_space<hbm>> -> memref<1x625x64xf32, #tpu.memory_space<hbm>>
      %dma_start3A_110 = tpu.memref_squeeze %dma_start3A_109 : memref<1x625x64xf32, #tpu.memory_space<hbm>> -> memref<625x64xf32, #tpu.memory_space<hbm>>
      %dma_start3A_111 = arith.constant 0 : i32
      %dma_start3A_112 = tpu.memref_slice %arg9[%mul3A_107, %dma_start3A_111] : memref<10000x64xf32, #tpu.memory_space<vmem_shared>> -> memref<625x64xf32, #tpu.memory_space<vmem_shared>>
      tpu.enqueue_dma source(%dma_start3A_112 : memref<625x64xf32, #tpu.memory_space<vmem_shared>>) target(%dma_start3A_110 : memref<625x64xf32, #tpu.memory_space<hbm>>) target_semaphore(%run_scoped3A : memref<!tpu.dma_semaphore, #tpu.memory_space<semaphore_mem>>)
      %dma_wait3A = arith.constant 0 : i32
      %dma_wait3A_113 = tpu.memref_slice %arg4[%arg0, %mul3A_107, %dma_wait3A] : memref<2x10000x64xf32, #tpu.memory_space<hbm>> -> memref<1x625x64xf32, #tpu.memory_space<hbm>>
      %dma_wait3A_114 = tpu.memref_squeeze %dma_wait3A_113 : memref<1x625x64xf32, #tpu.memory_space<hbm>> -> memref<625x64xf32, #tpu.memory_space<hbm>>
      %dma_wait3A_115 = arith.constant 0 : i32
      %dma_wait3A_116 = tpu.memref_slice %arg9[%mul3A_107, %dma_wait3A_115] : memref<10000x64xf32, #tpu.memory_space<vmem_shared>> -> memref<625x64xf32, #tpu.memory_space<vmem_shared>>
      tpu.wait_dma2 semaphore(%run_scoped3A : memref<!tpu.dma_semaphore, #tpu.memory_space<semaphore_mem>>) src(%dma_wait3A_116 : memref<625x64xf32, #tpu.memory_space<vmem_shared>>) dst(%dma_wait3A_114 : memref<625x64xf32, #tpu.memory_space<hbm>>)
      tpu.yield
    }) : () -> ()
    return
  }
}

module attributes {stable_mosaic.version = 14 : i64} {
  func.func @_tc_a_body(%arg0: i32, %arg1: memref<400x128xf32, #tpu.memory_space<vmem>>, %arg2: memref<128x64xf32, #tpu.memory_space<vmem>>, %arg3: memref<1x2x400xf32, #tpu.memory_space<vmem>>, %arg4: memref<400x64xf32, #tpu.memory_space<vmem>>) attributes {dimension_semantics = [#tpu.dimension_semantics<arbitrary>], iteration_bounds = array<i64: 25>, scalar_prefetch = 0 : i64, scratch_operands = 0 : i64, tpu.core_type = #tpu.core_type<tc>, window_params = [{transform_indices = @transform_0, window_bounds = array<i64: 400, 128>}, {pipeline_mode = #tpu.pipeline_mode<synchronous>, transform_indices = @transform_1, window_bounds = array<i64: 128, 64>}, {transform_indices = @transform_2, window_bounds = array<i64: 1, 2, 400>}, {transform_indices = @transform_3, window_bounds = array<i64: 400, 64>}]} {
    %get3A = arith.constant 0 : index
    %get3A_0 = arith.constant 0 : index
    %get3A_1 = arith.constant 0 : index
    %get3A_2 = vector.load %arg3[%get3A, %get3A_0, %get3A_1] : memref<1x2x400xf32, #tpu.memory_space<vmem>>, vector<1x2x400xf32>
    %get3A_3 = vector.shape_cast %get3A_2 : vector<1x2x400xf32> to vector<2x400xf32>
    %iota3A = tpu.iota {dimensions = array<i32: 0>} : vector<400x400xi32>
    %iota3A_4 = tpu.iota {dimensions = array<i32: 1>} : vector<400x400xi32>
    %eq3A = arith.cmpi eq, %iota3A, %iota3A_4 : vector<400x400xi32>
    %jit3A = arith.constant 1.000000e+00 : f32
    %jit3A_5 = arith.constant 0.000000e+00 : f32
    %broadcast_in_dim3A = vector.broadcast %jit3A : f32 to vector<400x400xf32>
    %broadcast_in_dim3A_6 = vector.broadcast %jit3A_5 : f32 to vector<400x400xf32>
    %select_n3A = arith.select %eq3A, %broadcast_in_dim3A, %broadcast_in_dim3A_6 : vector<400x400xi1>, vector<400x400xf32>
    %dot_general3A = arith.constant dense<0.000000e+00> : vector<400x2xf32>
    %dot_general3A_7 = tpu.matmul %select_n3A, %get3A_3, %dot_general3A {dimension_numbers = #tpu.dot_dimension_numbers<[1], [1], [0], [0], [0, 0, 1, 0], [], []>, transpose_lhs_hint = false} : vector<400x400xf32>, vector<2x400xf32>, vector<400x2xf32> -> vector<400x2xf32>
    %slice3A = vector.extract_strided_slice %dot_general3A_7 {offsets = [0, 0], sizes = [400, 1], strides = [1, 1]} : vector<400x2xf32> to vector<400x1xf32>
    %slice3A_8 = vector.extract_strided_slice %dot_general3A_7 {offsets = [0, 1], sizes = [400, 1], strides = [1, 1]} : vector<400x2xf32> to vector<400x1xf32>
    %add3A = arith.addf %slice3A, %slice3A_8 : vector<400x1xf32>
    %add3A_9 = arith.constant 1.000000e+00 : f32
    %add3A_10 = vector.broadcast %add3A_9 : f32 to vector<400x1xf32>
    %add3A_11 = arith.addf %add3A, %add3A_10 : vector<400x1xf32>
    %rsqrt3A = math.rsqrt %add3A_11 : vector<400x1xf32>
    %get3A_12 = arith.constant 0 : index
    %get3A_13 = arith.constant 0 : index
    %get3A_14 = vector.load %arg1[%get3A_12, %get3A_13] : memref<400x128xf32, #tpu.memory_space<vmem>>, vector<400x128xf32>
    %get3A_15 = arith.constant 0 : index
    %get3A_16 = arith.constant 0 : index
    %get3A_17 = vector.load %arg2[%get3A_15, %get3A_16] : memref<128x64xf32, #tpu.memory_space<vmem>>, vector<128x64xf32>
    %dot_general3A_18 = arith.constant dense<0.000000e+00> : vector<400x64xf32>
    %dot_general3A_19 = tpu.matmul %get3A_14, %get3A_17, %dot_general3A_18 {dimension_numbers = #tpu.dot_dimension_numbers<[1], [0], [0], [1], [0, 0, 1, 1], [], []>, transpose_lhs_hint = false} : vector<400x128xf32>, vector<128x64xf32>, vector<400x64xf32> -> vector<400x64xf32>
    %mul3A = vector.broadcast %rsqrt3A : vector<400x1xf32> to vector<400x64xf32>
    %mul3A_20 = arith.mulf %dot_general3A_19, %mul3A : vector<400x64xf32>
    %swap3A = arith.constant 0 : index
    %swap3A_21 = arith.constant 0 : index
    %swap3A_22 = vector.load %arg4[%swap3A, %swap3A_21] : memref<400x64xf32, #tpu.memory_space<vmem>>, vector<400x64xf32>
    tpu.vector_store %arg4[%swap3A, %swap3A_21], %mul3A_20 {strides = array<i32>} : memref<400x64xf32, #tpu.memory_space<vmem>>, vector<400x64xf32>,
    return
  }
  func.func @transform_0(%arg0: i32) -> (i32, i32) {
    %c0_i32 = arith.constant 0 : i32
    %c0_i32_0 = arith.constant 0 : i32
    return %arg0, %c0_i32 : i32, i32
  }
  func.func @transform_1(%arg0: i32) -> (i32, i32) {
    %c0_i32 = arith.constant 0 : i32
    %c0_i32_0 = arith.constant 0 : i32
    %c0_i32_1 = arith.constant 0 : i32
    return %c0_i32, %c0_i32_0 : i32, i32
  }
  func.func @transform_2(%arg0: i32) -> (i32, i32, i32) {
    %c0_i32 = arith.constant 0 : i32
    %c0_i32_0 = arith.constant 0 : i32
    %c0_i32_1 = arith.constant 0 : i32
    return %arg0, %c0_i32, %c0_i32_0 : i32, i32, i32
  }
  func.func @transform_3(%arg0: i32) -> (i32, i32) {
    %c0_i32 = arith.constant 0 : i32
    %c0_i32_0 = arith.constant 0 : i32
    return %arg0, %c0_i32 : i32, i32
  }
}

module attributes {stable_mosaic.version = 14 : i64} {
  func.func @_tc_b_body(%arg0: i32, %arg1: memref<2x400x64xf32, #tpu.memory_space<vmem>>, %arg2: memref<400x64xf32, #tpu.memory_space<vmem>>, %arg3: memref<1x2x400xf32, #tpu.memory_space<vmem>>, %arg4: memref<64x64xf32, #tpu.memory_space<vmem>>, %arg5: memref<1x64xf32, #tpu.memory_space<vmem>>, %arg6: memref<400x64xf32, #tpu.memory_space<vmem>>) attributes {dimension_semantics = [#tpu.dimension_semantics<arbitrary>], iteration_bounds = array<i64: 25>, scalar_prefetch = 0 : i64, scratch_operands = 0 : i64, tpu.core_type = #tpu.core_type<tc>, window_params = [{transform_indices = @transform_0, window_bounds = array<i64: 2, 400, 64>}, {transform_indices = @transform_1, window_bounds = array<i64: 400, 64>}, {transform_indices = @transform_2, window_bounds = array<i64: 1, 2, 400>}, {pipeline_mode = #tpu.pipeline_mode<synchronous>, transform_indices = @transform_3, window_bounds = array<i64: 64, 64>}, {pipeline_mode = #tpu.pipeline_mode<synchronous>, transform_indices = @transform_4, window_bounds = array<i64: 1, 64>}, {transform_indices = @transform_5, window_bounds = array<i64: 400, 64>}]} {
    %get3A = arith.constant 0 : index
    %get3A_0 = arith.constant 0 : index
    %get3A_1 = arith.constant 0 : index
    %get3A_2 = vector.load %arg3[%get3A, %get3A_0, %get3A_1] : memref<1x2x400xf32, #tpu.memory_space<vmem>>, vector<1x2x400xf32>
    %get3A_3 = vector.shape_cast %get3A_2 : vector<1x2x400xf32> to vector<2x400xf32>
    %iota3A = tpu.iota {dimensions = array<i32: 0>} : vector<400x400xi32>
    %iota3A_4 = tpu.iota {dimensions = array<i32: 1>} : vector<400x400xi32>
    %eq3A = arith.cmpi eq, %iota3A, %iota3A_4 : vector<400x400xi32>
    %jit3A = arith.constant 1.000000e+00 : f32
    %jit3A_5 = arith.constant 0.000000e+00 : f32
    %broadcast_in_dim3A = vector.broadcast %jit3A : f32 to vector<400x400xf32>
    %broadcast_in_dim3A_6 = vector.broadcast %jit3A_5 : f32 to vector<400x400xf32>
    %select_n3A = arith.select %eq3A, %broadcast_in_dim3A, %broadcast_in_dim3A_6 : vector<400x400xi1>, vector<400x400xf32>
    %dot_general3A = arith.constant dense<0.000000e+00> : vector<400x2xf32>
    %dot_general3A_7 = tpu.matmul %select_n3A, %get3A_3, %dot_general3A {dimension_numbers = #tpu.dot_dimension_numbers<[1], [1], [0], [0], [0, 0, 1, 0], [], []>, transpose_lhs_hint = false} : vector<400x400xf32>, vector<2x400xf32>, vector<400x2xf32> -> vector<400x2xf32>
    %slice3A = vector.extract_strided_slice %dot_general3A_7 {offsets = [0, 0], sizes = [400, 1], strides = [1, 1]} : vector<400x2xf32> to vector<400x1xf32>
    %slice3A_8 = vector.extract_strided_slice %dot_general3A_7 {offsets = [0, 1], sizes = [400, 1], strides = [1, 1]} : vector<400x2xf32> to vector<400x1xf32>
    %add3A = arith.addf %slice3A, %slice3A_8 : vector<400x1xf32>
    %add3A_9 = arith.constant 1.000000e+00 : f32
    %add3A_10 = vector.broadcast %add3A_9 : f32 to vector<400x1xf32>
    %add3A_11 = arith.addf %add3A, %add3A_10 : vector<400x1xf32>
    %rsqrt3A = math.rsqrt %add3A_11 : vector<400x1xf32>
    %get3A_12 = arith.constant 0 : index
    %get3A_13 = arith.constant 0 : index
    %get3A_14 = arith.constant 0 : index
    %get3A_15 = vector.load %arg1[%get3A_12, %get3A_13, %get3A_14] : memref<2x400x64xf32, #tpu.memory_space<vmem>>, vector<1x400x64xf32>
    %get3A_16 = vector.shape_cast %get3A_15 : vector<1x400x64xf32> to vector<400x64xf32>
    %get3A_17 = arith.constant 1 : index
    %get3A_18 = arith.constant 0 : index
    %get3A_19 = arith.constant 0 : index
    %get3A_20 = vector.load %arg1[%get3A_17, %get3A_18, %get3A_19] : memref<2x400x64xf32, #tpu.memory_space<vmem>>, vector<1x400x64xf32>
    %get3A_21 = vector.shape_cast %get3A_20 : vector<1x400x64xf32> to vector<400x64xf32>
    %add3A_22 = arith.addf %get3A_16, %get3A_21 : vector<400x64xf32>
    %get3A_23 = arith.constant 0 : index
    %get3A_24 = arith.constant 0 : index
    %get3A_25 = vector.load %arg2[%get3A_23, %get3A_24] : memref<400x64xf32, #tpu.memory_space<vmem>>, vector<400x64xf32>
    %add3A_26 = arith.addf %add3A_22, %get3A_25 : vector<400x64xf32>
    %mul3A = vector.broadcast %rsqrt3A : vector<400x1xf32> to vector<400x64xf32>
    %mul3A_27 = arith.mulf %mul3A, %add3A_26 : vector<400x64xf32>
    %get3A_28 = arith.constant 0 : index
    %get3A_29 = arith.constant 0 : index
    %get3A_30 = vector.load %arg5[%get3A_28, %get3A_29] : memref<1x64xf32, #tpu.memory_space<vmem>>, vector<1x64xf32>
    %add3A_31 = vector.broadcast %get3A_30 : vector<1x64xf32> to vector<400x64xf32>
    %add3A_32 = arith.addf %mul3A_27, %add3A_31 : vector<400x64xf32>
    %max3A = arith.constant 0.000000e+00 : f32
    %max3A_33 = vector.broadcast %max3A : f32 to vector<400x64xf32>
    %max3A_34 = arith.maximumf %add3A_32, %max3A_33 : vector<400x64xf32>
    %get3A_35 = arith.constant 0 : index
    %get3A_36 = arith.constant 0 : index
    %get3A_37 = vector.load %arg4[%get3A_35, %get3A_36] : memref<64x64xf32, #tpu.memory_space<vmem>>, vector<64x64xf32>
    %dot_general3A_38 = arith.constant dense<0.000000e+00> : vector<400x64xf32>
    %dot_general3A_39 = tpu.matmul %max3A_34, %get3A_37, %dot_general3A_38 {dimension_numbers = #tpu.dot_dimension_numbers<[1], [0], [0], [1], [0, 0, 1, 1], [], []>, transpose_lhs_hint = false} : vector<400x64xf32>, vector<64x64xf32>, vector<400x64xf32> -> vector<400x64xf32>
    %mul3A_40 = vector.broadcast %rsqrt3A : vector<400x1xf32> to vector<400x64xf32>
    %mul3A_41 = arith.mulf %dot_general3A_39, %mul3A_40 : vector<400x64xf32>
    %swap3A = arith.constant 0 : index
    %swap3A_42 = arith.constant 0 : index
    %swap3A_43 = vector.load %arg6[%swap3A, %swap3A_42] : memref<400x64xf32, #tpu.memory_space<vmem>>, vector<400x64xf32>
    tpu.vector_store %arg6[%swap3A, %swap3A_42], %mul3A_41 {strides = array<i32>} : memref<400x64xf32, #tpu.memory_space<vmem>>, vector<400x64xf32>,
    return
  }
  func.func @transform_0(%arg0: i32) -> (i32, i32, i32) {
    %c0_i32 = arith.constant 0 : i32
    %c0_i32_0 = arith.constant 0 : i32
    %c0_i32_1 = arith.constant 0 : i32
    return %c0_i32, %arg0, %c0_i32_0 : i32, i32, i32
  }
  func.func @transform_1(%arg0: i32) -> (i32, i32) {
    %c0_i32 = arith.constant 0 : i32
    %c0_i32_0 = arith.constant 0 : i32
    return %arg0, %c0_i32 : i32, i32
  }
  func.func @transform_2(%arg0: i32) -> (i32, i32, i32) {
    %c0_i32 = arith.constant 0 : i32
    %c0_i32_0 = arith.constant 0 : i32
    %c0_i32_1 = arith.constant 0 : i32
    return %arg0, %c0_i32, %c0_i32_0 : i32, i32, i32
  }
  func.func @transform_3(%arg0: i32) -> (i32, i32) {
    %c0_i32 = arith.constant 0 : i32
    %c0_i32_0 = arith.constant 0 : i32
    %c0_i32_1 = arith.constant 0 : i32
    return %c0_i32, %c0_i32_0 : i32, i32
  }
  func.func @transform_4(%arg0: i32) -> (i32, i32) {
    %c0_i32 = arith.constant 0 : i32
    %c0_i32_0 = arith.constant 0 : i32
    %c0_i32_1 = arith.constant 0 : i32
    return %c0_i32, %c0_i32_0 : i32, i32
  }
  func.func @transform_5(%arg0: i32) -> (i32, i32) {
    %c0_i32 = arith.constant 0 : i32
    %c0_i32_0 = arith.constant 0 : i32
    return %arg0, %c0_i32 : i32, i32
  }
}

module attributes {stable_mosaic.version = 14 : i64} {
  func.func @_tc_c_body(%arg0: i32, %arg1: memref<2x400x64xf32, #tpu.memory_space<vmem>>, %arg2: memref<400x64xf32, #tpu.memory_space<vmem>>, %arg3: memref<1x2x400xf32, #tpu.memory_space<vmem>>, %arg4: memref<1x64xf32, #tpu.memory_space<vmem>>, %arg5: memref<1x1x400xf32, #tpu.memory_space<vmem>>, %arg6: memref<128x64xf32, #tpu.memory_space<vmem>>, %arg7: memref<1x64xf32, #tpu.memory_space<vmem>>, %arg8: memref<64x128xf32, #tpu.memory_space<vmem>>, %arg9: memref<1x1xf32, #tpu.memory_space<vmem>>, %arg10: memref<64x1xf32, #tpu.memory_space<vmem>>, %arg11: memref<64x64xf32, #tpu.memory_space<vmem>>, %arg12: memref<64x64xf32, #tpu.memory_space<vmem>>, %arg13: memref<64x1xf32, #tpu.memory_space<vmem>>) attributes {dimension_semantics = [#tpu.dimension_semantics<arbitrary>], iteration_bounds = array<i64: 25>, scalar_prefetch = 0 : i64, scratch_operands = 3 : i64, tpu.core_type = #tpu.core_type<tc>, window_params = [{transform_indices = @transform_0, window_bounds = array<i64: 2, 400, 64>}, {transform_indices = @transform_1, window_bounds = array<i64: 400, 64>}, {transform_indices = @transform_2, window_bounds = array<i64: 1, 2, 400>}, {pipeline_mode = #tpu.pipeline_mode<synchronous>, transform_indices = @transform_3, window_bounds = array<i64: 1, 64>}, {transform_indices = @transform_4, window_bounds = array<i64: 1, 1, 400>}, {pipeline_mode = #tpu.pipeline_mode<synchronous>, transform_indices = @transform_5, window_bounds = array<i64: 128, 64>}, {pipeline_mode = #tpu.pipeline_mode<synchronous>, transform_indices = @transform_6, window_bounds = array<i64: 1, 64>}, {pipeline_mode = #tpu.pipeline_mode<synchronous>, transform_indices = @transform_7, window_bounds = array<i64: 64, 128>}, {pipeline_mode = #tpu.pipeline_mode<synchronous>, transform_indices = @transform_8, window_bounds = array<i64: 1, 1>}, {pipeline_mode = #tpu.pipeline_mode<synchronous>, transform_indices = @transform_9, window_bounds = array<i64: 64, 1>}]} {
    %eq3A = arith.constant 0 : i32
    %eq3A_0 = arith.cmpi eq, %arg0, %eq3A : i32
    %convert_element_type3A = arith.extui %eq3A_0 : i1 to i32
    %cond3A = arith.constant 0 : i32
    %cond3A_1 = arith.cmpi ne, %convert_element_type3A, %cond3A : i32
    scf.if %cond3A_1 {
      %broadcast_in_dim3A_106 = arith.constant 0.000000e+00 : f32
      %broadcast_in_dim3A_107 = vector.broadcast %broadcast_in_dim3A_106 : f32 to vector<64x64xf32>
      %swap3A_108 = arith.constant 0 : index
      %swap3A_109 = arith.constant 0 : index
      %swap3A_110 = vector.load %arg11[%swap3A_108, %swap3A_109] : memref<64x64xf32, #tpu.memory_space<vmem>>, vector<64x64xf32>
      tpu.vector_store %arg11[%swap3A_108, %swap3A_109], %broadcast_in_dim3A_107 {strides = array<i32>} : memref<64x64xf32, #tpu.memory_space<vmem>>, vector<64x64xf32>,
      %broadcast_in_dim3A_111 = arith.constant 0xFF800000 : f32
      %broadcast_in_dim3A_112 = vector.broadcast %broadcast_in_dim3A_111 : f32 to vector<64x64xf32>
      %swap3A_113 = arith.constant 0 : index
      %swap3A_114 = arith.constant 0 : index
      %swap3A_115 = vector.load %arg12[%swap3A_113, %swap3A_114] : memref<64x64xf32, #tpu.memory_space<vmem>>, vector<64x64xf32>
      tpu.vector_store %arg12[%swap3A_113, %swap3A_114], %broadcast_in_dim3A_112 {strides = array<i32>} : memref<64x64xf32, #tpu.memory_space<vmem>>, vector<64x64xf32>,
      %broadcast_in_dim3A_116 = arith.constant 0.000000e+00 : f32
      %broadcast_in_dim3A_117 = vector.broadcast %broadcast_in_dim3A_116 : f32 to vector<64x1xf32>
      %swap3A_118 = arith.constant 0 : index
      %swap3A_119 = arith.constant 0 : index
      %swap3A_120 = vector.load %arg13[%swap3A_118, %swap3A_119] : memref<64x1xf32, #tpu.memory_space<vmem>>, vector<64x1xf32>
      tpu.vector_store %arg13[%swap3A_118, %swap3A_119], %broadcast_in_dim3A_117 {strides = array<i32>} : memref<64x1xf32, #tpu.memory_space<vmem>>, vector<64x1xf32>,
    } else {
    }
    %get3A = arith.constant 0 : index
    %get3A_2 = arith.constant 0 : index
    %get3A_3 = arith.constant 0 : index
    %get3A_4 = vector.load %arg3[%get3A, %get3A_2, %get3A_3] : memref<1x2x400xf32, #tpu.memory_space<vmem>>, vector<1x2x400xf32>
    %get3A_5 = vector.shape_cast %get3A_4 : vector<1x2x400xf32> to vector<2x400xf32>
    %iota3A = tpu.iota {dimensions = array<i32: 0>} : vector<400x400xi32>
    %iota3A_6 = tpu.iota {dimensions = array<i32: 1>} : vector<400x400xi32>
    %eq3A_7 = arith.cmpi eq, %iota3A, %iota3A_6 : vector<400x400xi32>
    %jit3A = arith.constant 1.000000e+00 : f32
    %jit3A_8 = arith.constant 0.000000e+00 : f32
    %broadcast_in_dim3A = vector.broadcast %jit3A : f32 to vector<400x400xf32>
    %broadcast_in_dim3A_9 = vector.broadcast %jit3A_8 : f32 to vector<400x400xf32>
    %select_n3A = arith.select %eq3A_7, %broadcast_in_dim3A, %broadcast_in_dim3A_9 : vector<400x400xi1>, vector<400x400xf32>
    %dot_general3A = arith.constant dense<0.000000e+00> : vector<400x2xf32>
    %dot_general3A_10 = tpu.matmul %select_n3A, %get3A_5, %dot_general3A {dimension_numbers = #tpu.dot_dimension_numbers<[1], [1], [0], [0], [0, 0, 1, 0], [], []>, transpose_lhs_hint = false} : vector<400x400xf32>, vector<2x400xf32>, vector<400x2xf32> -> vector<400x2xf32>
    %slice3A = vector.extract_strided_slice %dot_general3A_10 {offsets = [0, 0], sizes = [400, 1], strides = [1, 1]} : vector<400x2xf32> to vector<400x1xf32>
    %slice3A_11 = vector.extract_strided_slice %dot_general3A_10 {offsets = [0, 1], sizes = [400, 1], strides = [1, 1]} : vector<400x2xf32> to vector<400x1xf32>
    %add3A = arith.addf %slice3A, %slice3A_11 : vector<400x1xf32>
    %add3A_12 = arith.constant 1.000000e+00 : f32
    %add3A_13 = vector.broadcast %add3A_12 : f32 to vector<400x1xf32>
    %add3A_14 = arith.addf %add3A, %add3A_13 : vector<400x1xf32>
    %rsqrt3A = math.rsqrt %add3A_14 : vector<400x1xf32>
    %get3A_15 = arith.constant 0 : index
    %get3A_16 = arith.constant 0 : index
    %get3A_17 = arith.constant 0 : index
    %get3A_18 = vector.load %arg1[%get3A_15, %get3A_16, %get3A_17] : memref<2x400x64xf32, #tpu.memory_space<vmem>>, vector<1x400x64xf32>
    %get3A_19 = vector.shape_cast %get3A_18 : vector<1x400x64xf32> to vector<400x64xf32>
    %get3A_20 = arith.constant 1 : index
    %get3A_21 = arith.constant 0 : index
    %get3A_22 = arith.constant 0 : index
    %get3A_23 = vector.load %arg1[%get3A_20, %get3A_21, %get3A_22] : memref<2x400x64xf32, #tpu.memory_space<vmem>>, vector<1x400x64xf32>
    %get3A_24 = vector.shape_cast %get3A_23 : vector<1x400x64xf32> to vector<400x64xf32>
    %add3A_25 = arith.addf %get3A_19, %get3A_24 : vector<400x64xf32>
    %get3A_26 = arith.constant 0 : index
    %get3A_27 = arith.constant 0 : index
    %get3A_28 = vector.load %arg2[%get3A_26, %get3A_27] : memref<400x64xf32, #tpu.memory_space<vmem>>, vector<400x64xf32>
    %add3A_29 = arith.addf %add3A_25, %get3A_28 : vector<400x64xf32>
    %mul3A = vector.broadcast %rsqrt3A : vector<400x1xf32> to vector<400x64xf32>
    %mul3A_30 = arith.mulf %mul3A, %add3A_29 : vector<400x64xf32>
    %get3A_31 = arith.constant 0 : index
    %get3A_32 = arith.constant 0 : index
    %get3A_33 = vector.load %arg4[%get3A_31, %get3A_32] : memref<1x64xf32, #tpu.memory_space<vmem>>, vector<1x64xf32>
    %add3A_34 = vector.broadcast %get3A_33 : vector<1x64xf32> to vector<400x64xf32>
    %add3A_35 = arith.addf %mul3A_30, %add3A_34 : vector<400x64xf32>
    %get3A_36 = arith.constant 0 : index
    %get3A_37 = arith.constant 0 : index
    %get3A_38 = arith.constant 0 : index
    %get3A_39 = vector.load %arg5[%get3A_36, %get3A_37, %get3A_38] : memref<1x1x400xf32, #tpu.memory_space<vmem>>, vector<1x1x400xf32>
    %get3A_40 = vector.shape_cast %get3A_39 : vector<1x1x400xf32> to vector<1x400xf32>
    %iota3A_41 = tpu.iota {dimensions = array<i32: 0>} : vector<400x400xi32>
    %iota3A_42 = tpu.iota {dimensions = array<i32: 1>} : vector<400x400xi32>
    %eq3A_43 = arith.cmpi eq, %iota3A_41, %iota3A_42 : vector<400x400xi32>
    %jit3A_44 = arith.constant 1.000000e+00 : f32
    %jit3A_45 = arith.constant 0.000000e+00 : f32
    %broadcast_in_dim3A_46 = vector.broadcast %jit3A_44 : f32 to vector<400x400xf32>
    %broadcast_in_dim3A_47 = vector.broadcast %jit3A_45 : f32 to vector<400x400xf32>
    %select_n3A_48 = arith.select %eq3A_43, %broadcast_in_dim3A_46, %broadcast_in_dim3A_47 : vector<400x400xi1>, vector<400x400xf32>
    %dot_general3A_49 = arith.constant dense<0.000000e+00> : vector<400x1xf32>
    %dot_general3A_50 = tpu.matmul %select_n3A_48, %get3A_40, %dot_general3A_49 {dimension_numbers = #tpu.dot_dimension_numbers<[1], [1], [0], [0], [0, 0, 1, 0], [], []>, transpose_lhs_hint = false} : vector<400x400xf32>, vector<1x400xf32>, vector<400x1xf32> -> vector<400x1xf32>
    %iota3A_51 = tpu.iota {dimensions = array<i32: 1>} : vector<400x64xi32>
    %convert_element_type3A_52 = arith.sitofp %iota3A_51 : vector<400x64xi32> to vector<400x64xf32>
    %eq3A_53 = vector.broadcast %dot_general3A_50 : vector<400x1xf32> to vector<400x64xf32>
    %eq3A_54 = arith.cmpf oeq, %eq3A_53, %convert_element_type3A_52 : vector<400x64xf32>
    %jit3A_55 = arith.constant 1.000000e+00 : f32
    %jit3A_56 = arith.constant 0.000000e+00 : f32
    %broadcast_in_dim3A_57 = vector.broadcast %jit3A_55 : f32 to vector<400x64xf32>
    %broadcast_in_dim3A_58 = vector.broadcast %jit3A_56 : f32 to vector<400x64xf32>
    %select_n3A_59 = arith.select %eq3A_54, %broadcast_in_dim3A_57, %broadcast_in_dim3A_58 : vector<400x64xi1>, vector<400x64xf32>
    %get3A_60 = arith.constant 0 : index
    %get3A_61 = arith.constant 0 : index
    %get3A_62 = vector.load %arg11[%get3A_60, %get3A_61] : memref<64x64xf32, #tpu.memory_space<vmem>>, vector<64x64xf32>
    %dot_general3A_63 = arith.constant dense<0.000000e+00> : vector<64x64xf32>
    %dot_general3A_64 = tpu.matmul %select_n3A_59, %add3A_35, %dot_general3A_63 {dimension_numbers = #tpu.dot_dimension_numbers<[0], [0], [1], [1], [0, 1, 1, 1], [], []>, transpose_lhs_hint = false} : vector<400x64xf32>, vector<400x64xf32>, vector<64x64xf32> -> vector<64x64xf32>
    %add3A_65 = arith.addf %get3A_62, %dot_general3A_64 : vector<64x64xf32>
    %swap3A = arith.constant 0 : index
    %swap3A_66 = arith.constant 0 : index
    %swap3A_67 = vector.load %arg11[%swap3A, %swap3A_66] : memref<64x64xf32, #tpu.memory_space<vmem>>, vector<64x64xf32>
    tpu.vector_store %arg11[%swap3A, %swap3A_66], %add3A_65 {strides = array<i32>} : memref<64x64xf32, #tpu.memory_space<vmem>>, vector<64x64xf32>,
    %get3A_68 = arith.constant 0 : index
    %get3A_69 = arith.constant 0 : index
    %get3A_70 = vector.load %arg13[%get3A_68, %get3A_69] : memref<64x1xf32, #tpu.memory_space<vmem>>, vector<64x1xf32>
    %broadcast_in_dim3A_71 = arith.constant 1.000000e+00 : f32
    %broadcast_in_dim3A_72 = vector.broadcast %broadcast_in_dim3A_71 : f32 to vector<400x1xf32>
    %dot_general3A_73 = arith.constant dense<0.000000e+00> : vector<64x1xf32>
    %dot_general3A_74 = tpu.matmul %select_n3A_59, %broadcast_in_dim3A_72, %dot_general3A_73 {dimension_numbers = #tpu.dot_dimension_numbers<[0], [0], [1], [1], [0, 1, 1, 1], [], []>, transpose_lhs_hint = false} : vector<400x64xf32>, vector<400x1xf32>, vector<64x1xf32> -> vector<64x1xf32>
    %add3A_75 = arith.addf %get3A_70, %dot_general3A_74 : vector<64x1xf32>
    %swap3A_76 = arith.constant 0 : index
    %swap3A_77 = arith.constant 0 : index
    %swap3A_78 = vector.load %arg13[%swap3A_76, %swap3A_77] : memref<64x1xf32, #tpu.memory_space<vmem>>, vector<64x1xf32>
    tpu.vector_store %arg13[%swap3A_76, %swap3A_77], %add3A_75 {strides = array<i32>} : memref<64x1xf32, #tpu.memory_space<vmem>>, vector<64x1xf32>,
    %reduce_min3A = vector.shape_cast %dot_general3A_50 : vector<400x1xf32> to vector<1x400x1xf32>
    %reduce_min3A_79 = arith.constant dense<0x7F800000> : vector<1xf32>
    %reduce_min3A_80 = vector.multi_reduction <minimumf>, %reduce_min3A, %reduce_min3A_79 [1, 2] : vector<1x400x1xf32> to vector<1xf32>
    %reduce_min3A_81 = vector.shape_cast %reduce_min3A_80 : vector<1xf32> to vector<1x1x1xf32>
    %reduce_min3A_82 = vector.extract %reduce_min3A_81[0, 0, 0] : f32 from vector<1x1x1xf32>
    %convert_element_type3A_83 = arith.fptosi %reduce_min3A_82 : f32 to i32
    %reduce_max3A = vector.shape_cast %dot_general3A_50 : vector<400x1xf32> to vector<1x400x1xf32>
    %reduce_max3A_84 = arith.constant dense<0xFF800000> : vector<1xf32>
    %reduce_max3A_85 = vector.multi_reduction <maximumf>, %reduce_max3A, %reduce_max3A_84 [1, 2] : vector<1x400x1xf32> to vector<1xf32>
    %reduce_max3A_86 = vector.shape_cast %reduce_max3A_85 : vector<1xf32> to vector<1x1x1xf32>
    %reduce_max3A_87 = vector.extract %reduce_max3A_86[0, 0, 0] : f32 from vector<1x1x1xf32>
    %convert_element_type3A_88 = arith.fptosi %reduce_max3A_87 : f32 to i32
    %add3A_89 = arith.constant 1 : i32
    %add3A_90 = arith.addi %convert_element_type3A_88, %add3A_89 : i32
    %while3A = arith.constant 0 : i32
    %while3A_91 = arith.subi %add3A_90, %convert_element_type3A_83 : i32
    %while3A_92 = arith.addi %convert_element_type3A_83, %while3A_91 : i32
    %while3A_93 = arith.constant 1 : i32
    %while3A_94 = arith.divsi %while3A_91, %while3A_93 : i32
    %while3A_95 = arith.muli %while3A_94, %while3A_93 : i32
    %while3A_96 = arith.addi %convert_element_type3A_83, %while3A_95 : i32
    %while3A_97 = arith.constant 1 : i32
    %while3A_98 = scf.for %while3A_106 = %convert_element_type3A_83 to %while3A_96 step %while3A_97 iter_args(%while3A_107 = %while3A) -> (i32)  : i32 {
      %convert_element_type3A_108 = arith.sitofp %while3A_106 : i32 to f32
      %eq3A_109 = vector.broadcast %convert_element_type3A_108 : f32 to vector<400x1xf32>
      %eq3A_110 = arith.cmpf oeq, %dot_general3A_50, %eq3A_109 : vector<400x1xf32>
      %jit3A_111 = arith.constant 0xFF800000 : f32
      %broadcast_in_dim3A_112 = vector.shape_cast %eq3A_110 : vector<400x1xi1> to vector<400x1xi1>
      %broadcast_in_dim3A_113 = vector.broadcast %broadcast_in_dim3A_112 : vector<400x1xi1> to vector<400x64xi1>
      %broadcast_in_dim3A_114 = vector.broadcast %jit3A_111 : f32 to vector<400x64xf32>
      %select_n3A_115 = arith.select %broadcast_in_dim3A_113, %add3A_35, %broadcast_in_dim3A_114 : vector<400x64xi1>, vector<400x64xf32>
      %reduce_max3A_116 = arith.constant dense<0xFF800000> : vector<64xf32>
      %reduce_max3A_117 = vector.multi_reduction <maximumf>, %select_n3A_115, %reduce_max3A_116 [0] : vector<400x64xf32> to vector<64xf32>
      %broadcast_in_dim3A_118 = vector.shape_cast %reduce_max3A_117 : vector<64xf32> to vector<1x64xf32>
      %get3A_119 = arith.index_cast %while3A_106 : i32 to index
      %get3A_120 = arith.constant 0 : index
      %get3A_121 = vector.load %arg12[%get3A_119, %get3A_120] : memref<64x64xf32, #tpu.memory_space<vmem>>, vector<1x64xf32>
      %max3A = arith.maximumf %get3A_121, %broadcast_in_dim3A_118 : vector<1x64xf32>
      %swap3A_122 = arith.index_cast %while3A_106 : i32 to index
      %swap3A_123 = arith.constant 0 : index
      %swap3A_124 = vector.load %arg12[%swap3A_122, %swap3A_123] : memref<64x64xf32, #tpu.memory_space<vmem>>, vector<1x64xf32>
      tpu.vector_store %arg12[%swap3A_122, %swap3A_123], %max3A {strides = array<i32>} : memref<64x64xf32, #tpu.memory_space<vmem>>, vector<1x64xf32>,
      %while3A_125 = arith.constant 0 : i32
      scf.yield %while3A_125 : i32
    }
    %while3A_99 = arith.constant 1 : i32
    %while3A_100 = scf.for %while3A_106 = %while3A_96 to %while3A_92 step %while3A_99 iter_args(%while3A_107 = %while3A_98) -> (i32)  : i32 {
      %convert_element_type3A_108 = arith.sitofp %while3A_106 : i32 to f32
      %eq3A_109 = vector.broadcast %convert_element_type3A_108 : f32 to vector<400x1xf32>
      %eq3A_110 = arith.cmpf oeq, %dot_general3A_50, %eq3A_109 : vector<400x1xf32>
      %jit3A_111 = arith.constant 0xFF800000 : f32
      %broadcast_in_dim3A_112 = vector.shape_cast %eq3A_110 : vector<400x1xi1> to vector<400x1xi1>
      %broadcast_in_dim3A_113 = vector.broadcast %broadcast_in_dim3A_112 : vector<400x1xi1> to vector<400x64xi1>
      %broadcast_in_dim3A_114 = vector.broadcast %jit3A_111 : f32 to vector<400x64xf32>
      %select_n3A_115 = arith.select %broadcast_in_dim3A_113, %add3A_35, %broadcast_in_dim3A_114 : vector<400x64xi1>, vector<400x64xf32>
      %reduce_max3A_116 = arith.constant dense<0xFF800000> : vector<64xf32>
      %reduce_max3A_117 = vector.multi_reduction <maximumf>, %select_n3A_115, %reduce_max3A_116 [0] : vector<400x64xf32> to vector<64xf32>
      %broadcast_in_dim3A_118 = vector.shape_cast %reduce_max3A_117 : vector<64xf32> to vector<1x64xf32>
      %get3A_119 = arith.index_cast %while3A_106 : i32 to index
      %get3A_120 = arith.constant 0 : index
      %get3A_121 = vector.load %arg12[%get3A_119, %get3A_120] : memref<64x64xf32, #tpu.memory_space<vmem>>, vector<1x64xf32>
      %max3A = arith.maximumf %get3A_121, %broadcast_in_dim3A_118 : vector<1x64xf32>
      %swap3A_122 = arith.index_cast %while3A_106 : i32 to index
      %swap3A_123 = arith.constant 0 : index
      %swap3A_124 = vector.load %arg12[%swap3A_122, %swap3A_123] : memref<64x64xf32, #tpu.memory_space<vmem>>, vector<1x64xf32>
      tpu.vector_store %arg12[%swap3A_122, %swap3A_123], %max3A {strides = array<i32>} : memref<64x64xf32, #tpu.memory_space<vmem>>, vector<1x64xf32>,
      %while3A_125 = arith.constant 0 : i32
      scf.yield %while3A_125 : i32
    }
    %eq3A_101 = arith.constant 24 : i32
    %eq3A_102 = arith.cmpi eq, %arg0, %eq3A_101 : i32
    %convert_element_type3A_103 = arith.extui %eq3A_102 : i1 to i32
    %cond3A_104 = arith.constant 0 : i32
    %cond3A_105 = arith.cmpi ne, %convert_element_type3A_103, %cond3A_104 : i32
    scf.if %cond3A_105 {
      %get3A_106 = arith.constant 0 : index
      %get3A_107 = arith.constant 0 : index
      %get3A_108 = vector.load %arg11[%get3A_106, %get3A_107] : memref<64x64xf32, #tpu.memory_space<vmem>>, vector<64x64xf32>
      %get3A_109 = arith.constant 0 : index
      %get3A_110 = arith.constant 0 : index
      %get3A_111 = vector.load %arg13[%get3A_109, %get3A_110] : memref<64x1xf32, #tpu.memory_space<vmem>>, vector<64x1xf32>
      %max3A = arith.constant 1.000000e+00 : f32
      %max3A_112 = vector.broadcast %max3A : f32 to vector<64x1xf32>
      %max3A_113 = arith.maximumf %get3A_111, %max3A_112 : vector<64x1xf32>
      %div3A = vector.broadcast %max3A_113 : vector<64x1xf32> to vector<64x64xf32>
      %div3A_114 = arith.divf %get3A_108, %div3A : vector<64x64xf32>
      %get3A_115 = arith.constant 0 : index
      %get3A_116 = arith.constant 0 : index
      %get3A_117 = vector.load %arg12[%get3A_115, %get3A_116] : memref<64x64xf32, #tpu.memory_space<vmem>>, vector<64x64xf32>
      %concatenate3A = tpu.concatenate %div3A_114, %get3A_117 in 1 : vector<64x64xf32>, vector<64x64xf32> -> vector<64x128xf32>
      %get3A_118 = arith.constant 0 : index
      %get3A_119 = arith.constant 0 : index
      %get3A_120 = vector.load %arg6[%get3A_118, %get3A_119] : memref<128x64xf32, #tpu.memory_space<vmem>>, vector<128x64xf32>
      %dot_general3A_121 = arith.constant dense<0.000000e+00> : vector<64x64xf32>
      %dot_general3A_122 = tpu.matmul %concatenate3A, %get3A_120, %dot_general3A_121 {dimension_numbers = #tpu.dot_dimension_numbers<[1], [0], [0], [1], [0, 0, 1, 1], [], []>, transpose_lhs_hint = false} : vector<64x128xf32>, vector<128x64xf32>, vector<64x64xf32> -> vector<64x64xf32>
      %get3A_123 = arith.constant 0 : index
      %get3A_124 = arith.constant 0 : index
      %get3A_125 = vector.load %arg7[%get3A_123, %get3A_124] : memref<1x64xf32, #tpu.memory_space<vmem>>, vector<1x64xf32>
      %add3A_126 = vector.broadcast %get3A_125 : vector<1x64xf32> to vector<64x64xf32>
      %add3A_127 = arith.addf %dot_general3A_122, %add3A_126 : vector<64x64xf32>
      %max3A_128 = arith.constant 0.000000e+00 : f32
      %max3A_129 = vector.broadcast %max3A_128 : f32 to vector<64x64xf32>
      %max3A_130 = arith.maximumf %add3A_127, %max3A_129 : vector<64x64xf32>
      %get3A_131 = arith.constant 0 : index
      %get3A_132 = arith.constant 0 : index
      %get3A_133 = vector.load %arg8[%get3A_131, %get3A_132] : memref<64x128xf32, #tpu.memory_space<vmem>>, vector<64x128xf32>
      %dot_general3A_134 = arith.constant dense<0.000000e+00> : vector<64x128xf32>
      %dot_general3A_135 = tpu.matmul %max3A_130, %get3A_133, %dot_general3A_134 {dimension_numbers = #tpu.dot_dimension_numbers<[1], [0], [0], [1], [0, 0, 1, 1], [], []>, transpose_lhs_hint = false} : vector<64x64xf32>, vector<64x128xf32>, vector<64x128xf32> -> vector<64x128xf32>
      %slice3A_136 = vector.extract_strided_slice %dot_general3A_135 {offsets = [0, 0], sizes = [64, 1], strides = [1, 1]} : vector<64x128xf32> to vector<64x1xf32>
      %get3A_137 = arith.constant 0 : index
      %get3A_138 = arith.constant 0 : index
      %get3A_139 = vector.load %arg9[%get3A_137, %get3A_138] : memref<1x1xf32, #tpu.memory_space<vmem>>, vector<1x1xf32>
      %add3A_140 = vector.broadcast %get3A_139 : vector<1x1xf32> to vector<64x1xf32>
      %add3A_141 = arith.addf %slice3A_136, %add3A_140 : vector<64x1xf32>
      %swap3A_142 = arith.constant 0 : index
      %swap3A_143 = arith.constant 0 : index
      %swap3A_144 = vector.load %arg10[%swap3A_142, %swap3A_143] : memref<64x1xf32, #tpu.memory_space<vmem>>, vector<64x1xf32>
      tpu.vector_store %arg10[%swap3A_142, %swap3A_143], %add3A_141 {strides = array<i32>} : memref<64x1xf32, #tpu.memory_space<vmem>>, vector<64x1xf32>,
    } else {
    }
    return
  }
  func.func @transform_0(%arg0: i32) -> (i32, i32, i32) {
    %c0_i32 = arith.constant 0 : i32
    %c0_i32_0 = arith.constant 0 : i32
    %c0_i32_1 = arith.constant 0 : i32
    return %c0_i32, %arg0, %c0_i32_0 : i32, i32, i32
  }
  func.func @transform_1(%arg0: i32) -> (i32, i32) {
    %c0_i32 = arith.constant 0 : i32
    %c0_i32_0 = arith.constant 0 : i32
    return %arg0, %c0_i32 : i32, i32
  }
  func.func @transform_2(%arg0: i32) -> (i32, i32, i32) {
    %c0_i32 = arith.constant 0 : i32
    %c0_i32_0 = arith.constant 0 : i32
    %c0_i32_1 = arith.constant 0 : i32
    return %arg0, %c0_i32, %c0_i32_0 : i32, i32, i32
  }
  func.func @transform_3(%arg0: i32) -> (i32, i32) {
    %c0_i32 = arith.constant 0 : i32
    %c0_i32_0 = arith.constant 0 : i32
    %c0_i32_1 = arith.constant 0 : i32
    return %c0_i32, %c0_i32_0 : i32, i32
  }
  func.func @transform_4(%arg0: i32) -> (i32, i32, i32) {
    %c0_i32 = arith.constant 0 : i32
    %c0_i32_0 = arith.constant 0 : i32
    %c0_i32_1 = arith.constant 0 : i32
    return %arg0, %c0_i32, %c0_i32_0 : i32, i32, i32
  }
  func.func @transform_5(%arg0: i32) -> (i32, i32) {
    %c0_i32 = arith.constant 0 : i32
    %c0_i32_0 = arith.constant 0 : i32
    %c0_i32_1 = arith.constant 0 : i32
    return %c0_i32, %c0_i32_0 : i32, i32
  }
  func.func @transform_6(%arg0: i32) -> (i32, i32) {
    %c0_i32 = arith.constant 0 : i32
    %c0_i32_0 = arith.constant 0 : i32
    %c0_i32_1 = arith.constant 0 : i32
    return %c0_i32, %c0_i32_0 : i32, i32
  }
  func.func @transform_7(%arg0: i32) -> (i32, i32) {
    %c0_i32 = arith.constant 0 : i32
    %c0_i32_0 = arith.constant 0 : i32
    %c0_i32_1 = arith.constant 0 : i32
    return %c0_i32, %c0_i32_0 : i32, i32
  }
  func.func @transform_8(%arg0: i32) -> (i32, i32) {
    %c0_i32 = arith.constant 0 : i32
    %c0_i32_0 = arith.constant 0 : i32
    %c0_i32_1 = arith.constant 0 : i32
    return %c0_i32, %c0_i32_0 : i32, i32
  }
  func.func @transform_9(%arg0: i32) -> (i32, i32) {
    %c0_i32 = arith.constant 0 : i32
    %c0_i32_0 = arith.constant 0 : i32
    %c0_i32_1 = arith.constant 0 : i32
    return %c0_i32, %c0_i32_0 : i32, i32
  }
}

</mosaic_0001>

<sc_bundles>
// kernel: kernel.11.cloned.1.call-start
scs
__scs_entry_jumppad:
0x0: {  	(pc) =	sbr.rel $0x88, $3  }
0x1: {  	(tag) =	ssettag $0x0;
	lr =	simm.s32 $0x1  }
0x2: {  	[smem:$0x3F96] =	sst lr;
	_ =	strace $0xD0000000  }
0x3: {  	_ = 	snop  }
0x4: {  	_ = 	snop  }
0x5: {  	_ = 	snop  }
0x6: {  	_ = 	snop  }
0x7: {  	_ = 	snop  }
__scs_overlays_trampoline_lowered:
0x8: {  	[smem:$0x3FA5] =	sst s0  }
0x9: {  	[smem:$0x3FA6] =	sst s1  }
0xa: {  	[smem:$0x3FA7] =	sst s2  }
0xb: {  	[smem:$0x3FA8] =	sst s3  }
0xc: {  	[smem:$0x3FA9] =	sst s4  }
0xd: {  	[smem:$0x3FAA] =	sst s5  }
0xe: {  	[smem:$0x3FAB] =	sst s6  }
0xf: {  	[smem:$0x3FAC] =	sst s7  }
0x10: {  	[smem:$0x3FAD] =	sst s8  }
0x11: {  	[smem:$0x3FAE] =	sst s9;
	s0 =	simm.s32 @!p0 $0x0  }
0x12: {  	s1 =	sld [smem:$0x3F94];
	s0 =	simm.s32 @p0 $0x1  }
0x13: {  	[smem:$0x3FAF] =	sst s0;
	s0 =	simm.s32 @!p1 $0x0  }
0x14: {  	s2 =	sld [smem:$0x3F93];
	s0 =	simm.s32 @p1 $0x1  }
0x15: {  	[smem:$0x3FB0] =	sst s0;
	s0 =	simm.s32 @!p2 $0x0  }
0x16: {  	s3 =	sld [smem:$0x3FDB];
	s0 =	simm.s32 @p2 $0x1  }
0x17: {  	s4 =	simm.s32 $0x1BF5;
	[smem:$0x3FB2] =	sst s0  }
0x18: {  	s0 =	sld [smem:$0x3F95];
	_ =	swait.ge [sflag:s4], $0x0  }
0x19: {  	s7 =	sld [smem:$0x3F96]  }
0x1a: {  	s8 =	sadd.s32 $0xFFFFE003, lr  }
0x1b: {  	s9 =	sadd.s32 $0xFFFFFEF7, lr;
	s5 =	simm.s32 $0xFFFFFFFF;
	p2 =	slt.u32 s8, $0xFFFFF086  }
0x1c: {  	p1 =	slt.u32 s9, $0xF7A;
	s5 =	simm.s32 @!p2 $0x0  }
0x1d: {  	s5 =	simm.s32 @p1 $0x1;
	p0 =	seq.s32 s7, s2  }
0x1e: {  	s7 =	smul.u32 @!p0 $0xF7A, s2;
	p2 =	seq.s32 @!p0 s5, $0x0  }
0x1f: {  	s9 =	smul.u32 $0xF7A, s1;
	s8 =	simm.s32 @!p0 $0x1BF5;
	p2 =	por !p2, p0  }
0x20: {  	[sflag:s8] =	ssyncset.s32 @!p0 $0xFFFFF086;
	s6 =	sadd.s32 @!p0 s3, s7;
	s7 =	simm.s32 @!p0 $0x108  }
0x21: {  	s3 =	sadd.s32 s3, s9;
	s6 =	sadd.s32 @!p0 $0x88, s6;
	s7 =	simm.s32 @p2 $0x1082  }
0x22: {  	[simem:s7], [sflag:s8] =	dma.local @!p0 [hbm:s6], $0xF7A  }
0x23: {  	s9 =	sor.u32 $0xD0000000, s2;
	s6 =	simm.s32 $0x108;
	_ =	swait.ge @!p0 [sflag:s8], $0x0  }
0x24: {  	s3 =	sadd.s32 $0x88, s3;
	s6 =	simm.s32 @!p1 $0x1082;
	[sflag:s4] =	ssyncset.s32 $0xFFFFF086  }
0x25: {  	[simem:s6], [sflag:s4] =	dma.local [hbm:s3], $0xF7A  }
0x26: {  	[smem:$0x3F96] =	sst s1;
	(tag) =	ssettag s2;
	_ =	strace s9  }
0x27: {  	s1 =	sld [smem:$0x3FA6]  }
0x28: {  	s2 =	sld [smem:$0x3FA7]  }
0x29: {  	s4 =	sld [smem:$0x3FA9]  }
0x2a: {  	p0 =	seq.s32 s5, $0x0;
	s5 =	sld [smem:$0x3FAA]  }
0x2b: {  	s6 =	sld [smem:$0x3FAB]  }
0x2c: {  	s7 =	sld [smem:$0x3FAC]  }
0x2d: {  	s3 =	simm.s32 $0x108;
	s8 =	sld [smem:$0x3FAD]  }
0x2e: {  	s3 =	simm.s32 @!p0 $0x1082;
	s9 =	sld [smem:$0x3FAE]  }
0x2f: {  	lr =	sadd.s32 s0, s3;
	s0 =	sld [smem:$0x3FA5]  }
0x30: {  	s3 =	sld [smem:$0x3FA8]  }
0x31: {  	[smem:$0x3FB1] =	sst s10  }
0x32: {  	s10 =	sld [smem:$0x3FAF];
	_ =	sdelay $0x3  }
0x33: {  	p0 =	seq.s32 s10, $0x1;
	s10 =	sld [smem:$0x3FB1];
	_ =	sdelay $0x3  }
0x34: {  	[smem:$0x3FB1] =	sst s10  }
0x35: {  	s10 =	sld [smem:$0x3FB0];
	_ =	sdelay $0x3  }
0x36: {  	p1 =	seq.s32 s10, $0x1;
	s10 =	sld [smem:$0x3FB1];
	_ =	sdelay $0x3  }
0x37: {  	[smem:$0x3FB1] =	sst s10  }
0x38: {  	s10 =	sld [smem:$0x3FB2]  }
0x39: {  	_ = 	snop;
	(pc) =	sbr.ind lr, $3  }
0x3a: {  	_ = 	snop  }
0x3b: {  	_ = 	snop  }
0x3c: {  	p2 =	seq.s32 s10, $0x1;
	s10 =	sld [smem:$0x3FB1]  }
0x3d: {  	_ =	shalt  }
0x3e: {  	_ =	shalt  }
0x3f: {  	_ =	shalt  }
0x40: {  	_ =	shalt  }
0x41: {  	_ =	shalt  }
0x42: {  	_ =	shalt  }
0x43: {  	_ =	shalt  }
0x44: {  	_ =	shalt  }
0x45: {  	_ =	shalt  }
0x46: {  	_ =	shalt  }
0x47: {  	_ =	shalt  }
0x48: {  	_ =	shalt  }
0x49: {  	_ =	shalt  }
0x4a: {  	_ =	shalt  }
0x4b: {  	_ =	shalt  }
0x4c: {  	_ =	shalt  }
0x4d: {  	_ =	shalt  }
0x4e: {  	_ =	shalt  }
0x4f: {  	_ =	shalt  }
0x50: {  	_ =	shalt  }
0x51: {  	_ =	shalt  }
0x52: {  	_ =	shalt  }
0x53: {  	_ =	shalt  }
0x54: {  	_ =	shalt  }
0x55: {  	_ =	shalt  }
0x56: {  	_ =	shalt  }
0x57: {  	_ =	shalt  }
0x58: {  	_ =	shalt  }
0x59: {  	_ =	shalt  }
0x5a: {  	_ =	shalt  }
0x5b: {  	_ =	shalt  }
0x5c: {  	_ =	shalt  }
0x5d: {  	_ =	shalt  }
0x5e: {  	_ =	shalt  }
0x5f: {  	_ =	shalt  }
0x60: {  	_ =	shalt  }
0x61: {  	_ =	shalt  }
0x62: {  	_ =	shalt  }
0x63: {  	_ =	shalt  }
0x64: {  	_ =	shalt  }
0x65: {  	_ =	shalt  }
0x66: {  	_ =	shalt  }
0x67: {  	_ =	shalt  }
0x68: {  	_ =	shalt  }
0x69: {  	_ =	shalt  }
0x6a: {  	_ =	shalt  }
0x6b: {  	_ =	shalt  }
0x6c: {  	_ =	shalt  }
0x6d: {  	_ =	shalt  }
0x6e: {  	_ =	shalt  }
0x6f: {  	_ =	shalt  }
0x70: {  	_ =	shalt  }
0x71: {  	_ =	shalt  }
0x72: {  	_ =	shalt  }
0x73: {  	_ =	shalt  }
0x74: {  	_ =	shalt  }
0x75: {  	_ =	shalt  }
0x76: {  	_ =	shalt  }
0x77: {  	_ =	shalt  }
0x78: {  	_ =	shalt  }
0x79: {  	_ =	shalt  }
0x7a: {  	_ =	shalt  }
0x7b: {  	_ =	shalt  }
0x7c: {  	_ =	shalt  }
0x7d: {  	_ =	shalt  }
0x7e: {  	_ =	shalt  }
0x7f: {  	_ =	shalt  }
0x80: {  	_ =	shalt  }
0x81: {  	_ =	shalt  }
0x82: {  	_ =	shalt  }
0x83: {  	_ =	shalt  }
0x84: {  	_ =	shalt  }
0x85: {  	_ =	shalt  }
0x86: {  	_ =	shalt  }
0x87: {  	_ =	shalt  }
.Lfunc_end0:
.L_simem_size_0:
called_computation.1_lowered:
.L_overlay_start_0:
0x88: {  	s2 =	sld [smem:$0x3FD9]  }
0x89: {  	s3 =	sld [smem:$0x3FFE];
	_ =	sdelay $0x1  }
0x8a: {  	s1 =	srdreg.scid  }
0x8b: {  	s0 =	sand.u32 $0x1, s1  }
0x8c: {  	s17 =	sshll.u32 s0, $0xA;
	s2 =	sadd.s32 s3, s2  }
0x8d: {  	s2 =	sadd.s32 s2, s17  }
0x8e: {  	[smem:$0x3FBD] =	sst s2  }
0x8f: {  	_ = 	snop  }
0x90: {  	s2 =	sld [smem:$0x3FC8];
	(tm) =	ssettm $0x1  }
0x91: {  	s18 =	sld [smem:$0x3FFB];
	_ =	sdelay $0x3  }
0x92: {  	_ =	strace s18  }
0x93: {  	s3 =	sld [smem:$0x3FFC];
	_ =	sdelay $0x3  }
0x94: {  	_ =	strace s3  }
0x95: {  	s3 =	sld [smem:$0x3FFD];
	_ =	sdelay $0x3  }
0x96: {  	_ =	strace s3  }
0x97: {  	_ =	strace $0x8FFFFFFF  }
0x98: {  	s19 =	sld [smem:$0x3FDB];
	_ =	sdelay $0x1  }
0x99: {  	s4 =	simm.s32 $_scs_section_size  }
0x9a: {  	s5 =	simm.s32 $_size__tile_overlayer_lowered;
	s6 =	simm.s32 $_tile_overlayer_lowered  }
0x9b: {  	s22 =	simm.s32 $0x1BFF;
	s21 =	sshll.u32 s6, $0x1;
	s3 =	sadd.s32 s4, s19  }
0x9c: {  	s7 =	simm.s32 $0x0;
	s20 =	sshll.u32 s5, $0x1;
	s5 =	sadd.s32 s21, s3  }
0x9d: {  	[timem:s7], [sflag:s22] =	dma.local [hbm:s5], s20  }
0x9e: {  	_ =	swait.ge [sflag:s22], s20  }
0x9f: {  	s4 =	ssub.s32 $0x0, s20;
	[sflag:s22] =	ssyncset.done $0x0  }
0xa0: {  	[sflag:s22] =	ssyncadd.s32 s4;
	_ =	sdelay $0x1  }
0xa1: {  	s23 =	simm.s32 $0x1B8B  }
0xa2: {  	_ =	swait.ge [sflag:s23], $0x1  }
0xa3: {  	[sflag:s23] =	ssyncset.done $0x0  }
0xa4: {  	s25 =	simm.s32 $0x1B8E;
	s24 =	sld [smem:$0x3FFE];
	[sflag:s23] =	ssyncadd.s32 $0xFFFFFFFF  }
0xa5: {  	s26 =	simm.s32 $execute0_lowered;
	[smem:$0x3FD2] =	sst s25  }
0xa6: {  	s5 =	sshll.u32 s26, $0x1;
	_ =	strace $0x80000049;
	[dreg:$0x1] =	wrdreg $0xFFFFFFFF  }
0xa7: {  	s28 =	simm.s32 $_size_execute0_lowered;
	s3 =	sadd.s32 s3, s5;
	[dreg:$0x0] =	wrdreg $0x0  }
0xa8: {  	s5 =	sshll.u32 s28, $0x1;
	[dreg:$0x2] =	wrdreg s3  }
0xa9: {  	[dreg:$0x3] =	wrdreg s5  }
0xaa: {  	[dreg:$0x4] =	wrdreg $0xC0  }
0xab: {  	_ =	task [dreg:s7], $0x5FFFF  }
0xac: {  	[dreg:$0x1] =	wrdreg $0xFFFFFFFF  }
0xad: {  	[dreg:$0x0] =	wrdreg $0x60  }
0xae: {  	[dreg:$0x2] =	wrdreg s24  }
0xaf: {  	[dreg:$0x3] =	wrdreg s2  }
0xb0: {  	[dreg:$0x4] =	wrdreg $0xAE400  }
0xb1: {  	[dreg:$0x5] =	wrdreg $0x9  }
0xb2: {  	_ =	task.clear_ibuf [dreg:s7], $0x6FFFF;
	_ =	strace $0x90000049  }
0xb3: {  	s29 =	simm.s32 $0x9;
	_ =	strace $0x8000004B  }
0xb4: {  	_ =	swait.ge [sflag:s29], $0x1  }
0xb5: {  	[sflag:s29] =	ssyncadd.s32 $0xFFFFFFFF  }
0xb6: {  	_ =	strace $0x9000004B  }
0xb7: {  	_ =	sfence  }
0xb8: {  	s30 =	sld [smem:$0x0];
	_ =	sdelay $0x2  }
0xb9: {  	s31 =	sshll.u32 s1, $0xD;
	s1 =	sshrl.u32 s1, $0x2  }
0xba: {  	s3 =	sand.u32 $0x4000, s31;
	s1 =	sadd.s32 s1, s30  }
0xbb: {  	s0 =	sor.u32 s3, s0;
	s1 =	sshll.u32 s1, $0x11  }
0xbc: {  	s0 =	sor.u32 s1, s0  }
0xbd: {  	s0 =	sadd.s32 $0x8F2B, s0  }
0xbe: {  	[sflag:s0] =	ssyncadd.remote.s32 $0x1  }
0xbf: {  	_ =	sfence.sel $0xFFFF  }
0xc0: {  	[dreg:$0x0] =	wrdreg $0xFFFFFFFF;
	(pc) =	sbr.abs _section_cstart, $3  }
0xc1: {  	[dreg:$0x1] =	wrdreg $0xFFFFFFFF  }
0xc2: {  	_ =	task.clear_ibuf [dreg:s7], $0x2FFFF;
	_ =	strace $0x9FFFFFFF  }
0xc3: {  	(tm) =	ssettm $0x7FFFFFFF  }
tec
execute0_lowered:
.L_overlay_start_1:
0x0: {  	(tag) =	ssettag $0x1  }
0x1: {  	s5 =	rddreg [dreg:$0x0]  }
0x2: {  	s6 =	rddreg [dreg:$0x1]  }
0x3: {  	s2 =	rddreg [dreg:$0x2]  }
0x4: {  	s0 =	rddreg [dreg:$0x3];
	s4 =	srdreg.scid  }
0x5: {  	s1 =	stileid.u32;
	s3 =	simm.s32 $0x0;
	s15 =	simm.s32 $0x80  }
0x6: {  	s16 =	simm.s32 $0x4F00;
	s17 =	simm.s32 $0x100;
	s18 =	simm.s32 $0x6F00  }
0x7: {  	s19 =	simm.s32 $0x1;
	s20 =	simm.s32 $0x2;
	s8 =	smul.u32 $0x9C40, s1  }
0x8: {  	s21 =	simm.s32 $0x4C80;
	s7 =	sand.u32 $0x1, s4;
	s12 =	smul.u32 $0x27100, s1  }
0x9: {  	s22 =	simm.s32 $0x0;
	[smem:$0x7FF] =	sst s3;
	s9 =	smul.u32 $0x9C400, s7  }
0xa: {  	s4 =	sshll.u32 s7, $0x4;
	_ =	strace $0x8000004A;
	s26 =	ssub.s32 $0x2, s7  }
0xb: {  	s13 =	sor.u32 s1, s4;
	s4 =	sadd.s32 $0x1A00, s5;
	s29 =	sshrl.u32 s26, $0x1  }
0xc: {  	s30 =	sshrl.u32 s12, $0x2;
	s9 =	sadd.s32 s8, s9;
	s10 =	smul.u32 $0x4E, s13  }
0xd: {  	s11 =	smin.u32 s13, $0x4;
	s31 =	ssub.s32 s26, s29;
	p0 =	sgt.u32 s13, $0x3  }
0xe: {  	s13 =	simm.s32 $0x8F00;
	s9 =	sshrl.u32 s9, $0x3;
	s12 =	smax.u32 s31, $0x1  }
0xf: {  	s14 =	sadd.s32 s9, s5;
	s28 =	sadd.s32 s11, s10;
	s10 =	sadd.s32 s30, s2  }
0x10: {  	s7 =	sshll.u32 s28, $0x5;
	s9 =	sadd.s32 $0x5DC0, s10;
	s11 =	sadd.s32 $0x15400, s14  }
0x11: {  	s14 =	simm.s32 $0x3;
	s5 =	sadd.s32 s6, s7;
	s6 =	sadd.s32 s8, s2  }
0x12: {  	v0 =	vimm.f32 $0.0e+00;
	s7 =	sadd.s32 $0x1F40, s10;
	s8 =	sadd.s32 $0x3E80, s10;
	s10 =	sadd.s32 $0x7D00, s10  }
.LBB2_1:
0x13: {  	s23 =	simm.s32 @p0 $0x0  }
0x14: {  	[tilespmem:s23], [sflag:$0x3] =	stream.linear.gather @p0 [hbm4b:s5+s23], $0x4E00, $0x38;
	[tilespmem:$0x14A80] =	vst v63  }
0x15: {  	s23 =	simm.s32 @p0 $0x3  }
0x16: {  	_ =	swait.ge @p0 [sflag:s23], $0x4E00  }
0x17: {  	[sflag:s23] =	ssyncset.done @p0 $0x0  }
0x18: {  	[sflag:s23] =	ssyncadd.s32 @p0 $0xFFFFB200;
	s23 =	simm.s32 @!p0 $0x0  }
0x19: {  	[tilespmem:s23], [sflag:$0x3] =	stream.linear.gather @!p0 [hbm4b:s5+s23], $0x4F00, $0x38;
	[tilespmem:$0x14A80] =	vst v63  }
0x1a: {  	s23 =	simm.s32 @!p0 $0x3  }
0x1b: {  	_ =	swait.ge @!p0 [sflag:s23], $0x4F00  }
0x1c: {  	[sflag:s23] =	ssyncset.done @!p0 $0x0  }
0x1d: {  	s24 =	simm.s32 $0x100;
	[sflag:s23] =	ssyncadd.s32 @!p0 $0xFFFFB100;
	s23 =	simm.s32 $0x0  }
.LBB2_2:
0x1e: {  	p1 =	sne.s32 s24, $0x7C00;
	[tilespmem:s23+$0x8F30] =	vst v0;
	s25 =	smov.u32 s24;
	s24 =	sadd.s32 $0x100, s24  }
.Ltmp0:
0x1f: {  	[tilespmem:s23+$0x8F20] =	vst v0;
	(pc) =	sbr.rel @p1 .LBB2_2-.Ltmp0, $3  }
0x20: {  	[tilespmem:s23+$0x8F00] =	vst v0  }
0x21: {  	[tilespmem:s23+$0x8F10] =	vst v0;
	_ =	sdelay $0x1  }
0x22: {  	s23 =	sshra.s32 s25, $0x2  }
0x23: {  	[tilespmem:s23+$0x8F30] =	vst v0  }
0x24: {  	[tilespmem:s23+$0x8F20] =	vst v0  }
0x25: {  	[tilespmem:s23+$0x8F00] =	vst v0  }
0x26: {  	[tilespmem:s23+$0x8F10] =	vst v0  }
0x27: {  	[spmem:s6] =	stream.linear.scatter [tilespmem:s13], [sflag:$0x3], $0x1F40, $0x38;
	[tilespmem:$0x14A80] =	vst v63  }
0x28: {  	_ =	swait.ge [sflag:s14], $0x1F40  }
0x29: {  	[sflag:s14] =	ssyncset.done $0x0  }
0x2a: {  	[sflag:s14] =	ssyncadd.s32 $0xFFFFE0C0  }
0x2b: {  	[spmem:s7] =	stream.linear.scatter [tilespmem:s13], [sflag:$0x3], $0x1F40, $0x38;
	[tilespmem:$0x14A80] =	vst v63  }
0x2c: {  	_ =	swait.ge [sflag:s14], $0x1F40  }
0x2d: {  	[sflag:s14] =	ssyncset.done $0x0  }
0x2e: {  	[sflag:s14] =	ssyncadd.s32 $0xFFFFE0C0  }
0x2f: {  	[spmem:s8] =	stream.linear.scatter [tilespmem:s13], [sflag:$0x3], $0x1F40, $0x38;
	[tilespmem:$0x14A80] =	vst v63  }
0x30: {  	_ =	swait.ge [sflag:s14], $0x1F40  }
0x31: {  	[sflag:s14] =	ssyncset.done $0x0  }
0x32: {  	[sflag:s14] =	ssyncadd.s32 $0xFFFFE0C0  }
0x33: {  	[spmem:s9] =	stream.linear.scatter [tilespmem:s13], [sflag:$0x3], $0x1F40, $0x38;
	[tilespmem:$0x14A80] =	vst v63  }
0x34: {  	_ =	swait.ge [sflag:s14], $0x1F40  }
0x35: {  	[sflag:s14] =	ssyncset.done $0x0  }
0x36: {  	[sflag:s14] =	ssyncadd.s32 $0xFFFFE0C0  }
0x37: {  	[spmem:s10] =	stream.linear.scatter [tilespmem:s13], [sflag:$0x3], $0x1F40, $0x38;
	[tilespmem:$0x14A80] =	vst v63  }
0x38: {  	_ =	swait.ge [sflag:s14], $0x1F40  }
0x39: {  	[sflag:s14] =	ssyncset.done $0x0  }
0x3a: {  	[sflag:s14] =	ssyncadd.s32 $0xFFFFE0C0  }
0x3b: {  	[bflag:$0x0] =	sbarrier.arrive $0xFFFF  }
0x3c: {  	[tilespmem:s16], [sflag:$0x1] =	stream.indirect.gather [hbm4b:s4+s15], $0x40, s3, s15, $0xb8;
	[tilespmem:$0x14A80] =	vst v63  }
0x3d: {  	_ = 	snop  }
0x3e: {  	[tilespmem:s18], [sflag:$0x2] =	stream.indirect.gather [hbm4b:s4+s15], $0x40, s17, s15, $0xb8;
	[tilespmem:$0x14A80] =	vst v63  }
0x3f: {  	_ =	swait.ge [sflag:s19], $0x2000  }
0x40: {  	[sflag:s19] =	ssyncset.done $0x0  }
0x41: {  	s29 =	simm.s32 $0x80;
	[sflag:s19] =	ssyncadd.s32 $0xFFFFE000  }
0x42: {  	[spmem:s2] =	stream.indirect.scatter.add.f32 [tilespmem:s16], [sflag:$0x3], $0x40, s29, s15, $0xb8;
	[tilespmem:$0x14A80] =	vst v63  }
0x43: {  	_ =	swait.ge [sflag:s14], $0x2000  }
0x44: {  	[sflag:s14] =	ssyncset.done $0x0  }
0x45: {  	s30 =	simm.s32 $0x200;
	[sflag:s14] =	ssyncadd.s32 $0xFFFFE000  }
0x46: {  	[tilespmem:s16], [sflag:$0x1] =	stream.indirect.gather [hbm4b:s4+s15], $0x40, s30, s15, $0xb8;
	[tilespmem:$0x14A80] =	vst v63  }
0x47: {  	_ =	swait.ge [sflag:s20], $0x2000  }
0x48: {  	[sflag:s20] =	ssyncset.done $0x0  }
0x49: {  	s31 =	simm.s32 $0x180;
	[sflag:s20] =	ssyncadd.s32 $0xFFFFE000  }
0x4a: {  	[spmem:s2] =	stream.indirect.scatter.add.f32 [tilespmem:s18], [sflag:$0x3], $0x40, s31, s15, $0xb8;
	[tilespmem:$0x14A80] =	vst v63  }
0x4b: {  	_ =	swait.ge [sflag:s14], $0x2000  }
0x4c: {  	[sflag:s14] =	ssyncset.done $0x0  }
0x4d: {  	s23 =	simm.s32 $0xFFFED800;
	s24 =	simm.s32 $0x300;
	[sflag:s14] =	ssyncadd.s32 $0xFFFFE000  }
.LBB2_4:
0x4e: {  	[tilespmem:s18], [sflag:$0x2] =	stream.indirect.gather [hbm4b:s4+s15], $0x40, s24, s15, $0xb8;
	[tilespmem:$0x14A80] =	vst v63  }
0x4f: {  	s24 =	smov.u32 s23  }
0x50: {  	p1 =	sne.s32 s23, $0xFFFFF800;
	s23 =	sadd.s32 $0x800, s23;
	_ =	swait.ge [sflag:s19], $0x2000  }
0x51: {  	s24 =	sshra.s32 s24, $0x2;
	[sflag:s19] =	ssyncset.done $0x0  }
0x52: {  	s25 =	sadd.s32 $0x4C80, s24;
	[sflag:s19] =	ssyncadd.s32 $0xFFFFE000  }
0x53: {  	[spmem:s2] =	stream.indirect.scatter.add.f32 [tilespmem:s16], [sflag:$0x3], $0x40, s25, s15, $0xb8;
	[tilespmem:$0x14A80] =	vst v63  }
0x54: {  	_ =	swait.ge [sflag:s14], $0x2000  }
0x55: {  	[sflag:s14] =	ssyncset.done $0x0  }
0x56: {  	s25 =	sadd.s32 $0x4E00, s24;
	[sflag:s14] =	ssyncadd.s32 $0xFFFFE000  }
0x57: {  	[tilespmem:s16], [sflag:$0x1] =	stream.indirect.gather [hbm4b:s4+s15], $0x40, s25, s15, $0xb8;
	[tilespmem:$0x14A80] =	vst v63  }
0x58: {  	_ =	swait.ge [sflag:s20], $0x2000  }
0x59: {  	[sflag:s20] =	ssyncset.done $0x0  }
.Ltmp1:
0x5a: {  	s25 =	sadd.s32 $0x4D80, s24;
	[sflag:s20] =	ssyncadd.s32 $0xFFFFE000;
	(pc) =	sbr.rel @p1 .LBB2_4-.Ltmp1, $4  }
0x5b: {  	[spmem:s2] =	stream.indirect.scatter.add.f32 [tilespmem:s18], [sflag:$0x3], $0x40, s25, s15, $0xb8;
	[tilespmem:$0x14A80] =	vst v63  }
0x5c: {  	_ =	swait.ge [sflag:s14], $0x2000  }
0x5d: {  	[sflag:s14] =	ssyncset.done $0x0  }
0x5e: {  	s24 =	sadd.s32 $0x4F00, s24;
	[sflag:s14] =	ssyncadd.s32 $0xFFFFE000  }
0x5f: {  	[tilespmem:s18], [sflag:$0x2] =	stream.indirect.gather [hbm4b:s4+s15], $0x40, s24, s15, $0xb8;
	[tilespmem:$0x14A80] =	vst v63  }
0x60: {  	_ =	swait.ge [sflag:s19], $0x2000  }
0x61: {  	[sflag:s19] =	ssyncset.done $0x0  }
0x62: {  	[sflag:s19] =	ssyncadd.s32 $0xFFFFE000  }
0x63: {  	[spmem:s2] =	stream.indirect.scatter.add.f32 [tilespmem:s16], [sflag:$0x3], $0x40, s21, s15, $0xb8;
	[tilespmem:$0x14A80] =	vst v63  }
0x64: {  	_ =	swait.ge [sflag:s14], $0x2000  }
0x65: {  	[sflag:s14] =	ssyncset.done $0x0  }
0x66: {  	s23 =	simm.s32 @p0 $0x2;
	[sflag:s14] =	ssyncadd.s32 $0xFFFFE000  }
0x67: {  	_ =	swait.ge @p0 [sflag:s23], $0x2000  }
0x68: {  	s24 =	simm.s32 @p0 $0x4D80;
	[sflag:s23] =	ssyncset.done @p0 $0x0  }
0x69: {  	s25 =	simm.s32 @p0 $0x6F00;
	[sflag:s23] =	ssyncadd.s32 @p0 $0xFFFFE000;
	s23 =	simm.s32 @p0 $0x80  }
0x6a: {  	[spmem:s2] =	stream.indirect.scatter.add.f32 @p0 [tilespmem:s25], [sflag:$0x3], $0x40, s24, s23, $0xb8;
	[tilespmem:$0x14A80] =	vst v63  }
0x6b: {  	s23 =	simm.s32 @!p0 $0x80;
	s24 =	simm.s32 @!p0 $0x4E00;
	s25 =	simm.s32 @!p0 $0x4F00  }
0x6c: {  	[tilespmem:s25], [sflag:$0x1] =	stream.indirect.gather @!p0 [hbm4b:s4+s23], $0x40, s24, s23, $0xb8;
	[tilespmem:$0x14A80] =	vst v63  }
0x6d: {  	s24 =	simm.s32 @!p0 $0x2  }
0x6e: {  	_ =	swait.ge @!p0 [sflag:s24], $0x2000  }
0x6f: {  	[sflag:s24] =	ssyncset.done @!p0 $0x0  }
0x70: {  	s26 =	simm.s32 @!p0 $0x6F00;
	[sflag:s24] =	ssyncadd.s32 @!p0 $0xFFFFE000;
	s24 =	simm.s32 @!p0 $0x4D80  }
0x71: {  	[spmem:s2] =	stream.indirect.scatter.add.f32 @!p0 [tilespmem:s26], [sflag:$0x3], $0x40, s24, s23, $0xb8;
	[tilespmem:$0x14A80] =	vst v63  }
0x72: {  	s24 =	simm.s32 @!p0 $0x3  }
0x73: {  	_ =	swait.ge @!p0 [sflag:s24], $0x2000  }
0x74: {  	[sflag:s24] =	ssyncset.done @!p0 $0x0  }
0x75: {  	[sflag:s24] =	ssyncadd.s32 @!p0 $0xFFFFE000;
	s24 =	simm.s32 @!p0 $0x1  }
0x76: {  	_ =	swait.ge @!p0 [sflag:s24], $0x2000  }
0x77: {  	[sflag:s24] =	ssyncset.done @!p0 $0x0  }
0x78: {  	[sflag:s24] =	ssyncadd.s32 @!p0 $0xFFFFE000;
	s24 =	simm.s32 @!p0 $0x4E80  }
0x79: {  	[spmem:s2] =	stream.indirect.scatter.add.f32 @!p0 [tilespmem:s25], [sflag:$0x3], $0x40, s24, s23, $0xb8;
	[tilespmem:$0x14A80] =	vst v63  }
0x7a: {  	_ =	swait.ge [sflag:s14], $0x2000  }
0x7b: {  	s30 =	sshll.u32 s1, $0x6;
	s22 =	sadd.s32 $0x1, s22;
	[sflag:s14] =	ssyncset.done $0x0  }
0x7c: {  	s31 =	sshrl.u32 s6, $0x3;
	p1 =	sne.s32 s22, s12;
	[sflag:s14] =	ssyncadd.s32 $0xFFFFE000  }
.Ltmp2:
0x7d: {  	s23 =	sor.u32 $0x1C03, s30;
	[bflag:$0x0] =	sbarrier.arrive $0xFFFF;
	(pc) =	sbr.rel @p1 .LBB2_1-.Ltmp2, $4  }
0x7e: {  	[hbm:s11], [sflag:s23] =	dma.local [spmem:s31], $0x1388  }
0x7f: {  	_ =	swait.ge [sflag:s14], $0x1388  }
0x80: {  	[sflag:s14] =	ssyncset.done $0x0  }
0x81: {  	[sflag:s14] =	ssyncadd.s32 $0xFFFFEC78  }
0x82: {  	_ =	sfence.sel $0x180000  }
0x83: {  	[bflag:$0x0] =	sbarrier.arrive $0xFFFF  }
0x84: {  	p0 =	sne.s32 s1, $0x0;
	_ =	strace $0x9000004A  }
0x85: {  	s0 =	sadd.s32 @!p0 $0x100000, s0;
	[bflag:$0x2] =	sbarrier.arrive $0xFFFF  }
0x86: {  	[sflag:s0] =	ssyncadd.tile.s32 @!p0 $0x1;
	_ =	shalt  }
.Lfunc_end2:
_tile_overlayer_lowered:
.L_overlay_start_2:
0x87: {  	(tag) =	ssettag $0x2  }
0x88: {  	s0 =	rddreg [dreg:$0x0];
	s2 =	stileid.u32  }
0x89: {  	s1 =	rddreg [dreg:$0x1];
	p0 =	sne.s32 s2, $0x0  }
0x8a: {  	s3 =	rddreg [dreg:$0x2];
	[bflag:$0x3] =	sbarrier.arrive $0xFFFF;
	s2 =	simm.s32 @!p0 $0x1C03  }
0x8b: {  	[timem:s3], [sflag:s2] =	dma.local @!p0 [hbm:s0], s1  }
0x8c: {  	s0 =	simm.s32 @!p0 $0x3  }
0x8d: {  	_ =	swait.ge @!p0 [sflag:s0], s1  }
0x8e: {  	s1 =	ssub.s32 @!p0 $0x0, s1;
	[sflag:s0] =	ssyncset.done @!p0 $0x0  }
0x8f: {  	[sflag:s0] =	ssyncadd.s32 @!p0 s1  }
0x90: {  	[bflag:$0x3] =	sbarrier.arrive $0xFFFF  }
0x91: {  	_ =	shalt  }

// kernel: kernel.14.cloned.1.call-start
scs
__scs_entry_jumppad:
0x0: {  	(pc) =	sbr.rel $0x88, $3  }
0x1: {  	(tag) =	ssettag $0x0;
	lr =	simm.s32 $0x1  }
0x2: {  	[smem:$0x3F96] =	sst lr;
	_ =	strace $0xD0000000  }
0x3: {  	_ = 	snop  }
0x4: {  	_ = 	snop  }
0x5: {  	_ = 	snop  }
0x6: {  	_ = 	snop  }
0x7: {  	_ = 	snop  }
__scs_overlays_trampoline_lowered:
0x8: {  	[smem:$0x3FA5] =	sst s0  }
0x9: {  	[smem:$0x3FA6] =	sst s1  }
0xa: {  	[smem:$0x3FA7] =	sst s2  }
0xb: {  	[smem:$0x3FA8] =	sst s3  }
0xc: {  	[smem:$0x3FA9] =	sst s4  }
0xd: {  	[smem:$0x3FAA] =	sst s5  }
0xe: {  	[smem:$0x3FAB] =	sst s6  }
0xf: {  	[smem:$0x3FAC] =	sst s7  }
0x10: {  	[smem:$0x3FAD] =	sst s8  }
0x11: {  	[smem:$0x3FAE] =	sst s9;
	s0 =	simm.s32 @!p0 $0x0  }
0x12: {  	s1 =	sld [smem:$0x3F94];
	s0 =	simm.s32 @p0 $0x1  }
0x13: {  	[smem:$0x3FAF] =	sst s0;
	s0 =	simm.s32 @!p1 $0x0  }
0x14: {  	s2 =	sld [smem:$0x3F93];
	s0 =	simm.s32 @p1 $0x1  }
0x15: {  	[smem:$0x3FB0] =	sst s0;
	s0 =	simm.s32 @!p2 $0x0  }
0x16: {  	s3 =	sld [smem:$0x3FDB];
	s0 =	simm.s32 @p2 $0x1  }
0x17: {  	s4 =	simm.s32 $0x1BF5;
	[smem:$0x3FB2] =	sst s0  }
0x18: {  	s0 =	sld [smem:$0x3F95];
	_ =	swait.ge [sflag:s4], $0x0  }
0x19: {  	s7 =	sld [smem:$0x3F96]  }
0x1a: {  	s8 =	sadd.s32 $0xFFFFE003, lr  }
0x1b: {  	s9 =	sadd.s32 $0xFFFFFEF7, lr;
	s5 =	simm.s32 $0xFFFFFFFF;
	p2 =	slt.u32 s8, $0xFFFFF086  }
0x1c: {  	p1 =	slt.u32 s9, $0xF7A;
	s5 =	simm.s32 @!p2 $0x0  }
0x1d: {  	s5 =	simm.s32 @p1 $0x1;
	p0 =	seq.s32 s7, s2  }
0x1e: {  	s7 =	smul.u32 @!p0 $0xF7A, s2;
	p2 =	seq.s32 @!p0 s5, $0x0  }
0x1f: {  	s9 =	smul.u32 $0xF7A, s1;
	s8 =	simm.s32 @!p0 $0x1BF5;
	p2 =	por !p2, p0  }
0x20: {  	[sflag:s8] =	ssyncset.s32 @!p0 $0xFFFFF086;
	s6 =	sadd.s32 @!p0 s3, s7;
	s7 =	simm.s32 @!p0 $0x108  }
0x21: {  	s3 =	sadd.s32 s3, s9;
	s6 =	sadd.s32 @!p0 $0x88, s6;
	s7 =	simm.s32 @p2 $0x1082  }
0x22: {  	[simem:s7], [sflag:s8] =	dma.local @!p0 [hbm:s6], $0xF7A  }
0x23: {  	s9 =	sor.u32 $0xD0000000, s2;
	s6 =	simm.s32 $0x108;
	_ =	swait.ge @!p0 [sflag:s8], $0x0  }
0x24: {  	s3 =	sadd.s32 $0x88, s3;
	s6 =	simm.s32 @!p1 $0x1082;
	[sflag:s4] =	ssyncset.s32 $0xFFFFF086  }
0x25: {  	[simem:s6], [sflag:s4] =	dma.local [hbm:s3], $0xF7A  }
0x26: {  	[smem:$0x3F96] =	sst s1;
	(tag) =	ssettag s2;
	_ =	strace s9  }
0x27: {  	s1 =	sld [smem:$0x3FA6]  }
0x28: {  	s2 =	sld [smem:$0x3FA7]  }
0x29: {  	s4 =	sld [smem:$0x3FA9]  }
0x2a: {  	p0 =	seq.s32 s5, $0x0;
	s5 =	sld [smem:$0x3FAA]  }
0x2b: {  	s6 =	sld [smem:$0x3FAB]  }
0x2c: {  	s7 =	sld [smem:$0x3FAC]  }
0x2d: {  	s3 =	simm.s32 $0x108;
	s8 =	sld [smem:$0x3FAD]  }
0x2e: {  	s3 =	simm.s32 @!p0 $0x1082;
	s9 =	sld [smem:$0x3FAE]  }
0x2f: {  	lr =	sadd.s32 s0, s3;
	s0 =	sld [smem:$0x3FA5]  }
0x30: {  	s3 =	sld [smem:$0x3FA8]  }
0x31: {  	[smem:$0x3FB1] =	sst s10  }
0x32: {  	s10 =	sld [smem:$0x3FAF];
	_ =	sdelay $0x3  }
0x33: {  	p0 =	seq.s32 s10, $0x1;
	s10 =	sld [smem:$0x3FB1];
	_ =	sdelay $0x3  }
0x34: {  	[smem:$0x3FB1] =	sst s10  }
0x35: {  	s10 =	sld [smem:$0x3FB0];
	_ =	sdelay $0x3  }
0x36: {  	p1 =	seq.s32 s10, $0x1;
	s10 =	sld [smem:$0x3FB1];
	_ =	sdelay $0x3  }
0x37: {  	[smem:$0x3FB1] =	sst s10  }
0x38: {  	s10 =	sld [smem:$0x3FB2]  }
0x39: {  	_ = 	snop;
	(pc) =	sbr.ind lr, $3  }
0x3a: {  	_ = 	snop  }
0x3b: {  	_ = 	snop  }
0x3c: {  	p2 =	seq.s32 s10, $0x1;
	s10 =	sld [smem:$0x3FB1]  }
0x3d: {  	_ =	shalt  }
0x3e: {  	_ =	shalt  }
0x3f: {  	_ =	shalt  }
0x40: {  	_ =	shalt  }
0x41: {  	_ =	shalt  }
0x42: {  	_ =	shalt  }
0x43: {  	_ =	shalt  }
0x44: {  	_ =	shalt  }
0x45: {  	_ =	shalt  }
0x46: {  	_ =	shalt  }
0x47: {  	_ =	shalt  }
0x48: {  	_ =	shalt  }
0x49: {  	_ =	shalt  }
0x4a: {  	_ =	shalt  }
0x4b: {  	_ =	shalt  }
0x4c: {  	_ =	shalt  }
0x4d: {  	_ =	shalt  }
0x4e: {  	_ =	shalt  }
0x4f: {  	_ =	shalt  }
0x50: {  	_ =	shalt  }
0x51: {  	_ =	shalt  }
0x52: {  	_ =	shalt  }
0x53: {  	_ =	shalt  }
0x54: {  	_ =	shalt  }
0x55: {  	_ =	shalt  }
0x56: {  	_ =	shalt  }
0x57: {  	_ =	shalt  }
0x58: {  	_ =	shalt  }
0x59: {  	_ =	shalt  }
0x5a: {  	_ =	shalt  }
0x5b: {  	_ =	shalt  }
0x5c: {  	_ =	shalt  }
0x5d: {  	_ =	shalt  }
0x5e: {  	_ =	shalt  }
0x5f: {  	_ =	shalt  }
0x60: {  	_ =	shalt  }
0x61: {  	_ =	shalt  }
0x62: {  	_ =	shalt  }
0x63: {  	_ =	shalt  }
0x64: {  	_ =	shalt  }
0x65: {  	_ =	shalt  }
0x66: {  	_ =	shalt  }
0x67: {  	_ =	shalt  }
0x68: {  	_ =	shalt  }
0x69: {  	_ =	shalt  }
0x6a: {  	_ =	shalt  }
0x6b: {  	_ =	shalt  }
0x6c: {  	_ =	shalt  }
0x6d: {  	_ =	shalt  }
0x6e: {  	_ =	shalt  }
0x6f: {  	_ =	shalt  }
0x70: {  	_ =	shalt  }
0x71: {  	_ =	shalt  }
0x72: {  	_ =	shalt  }
0x73: {  	_ =	shalt  }
0x74: {  	_ =	shalt  }
0x75: {  	_ =	shalt  }
0x76: {  	_ =	shalt  }
0x77: {  	_ =	shalt  }
0x78: {  	_ =	shalt  }
0x79: {  	_ =	shalt  }
0x7a: {  	_ =	shalt  }
0x7b: {  	_ =	shalt  }
0x7c: {  	_ =	shalt  }
0x7d: {  	_ =	shalt  }
0x7e: {  	_ =	shalt  }
0x7f: {  	_ =	shalt  }
0x80: {  	_ =	shalt  }
0x81: {  	_ =	shalt  }
0x82: {  	_ =	shalt  }
0x83: {  	_ =	shalt  }
0x84: {  	_ =	shalt  }
0x85: {  	_ =	shalt  }
0x86: {  	_ =	shalt  }
0x87: {  	_ =	shalt  }
.Lfunc_end0:
.L_simem_size_0:
called_computation.2_lowered:
.L_overlay_start_0:
0x88: {  	s2 =	sld [smem:$0x3FD9]  }
0x89: {  	s3 =	sld [smem:$0x3FFE];
	_ =	sdelay $0x1  }
0x8a: {  	s1 =	srdreg.scid  }
0x8b: {  	s0 =	sand.u32 $0x1, s1  }
0x8c: {  	s17 =	sshll.u32 s0, $0xA;
	s2 =	sadd.s32 s3, s2  }
0x8d: {  	s2 =	sadd.s32 s2, s17  }
0x8e: {  	[smem:$0x3FBD] =	sst s2  }
0x8f: {  	_ = 	snop  }
0x90: {  	s2 =	sld [smem:$0x3FC8];
	(tm) =	ssettm $0x1  }
0x91: {  	s18 =	sld [smem:$0x3FFB];
	_ =	sdelay $0x3  }
0x92: {  	_ =	strace s18  }
0x93: {  	s3 =	sld [smem:$0x3FFC];
	_ =	sdelay $0x3  }
0x94: {  	_ =	strace s3  }
0x95: {  	s3 =	sld [smem:$0x3FFD];
	_ =	sdelay $0x3  }
0x96: {  	_ =	strace s3  }
0x97: {  	_ =	strace $0x8FFFFFFF  }
0x98: {  	s19 =	sld [smem:$0x3FDB];
	_ =	sdelay $0x1  }
0x99: {  	s4 =	simm.s32 $_scs_section_size  }
0x9a: {  	s5 =	simm.s32 $_size__tile_overlayer_lowered;
	s6 =	simm.s32 $_tile_overlayer_lowered  }
0x9b: {  	s22 =	simm.s32 $0x1BFF;
	s21 =	sshll.u32 s6, $0x1;
	s3 =	sadd.s32 s4, s19  }
0x9c: {  	s7 =	simm.s32 $0x0;
	s20 =	sshll.u32 s5, $0x1;
	s5 =	sadd.s32 s21, s3  }
0x9d: {  	[timem:s7], [sflag:s22] =	dma.local [hbm:s5], s20  }
0x9e: {  	_ =	swait.ge [sflag:s22], s20  }
0x9f: {  	s4 =	ssub.s32 $0x0, s20;
	[sflag:s22] =	ssyncset.done $0x0  }
0xa0: {  	[sflag:s22] =	ssyncadd.s32 s4;
	_ =	sdelay $0x1  }
0xa1: {  	s23 =	simm.s32 $0x1B8B  }
0xa2: {  	_ =	swait.ge [sflag:s23], $0x1  }
0xa3: {  	[sflag:s23] =	ssyncset.done $0x0  }
0xa4: {  	s25 =	simm.s32 $0x1B8E;
	s24 =	sld [smem:$0x3FFE];
	[sflag:s23] =	ssyncadd.s32 $0xFFFFFFFF  }
0xa5: {  	s26 =	simm.s32 $execute0_lowered;
	[smem:$0x3FD2] =	sst s25  }
0xa6: {  	s5 =	sshll.u32 s26, $0x1;
	_ =	strace $0x8000004C;
	[dreg:$0x1] =	wrdreg $0xFFFFFFFF  }
0xa7: {  	s28 =	simm.s32 $_size_execute0_lowered;
	s3 =	sadd.s32 s3, s5;
	[dreg:$0x0] =	wrdreg $0x0  }
0xa8: {  	s5 =	sshll.u32 s28, $0x1;
	[dreg:$0x2] =	wrdreg s3  }
0xa9: {  	[dreg:$0x3] =	wrdreg s5  }
0xaa: {  	[dreg:$0x4] =	wrdreg $0xC0  }
0xab: {  	_ =	task [dreg:s7], $0x5FFFF  }
0xac: {  	[dreg:$0x1] =	wrdreg $0xFFFFFFFF  }
0xad: {  	[dreg:$0x0] =	wrdreg $0x60  }
0xae: {  	[dreg:$0x2] =	wrdreg s24  }
0xaf: {  	[dreg:$0x3] =	wrdreg s2  }
0xb0: {  	[dreg:$0x4] =	wrdreg $0xAE400  }
0xb1: {  	[dreg:$0x5] =	wrdreg $0x9  }
0xb2: {  	_ =	task.clear_ibuf [dreg:s7], $0x6FFFF;
	_ =	strace $0x9000004C  }
0xb3: {  	s29 =	simm.s32 $0x9;
	_ =	strace $0x8000004E  }
0xb4: {  	_ =	swait.ge [sflag:s29], $0x1  }
0xb5: {  	[sflag:s29] =	ssyncadd.s32 $0xFFFFFFFF  }
0xb6: {  	_ =	strace $0x9000004E  }
0xb7: {  	_ =	sfence  }
0xb8: {  	s30 =	sld [smem:$0x0];
	_ =	sdelay $0x2  }
0xb9: {  	s31 =	sshll.u32 s1, $0xD;
	s1 =	sshrl.u32 s1, $0x2  }
0xba: {  	s3 =	sand.u32 $0x4000, s31;
	s1 =	sadd.s32 s1, s30  }
0xbb: {  	s0 =	sor.u32 s3, s0;
	s1 =	sshll.u32 s1, $0x11  }
0xbc: {  	s0 =	sor.u32 s1, s0  }
0xbd: {  	s0 =	sadd.s32 $0x8F2B, s0  }
0xbe: {  	[sflag:s0] =	ssyncadd.remote.s32 $0x1  }
0xbf: {  	_ =	sfence.sel $0xFFFF  }
0xc0: {  	[dreg:$0x0] =	wrdreg $0xFFFFFFFF;
	(pc) =	sbr.abs _section_cstart, $3  }
0xc1: {  	[dreg:$0x1] =	wrdreg $0xFFFFFFFF  }
0xc2: {  	_ =	task.clear_ibuf [dreg:s7], $0x2FFFF;
	_ =	strace $0x9FFFFFFF  }
0xc3: {  	(tm) =	ssettm $0x7FFFFFFF  }
tec
execute0_lowered:
.L_overlay_start_1:
0x0: {  	(tag) =	ssettag $0x1  }
0x1: {  	s5 =	rddreg [dreg:$0x0]  }
0x2: {  	s6 =	rddreg [dreg:$0x1]  }
0x3: {  	s2 =	rddreg [dreg:$0x2]  }
0x4: {  	s0 =	rddreg [dreg:$0x3];
	s4 =	srdreg.scid  }
0x5: {  	s1 =	stileid.u32;
	s3 =	simm.s32 $0x0;
	s15 =	simm.s32 $0x80  }
0x6: {  	s16 =	simm.s32 $0x4F00;
	s17 =	simm.s32 $0x100;
	s18 =	simm.s32 $0x6F00  }
0x7: {  	s19 =	simm.s32 $0x1;
	s20 =	simm.s32 $0x2;
	s8 =	smul.u32 $0x9C40, s1  }
0x8: {  	s21 =	simm.s32 $0x4C80;
	s7 =	sand.u32 $0x1, s4;
	s12 =	smul.u32 $0x27100, s1  }
0x9: {  	s22 =	simm.s32 $0x0;
	[smem:$0x7FF] =	sst s3;
	s9 =	smul.u32 $0x9C400, s7  }
0xa: {  	s4 =	sshll.u32 s7, $0x4;
	_ =	strace $0x8000004D;
	s26 =	ssub.s32 $0x2, s7  }
0xb: {  	s13 =	sor.u32 s1, s4;
	s4 =	sadd.s32 $0x1A00, s5;
	s29 =	sshrl.u32 s26, $0x1  }
0xc: {  	s30 =	sshrl.u32 s12, $0x2;
	s9 =	sadd.s32 s8, s9;
	s10 =	smul.u32 $0x4E, s13  }
0xd: {  	s11 =	smin.u32 s13, $0x4;
	s31 =	ssub.s32 s26, s29;
	p0 =	sgt.u32 s13, $0x3  }
0xe: {  	s13 =	simm.s32 $0x8F00;
	s9 =	sshrl.u32 s9, $0x3;
	s12 =	smax.u32 s31, $0x1  }
0xf: {  	s14 =	sadd.s32 s9, s5;
	s28 =	sadd.s32 s11, s10;
	s10 =	sadd.s32 s30, s2  }
0x10: {  	s7 =	sshll.u32 s28, $0x5;
	s9 =	sadd.s32 $0x5DC0, s10;
	s11 =	sadd.s32 $0x15400, s14  }
0x11: {  	s14 =	simm.s32 $0x3;
	s5 =	sadd.s32 s6, s7;
	s6 =	sadd.s32 s8, s2  }
0x12: {  	v0 =	vimm.f32 $0.0e+00;
	s7 =	sadd.s32 $0x1F40, s10;
	s8 =	sadd.s32 $0x3E80, s10;
	s10 =	sadd.s32 $0x7D00, s10  }
.LBB2_1:
0x13: {  	s23 =	simm.s32 @p0 $0x0  }
0x14: {  	[tilespmem:s23], [sflag:$0x3] =	stream.linear.gather @p0 [hbm4b:s5+s23], $0x4E00, $0x38;
	[tilespmem:$0x14A80] =	vst v63  }
0x15: {  	s23 =	simm.s32 @p0 $0x3  }
0x16: {  	_ =	swait.ge @p0 [sflag:s23], $0x4E00  }
0x17: {  	[sflag:s23] =	ssyncset.done @p0 $0x0  }
0x18: {  	[sflag:s23] =	ssyncadd.s32 @p0 $0xFFFFB200;
	s23 =	simm.s32 @!p0 $0x0  }
0x19: {  	[tilespmem:s23], [sflag:$0x3] =	stream.linear.gather @!p0 [hbm4b:s5+s23], $0x4F00, $0x38;
	[tilespmem:$0x14A80] =	vst v63  }
0x1a: {  	s23 =	simm.s32 @!p0 $0x3  }
0x1b: {  	_ =	swait.ge @!p0 [sflag:s23], $0x4F00  }
0x1c: {  	[sflag:s23] =	ssyncset.done @!p0 $0x0  }
0x1d: {  	s24 =	simm.s32 $0x100;
	[sflag:s23] =	ssyncadd.s32 @!p0 $0xFFFFB100;
	s23 =	simm.s32 $0x0  }
.LBB2_2:
0x1e: {  	p1 =	sne.s32 s24, $0x7C00;
	[tilespmem:s23+$0x8F30] =	vst v0;
	s25 =	smov.u32 s24;
	s24 =	sadd.s32 $0x100, s24  }
.Ltmp0:
0x1f: {  	[tilespmem:s23+$0x8F20] =	vst v0;
	(pc) =	sbr.rel @p1 .LBB2_2-.Ltmp0, $3  }
0x20: {  	[tilespmem:s23+$0x8F00] =	vst v0  }
0x21: {  	[tilespmem:s23+$0x8F10] =	vst v0;
	_ =	sdelay $0x1  }
0x22: {  	s23 =	sshra.s32 s25, $0x2  }
0x23: {  	[tilespmem:s23+$0x8F30] =	vst v0  }
0x24: {  	[tilespmem:s23+$0x8F20] =	vst v0  }
0x25: {  	[tilespmem:s23+$0x8F00] =	vst v0  }
0x26: {  	[tilespmem:s23+$0x8F10] =	vst v0  }
0x27: {  	[spmem:s6] =	stream.linear.scatter [tilespmem:s13], [sflag:$0x3], $0x1F40, $0x38;
	[tilespmem:$0x14A80] =	vst v63  }
0x28: {  	_ =	swait.ge [sflag:s14], $0x1F40  }
0x29: {  	[sflag:s14] =	ssyncset.done $0x0  }
0x2a: {  	[sflag:s14] =	ssyncadd.s32 $0xFFFFE0C0  }
0x2b: {  	[spmem:s7] =	stream.linear.scatter [tilespmem:s13], [sflag:$0x3], $0x1F40, $0x38;
	[tilespmem:$0x14A80] =	vst v63  }
0x2c: {  	_ =	swait.ge [sflag:s14], $0x1F40  }
0x2d: {  	[sflag:s14] =	ssyncset.done $0x0  }
0x2e: {  	[sflag:s14] =	ssyncadd.s32 $0xFFFFE0C0  }
0x2f: {  	[spmem:s8] =	stream.linear.scatter [tilespmem:s13], [sflag:$0x3], $0x1F40, $0x38;
	[tilespmem:$0x14A80] =	vst v63  }
0x30: {  	_ =	swait.ge [sflag:s14], $0x1F40  }
0x31: {  	[sflag:s14] =	ssyncset.done $0x0  }
0x32: {  	[sflag:s14] =	ssyncadd.s32 $0xFFFFE0C0  }
0x33: {  	[spmem:s9] =	stream.linear.scatter [tilespmem:s13], [sflag:$0x3], $0x1F40, $0x38;
	[tilespmem:$0x14A80] =	vst v63  }
0x34: {  	_ =	swait.ge [sflag:s14], $0x1F40  }
0x35: {  	[sflag:s14] =	ssyncset.done $0x0  }
0x36: {  	[sflag:s14] =	ssyncadd.s32 $0xFFFFE0C0  }
0x37: {  	[spmem:s10] =	stream.linear.scatter [tilespmem:s13], [sflag:$0x3], $0x1F40, $0x38;
	[tilespmem:$0x14A80] =	vst v63  }
0x38: {  	_ =	swait.ge [sflag:s14], $0x1F40  }
0x39: {  	[sflag:s14] =	ssyncset.done $0x0  }
0x3a: {  	[sflag:s14] =	ssyncadd.s32 $0xFFFFE0C0  }
0x3b: {  	[bflag:$0x0] =	sbarrier.arrive $0xFFFF  }
0x3c: {  	[tilespmem:s16], [sflag:$0x1] =	stream.indirect.gather [hbm4b:s4+s15], $0x40, s3, s15, $0xb8;
	[tilespmem:$0x14A80] =	vst v63  }
0x3d: {  	_ = 	snop  }
0x3e: {  	[tilespmem:s18], [sflag:$0x2] =	stream.indirect.gather [hbm4b:s4+s15], $0x40, s17, s15, $0xb8;
	[tilespmem:$0x14A80] =	vst v63  }
0x3f: {  	_ =	swait.ge [sflag:s19], $0x2000  }
0x40: {  	[sflag:s19] =	ssyncset.done $0x0  }
0x41: {  	s29 =	simm.s32 $0x80;
	[sflag:s19] =	ssyncadd.s32 $0xFFFFE000  }
0x42: {  	[spmem:s2] =	stream.indirect.scatter.add.f32 [tilespmem:s16], [sflag:$0x3], $0x40, s29, s15, $0xb8;
	[tilespmem:$0x14A80] =	vst v63  }
0x43: {  	_ =	swait.ge [sflag:s14], $0x2000  }
0x44: {  	[sflag:s14] =	ssyncset.done $0x0  }
0x45: {  	s30 =	simm.s32 $0x200;
	[sflag:s14] =	ssyncadd.s32 $0xFFFFE000  }
0x46: {  	[tilespmem:s16], [sflag:$0x1] =	stream.indirect.gather [hbm4b:s4+s15], $0x40, s30, s15, $0xb8;
	[tilespmem:$0x14A80] =	vst v63  }
0x47: {  	_ =	swait.ge [sflag:s20], $0x2000  }
0x48: {  	[sflag:s20] =	ssyncset.done $0x0  }
0x49: {  	s31 =	simm.s32 $0x180;
	[sflag:s20] =	ssyncadd.s32 $0xFFFFE000  }
0x4a: {  	[spmem:s2] =	stream.indirect.scatter.add.f32 [tilespmem:s18], [sflag:$0x3], $0x40, s31, s15, $0xb8;
	[tilespmem:$0x14A80] =	vst v63  }
0x4b: {  	_ =	swait.ge [sflag:s14], $0x2000  }
0x4c: {  	[sflag:s14] =	ssyncset.done $0x0  }
0x4d: {  	s23 =	simm.s32 $0xFFFED800;
	s24 =	simm.s32 $0x300;
	[sflag:s14] =	ssyncadd.s32 $0xFFFFE000  }
.LBB2_4:
0x4e: {  	[tilespmem:s18], [sflag:$0x2] =	stream.indirect.gather [hbm4b:s4+s15], $0x40, s24, s15, $0xb8;
	[tilespmem:$0x14A80] =	vst v63  }
0x4f: {  	s24 =	smov.u32 s23  }
0x50: {  	p1 =	sne.s32 s23, $0xFFFFF800;
	s23 =	sadd.s32 $0x800, s23;
	_ =	swait.ge [sflag:s19], $0x2000  }
0x51: {  	s24 =	sshra.s32 s24, $0x2;
	[sflag:s19] =	ssyncset.done $0x0  }
0x52: {  	s25 =	sadd.s32 $0x4C80, s24;
	[sflag:s19] =	ssyncadd.s32 $0xFFFFE000  }
0x53: {  	[spmem:s2] =	stream.indirect.scatter.add.f32 [tilespmem:s16], [sflag:$0x3], $0x40, s25, s15, $0xb8;
	[tilespmem:$0x14A80] =	vst v63  }
0x54: {  	_ =	swait.ge [sflag:s14], $0x2000  }
0x55: {  	[sflag:s14] =	ssyncset.done $0x0  }
0x56: {  	s25 =	sadd.s32 $0x4E00, s24;
	[sflag:s14] =	ssyncadd.s32 $0xFFFFE000  }
0x57: {  	[tilespmem:s16], [sflag:$0x1] =	stream.indirect.gather [hbm4b:s4+s15], $0x40, s25, s15, $0xb8;
	[tilespmem:$0x14A80] =	vst v63  }
0x58: {  	_ =	swait.ge [sflag:s20], $0x2000  }
0x59: {  	[sflag:s20] =	ssyncset.done $0x0  }
.Ltmp1:
0x5a: {  	s25 =	sadd.s32 $0x4D80, s24;
	[sflag:s20] =	ssyncadd.s32 $0xFFFFE000;
	(pc) =	sbr.rel @p1 .LBB2_4-.Ltmp1, $4  }
0x5b: {  	[spmem:s2] =	stream.indirect.scatter.add.f32 [tilespmem:s18], [sflag:$0x3], $0x40, s25, s15, $0xb8;
	[tilespmem:$0x14A80] =	vst v63  }
0x5c: {  	_ =	swait.ge [sflag:s14], $0x2000  }
0x5d: {  	[sflag:s14] =	ssyncset.done $0x0  }
0x5e: {  	s24 =	sadd.s32 $0x4F00, s24;
	[sflag:s14] =	ssyncadd.s32 $0xFFFFE000  }
0x5f: {  	[tilespmem:s18], [sflag:$0x2] =	stream.indirect.gather [hbm4b:s4+s15], $0x40, s24, s15, $0xb8;
	[tilespmem:$0x14A80] =	vst v63  }
0x60: {  	_ =	swait.ge [sflag:s19], $0x2000  }
0x61: {  	[sflag:s19] =	ssyncset.done $0x0  }
0x62: {  	[sflag:s19] =	ssyncadd.s32 $0xFFFFE000  }
0x63: {  	[spmem:s2] =	stream.indirect.scatter.add.f32 [tilespmem:s16], [sflag:$0x3], $0x40, s21, s15, $0xb8;
	[tilespmem:$0x14A80] =	vst v63  }
0x64: {  	_ =	swait.ge [sflag:s14], $0x2000  }
0x65: {  	[sflag:s14] =	ssyncset.done $0x0  }
0x66: {  	s23 =	simm.s32 @p0 $0x2;
	[sflag:s14] =	ssyncadd.s32 $0xFFFFE000  }
0x67: {  	_ =	swait.ge @p0 [sflag:s23], $0x2000  }
0x68: {  	s24 =	simm.s32 @p0 $0x4D80;
	[sflag:s23] =	ssyncset.done @p0 $0x0  }
0x69: {  	s25 =	simm.s32 @p0 $0x6F00;
	[sflag:s23] =	ssyncadd.s32 @p0 $0xFFFFE000;
	s23 =	simm.s32 @p0 $0x80  }
0x6a: {  	[spmem:s2] =	stream.indirect.scatter.add.f32 @p0 [tilespmem:s25], [sflag:$0x3], $0x40, s24, s23, $0xb8;
	[tilespmem:$0x14A80] =	vst v63  }
0x6b: {  	s23 =	simm.s32 @!p0 $0x80;
	s24 =	simm.s32 @!p0 $0x4E00;
	s25 =	simm.s32 @!p0 $0x4F00  }
0x6c: {  	[tilespmem:s25], [sflag:$0x1] =	stream.indirect.gather @!p0 [hbm4b:s4+s23], $0x40, s24, s23, $0xb8;
	[tilespmem:$0x14A80] =	vst v63  }
0x6d: {  	s24 =	simm.s32 @!p0 $0x2  }
0x6e: {  	_ =	swait.ge @!p0 [sflag:s24], $0x2000  }
0x6f: {  	[sflag:s24] =	ssyncset.done @!p0 $0x0  }
0x70: {  	s26 =	simm.s32 @!p0 $0x6F00;
	[sflag:s24] =	ssyncadd.s32 @!p0 $0xFFFFE000;
	s24 =	simm.s32 @!p0 $0x4D80  }
0x71: {  	[spmem:s2] =	stream.indirect.scatter.add.f32 @!p0 [tilespmem:s26], [sflag:$0x3], $0x40, s24, s23, $0xb8;
	[tilespmem:$0x14A80] =	vst v63  }
0x72: {  	s24 =	simm.s32 @!p0 $0x3  }
0x73: {  	_ =	swait.ge @!p0 [sflag:s24], $0x2000  }
0x74: {  	[sflag:s24] =	ssyncset.done @!p0 $0x0  }
0x75: {  	[sflag:s24] =	ssyncadd.s32 @!p0 $0xFFFFE000;
	s24 =	simm.s32 @!p0 $0x1  }
0x76: {  	_ =	swait.ge @!p0 [sflag:s24], $0x2000  }
0x77: {  	[sflag:s24] =	ssyncset.done @!p0 $0x0  }
0x78: {  	[sflag:s24] =	ssyncadd.s32 @!p0 $0xFFFFE000;
	s24 =	simm.s32 @!p0 $0x4E80  }
0x79: {  	[spmem:s2] =	stream.indirect.scatter.add.f32 @!p0 [tilespmem:s25], [sflag:$0x3], $0x40, s24, s23, $0xb8;
	[tilespmem:$0x14A80] =	vst v63  }
0x7a: {  	_ =	swait.ge [sflag:s14], $0x2000  }
0x7b: {  	s30 =	sshll.u32 s1, $0x6;
	s22 =	sadd.s32 $0x1, s22;
	[sflag:s14] =	ssyncset.done $0x0  }
0x7c: {  	s31 =	sshrl.u32 s6, $0x3;
	p1 =	sne.s32 s22, s12;
	[sflag:s14] =	ssyncadd.s32 $0xFFFFE000  }
.Ltmp2:
0x7d: {  	s23 =	sor.u32 $0x1C03, s30;
	[bflag:$0x0] =	sbarrier.arrive $0xFFFF;
	(pc) =	sbr.rel @p1 .LBB2_1-.Ltmp2, $4  }
0x7e: {  	[hbm:s11], [sflag:s23] =	dma.local [spmem:s31], $0x1388  }
0x7f: {  	_ =	swait.ge [sflag:s14], $0x1388  }
0x80: {  	[sflag:s14] =	ssyncset.done $0x0  }
0x81: {  	[sflag:s14] =	ssyncadd.s32 $0xFFFFEC78  }
0x82: {  	_ =	sfence.sel $0x180000  }
0x83: {  	[bflag:$0x0] =	sbarrier.arrive $0xFFFF  }
0x84: {  	p0 =	sne.s32 s1, $0x0;
	_ =	strace $0x9000004D  }
0x85: {  	s0 =	sadd.s32 @!p0 $0x100000, s0;
	[bflag:$0x2] =	sbarrier.arrive $0xFFFF  }
0x86: {  	[sflag:s0] =	ssyncadd.tile.s32 @!p0 $0x1;
	_ =	shalt  }
.Lfunc_end2:
_tile_overlayer_lowered:
.L_overlay_start_2:
0x87: {  	(tag) =	ssettag $0x2  }
0x88: {  	s0 =	rddreg [dreg:$0x0];
	s2 =	stileid.u32  }
0x89: {  	s1 =	rddreg [dreg:$0x1];
	p0 =	sne.s32 s2, $0x0  }
0x8a: {  	s3 =	rddreg [dreg:$0x2];
	[bflag:$0x3] =	sbarrier.arrive $0xFFFF;
	s2 =	simm.s32 @!p0 $0x1C03  }
0x8b: {  	[timem:s3], [sflag:s2] =	dma.local @!p0 [hbm:s0], s1  }
0x8c: {  	s0 =	simm.s32 @!p0 $0x3  }
0x8d: {  	_ =	swait.ge @!p0 [sflag:s0], s1  }
0x8e: {  	s1 =	ssub.s32 @!p0 $0x0, s1;
	[sflag:s0] =	ssyncset.done @!p0 $0x0  }
0x8f: {  	[sflag:s0] =	ssyncadd.s32 @!p0 s1  }
0x90: {  	[bflag:$0x3] =	sbarrier.arrive $0xFFFF  }
0x91: {  	_ =	shalt  }

// kernel: kernel.8.cloned.1.call-start
scs
__scs_entry_jumppad:
0x0: {  	(pc) =	sbr.rel $0x88, $3  }
0x1: {  	(tag) =	ssettag $0x0;
	lr =	simm.s32 $0x1  }
0x2: {  	[smem:$0x3F96] =	sst lr;
	_ =	strace $0xD0000000  }
0x3: {  	_ = 	snop  }
0x4: {  	_ = 	snop  }
0x5: {  	_ = 	snop  }
0x6: {  	_ = 	snop  }
0x7: {  	_ = 	snop  }
__scs_overlays_trampoline_lowered:
0x8: {  	[smem:$0x3FA5] =	sst s0  }
0x9: {  	[smem:$0x3FA6] =	sst s1  }
0xa: {  	[smem:$0x3FA7] =	sst s2  }
0xb: {  	[smem:$0x3FA8] =	sst s3  }
0xc: {  	[smem:$0x3FA9] =	sst s4  }
0xd: {  	[smem:$0x3FAA] =	sst s5  }
0xe: {  	[smem:$0x3FAB] =	sst s6  }
0xf: {  	[smem:$0x3FAC] =	sst s7  }
0x10: {  	[smem:$0x3FAD] =	sst s8  }
0x11: {  	[smem:$0x3FAE] =	sst s9;
	s0 =	simm.s32 @!p0 $0x0  }
0x12: {  	s1 =	sld [smem:$0x3F94];
	s0 =	simm.s32 @p0 $0x1  }
0x13: {  	[smem:$0x3FAF] =	sst s0;
	s0 =	simm.s32 @!p1 $0x0  }
0x14: {  	s2 =	sld [smem:$0x3F93];
	s0 =	simm.s32 @p1 $0x1  }
0x15: {  	[smem:$0x3FB0] =	sst s0;
	s0 =	simm.s32 @!p2 $0x0  }
0x16: {  	s3 =	sld [smem:$0x3FDB];
	s0 =	simm.s32 @p2 $0x1  }
0x17: {  	s4 =	simm.s32 $0x1BF5;
	[smem:$0x3FB2] =	sst s0  }
0x18: {  	s0 =	sld [smem:$0x3F95];
	_ =	swait.ge [sflag:s4], $0x0  }
0x19: {  	s7 =	sld [smem:$0x3F96]  }
0x1a: {  	s8 =	sadd.s32 $0xFFFFE003, lr  }
0x1b: {  	s9 =	sadd.s32 $0xFFFFFEF7, lr;
	s5 =	simm.s32 $0xFFFFFFFF;
	p2 =	slt.u32 s8, $0xFFFFF086  }
0x1c: {  	p1 =	slt.u32 s9, $0xF7A;
	s5 =	simm.s32 @!p2 $0x0  }
0x1d: {  	s5 =	simm.s32 @p1 $0x1;
	p0 =	seq.s32 s7, s2  }
0x1e: {  	s7 =	smul.u32 @!p0 $0xF7A, s2;
	p2 =	seq.s32 @!p0 s5, $0x0  }
0x1f: {  	s9 =	smul.u32 $0xF7A, s1;
	s8 =	simm.s32 @!p0 $0x1BF5;
	p2 =	por !p2, p0  }
0x20: {  	[sflag:s8] =	ssyncset.s32 @!p0 $0xFFFFF086;
	s6 =	sadd.s32 @!p0 s3, s7;
	s7 =	simm.s32 @!p0 $0x108  }
0x21: {  	s3 =	sadd.s32 s3, s9;
	s6 =	sadd.s32 @!p0 $0x88, s6;
	s7 =	simm.s32 @p2 $0x1082  }
0x22: {  	[simem:s7], [sflag:s8] =	dma.local @!p0 [hbm:s6], $0xF7A  }
0x23: {  	s9 =	sor.u32 $0xD0000000, s2;
	s6 =	simm.s32 $0x108;
	_ =	swait.ge @!p0 [sflag:s8], $0x0  }
0x24: {  	s3 =	sadd.s32 $0x88, s3;
	s6 =	simm.s32 @!p1 $0x1082;
	[sflag:s4] =	ssyncset.s32 $0xFFFFF086  }
0x25: {  	[simem:s6], [sflag:s4] =	dma.local [hbm:s3], $0xF7A  }
0x26: {  	[smem:$0x3F96] =	sst s1;
	(tag) =	ssettag s2;
	_ =	strace s9  }
0x27: {  	s1 =	sld [smem:$0x3FA6]  }
0x28: {  	s2 =	sld [smem:$0x3FA7]  }
0x29: {  	s4 =	sld [smem:$0x3FA9]  }
0x2a: {  	p0 =	seq.s32 s5, $0x0;
	s5 =	sld [smem:$0x3FAA]  }
0x2b: {  	s6 =	sld [smem:$0x3FAB]  }
0x2c: {  	s7 =	sld [smem:$0x3FAC]  }
0x2d: {  	s3 =	simm.s32 $0x108;
	s8 =	sld [smem:$0x3FAD]  }
0x2e: {  	s3 =	simm.s32 @!p0 $0x1082;
	s9 =	sld [smem:$0x3FAE]  }
0x2f: {  	lr =	sadd.s32 s0, s3;
	s0 =	sld [smem:$0x3FA5]  }
0x30: {  	s3 =	sld [smem:$0x3FA8]  }
0x31: {  	[smem:$0x3FB1] =	sst s10  }
0x32: {  	s10 =	sld [smem:$0x3FAF];
	_ =	sdelay $0x3  }
0x33: {  	p0 =	seq.s32 s10, $0x1;
	s10 =	sld [smem:$0x3FB1];
	_ =	sdelay $0x3  }
0x34: {  	[smem:$0x3FB1] =	sst s10  }
0x35: {  	s10 =	sld [smem:$0x3FB0];
	_ =	sdelay $0x3  }
0x36: {  	p1 =	seq.s32 s10, $0x1;
	s10 =	sld [smem:$0x3FB1];
	_ =	sdelay $0x3  }
0x37: {  	[smem:$0x3FB1] =	sst s10  }
0x38: {  	s10 =	sld [smem:$0x3FB2]  }
0x39: {  	_ = 	snop;
	(pc) =	sbr.ind lr, $3  }
0x3a: {  	_ = 	snop  }
0x3b: {  	_ = 	snop  }
0x3c: {  	p2 =	seq.s32 s10, $0x1;
	s10 =	sld [smem:$0x3FB1]  }
0x3d: {  	_ =	shalt  }
0x3e: {  	_ =	shalt  }
0x3f: {  	_ =	shalt  }
0x40: {  	_ =	shalt  }
0x41: {  	_ =	shalt  }
0x42: {  	_ =	shalt  }
0x43: {  	_ =	shalt  }
0x44: {  	_ =	shalt  }
0x45: {  	_ =	shalt  }
0x46: {  	_ =	shalt  }
0x47: {  	_ =	shalt  }
0x48: {  	_ =	shalt  }
0x49: {  	_ =	shalt  }
0x4a: {  	_ =	shalt  }
0x4b: {  	_ =	shalt  }
0x4c: {  	_ =	shalt  }
0x4d: {  	_ =	shalt  }
0x4e: {  	_ =	shalt  }
0x4f: {  	_ =	shalt  }
0x50: {  	_ =	shalt  }
0x51: {  	_ =	shalt  }
0x52: {  	_ =	shalt  }
0x53: {  	_ =	shalt  }
0x54: {  	_ =	shalt  }
0x55: {  	_ =	shalt  }
0x56: {  	_ =	shalt  }
0x57: {  	_ =	shalt  }
0x58: {  	_ =	shalt  }
0x59: {  	_ =	shalt  }
0x5a: {  	_ =	shalt  }
0x5b: {  	_ =	shalt  }
0x5c: {  	_ =	shalt  }
0x5d: {  	_ =	shalt  }
0x5e: {  	_ =	shalt  }
0x5f: {  	_ =	shalt  }
0x60: {  	_ =	shalt  }
0x61: {  	_ =	shalt  }
0x62: {  	_ =	shalt  }
0x63: {  	_ =	shalt  }
0x64: {  	_ =	shalt  }
0x65: {  	_ =	shalt  }
0x66: {  	_ =	shalt  }
0x67: {  	_ =	shalt  }
0x68: {  	_ =	shalt  }
0x69: {  	_ =	shalt  }
0x6a: {  	_ =	shalt  }
0x6b: {  	_ =	shalt  }
0x6c: {  	_ =	shalt  }
0x6d: {  	_ =	shalt  }
0x6e: {  	_ =	shalt  }
0x6f: {  	_ =	shalt  }
0x70: {  	_ =	shalt  }
0x71: {  	_ =	shalt  }
0x72: {  	_ =	shalt  }
0x73: {  	_ =	shalt  }
0x74: {  	_ =	shalt  }
0x75: {  	_ =	shalt  }
0x76: {  	_ =	shalt  }
0x77: {  	_ =	shalt  }
0x78: {  	_ =	shalt  }
0x79: {  	_ =	shalt  }
0x7a: {  	_ =	shalt  }
0x7b: {  	_ =	shalt  }
0x7c: {  	_ =	shalt  }
0x7d: {  	_ =	shalt  }
0x7e: {  	_ =	shalt  }
0x7f: {  	_ =	shalt  }
0x80: {  	_ =	shalt  }
0x81: {  	_ =	shalt  }
0x82: {  	_ =	shalt  }
0x83: {  	_ =	shalt  }
0x84: {  	_ =	shalt  }
0x85: {  	_ =	shalt  }
0x86: {  	_ =	shalt  }
0x87: {  	_ =	shalt  }
.Lfunc_end0:
.L_simem_size_0:
called_computation_lowered:
.L_overlay_start_0:
0x88: {  	s2 =	sld [smem:$0x3FD9]  }
0x89: {  	s3 =	sld [smem:$0x3FFE];
	_ =	sdelay $0x1  }
0x8a: {  	s1 =	srdreg.scid  }
0x8b: {  	s0 =	sand.u32 $0x1, s1  }
0x8c: {  	s17 =	sshll.u32 s0, $0xA;
	s2 =	sadd.s32 s3, s2  }
0x8d: {  	s2 =	sadd.s32 s2, s17  }
0x8e: {  	[smem:$0x3FBD] =	sst s2  }
0x8f: {  	_ = 	snop  }
0x90: {  	s2 =	sld [smem:$0x3FC8];
	(tm) =	ssettm $0x1  }
0x91: {  	s18 =	sld [smem:$0x3FFB];
	_ =	sdelay $0x3  }
0x92: {  	_ =	strace s18  }
0x93: {  	s3 =	sld [smem:$0x3FFC];
	_ =	sdelay $0x3  }
0x94: {  	_ =	strace s3  }
0x95: {  	s3 =	sld [smem:$0x3FFD];
	_ =	sdelay $0x3  }
0x96: {  	_ =	strace s3  }
0x97: {  	_ =	strace $0x8FFFFFFF  }
0x98: {  	s19 =	sld [smem:$0x3FDB];
	_ =	sdelay $0x1  }
0x99: {  	s4 =	simm.s32 $_scs_section_size  }
0x9a: {  	s5 =	simm.s32 $_size__tile_overlayer_lowered;
	s6 =	simm.s32 $_tile_overlayer_lowered  }
0x9b: {  	s22 =	simm.s32 $0x1BFF;
	s21 =	sshll.u32 s6, $0x1;
	s3 =	sadd.s32 s4, s19  }
0x9c: {  	s7 =	simm.s32 $0x0;
	s20 =	sshll.u32 s5, $0x1;
	s5 =	sadd.s32 s21, s3  }
0x9d: {  	[timem:s7], [sflag:s22] =	dma.local [hbm:s5], s20  }
0x9e: {  	_ =	swait.ge [sflag:s22], s20  }
0x9f: {  	s4 =	ssub.s32 $0x0, s20;
	[sflag:s22] =	ssyncset.done $0x0  }
0xa0: {  	[sflag:s22] =	ssyncadd.s32 s4;
	_ =	sdelay $0x1  }
0xa1: {  	s23 =	simm.s32 $0x1B8B  }
0xa2: {  	_ =	swait.ge [sflag:s23], $0x1  }
0xa3: {  	[sflag:s23] =	ssyncset.done $0x0  }
0xa4: {  	s25 =	simm.s32 $0x1B8E;
	s24 =	sld [smem:$0x3FFE];
	[sflag:s23] =	ssyncadd.s32 $0xFFFFFFFF  }
0xa5: {  	s26 =	simm.s32 $execute0_lowered;
	[smem:$0x3FD2] =	sst s25  }
0xa6: {  	s5 =	sshll.u32 s26, $0x1;
	_ =	strace $0x80000046;
	[dreg:$0x1] =	wrdreg $0xFFFFFFFF  }
0xa7: {  	s28 =	simm.s32 $_size_execute0_lowered;
	s3 =	sadd.s32 s3, s5;
	[dreg:$0x0] =	wrdreg $0x0  }
0xa8: {  	s5 =	sshll.u32 s28, $0x1;
	[dreg:$0x2] =	wrdreg s3  }
0xa9: {  	[dreg:$0x3] =	wrdreg s5  }
0xaa: {  	[dreg:$0x4] =	wrdreg $0xC0  }
0xab: {  	_ =	task [dreg:s7], $0x5FFFF  }
0xac: {  	[dreg:$0x1] =	wrdreg $0xFFFFFFFF  }
0xad: {  	[dreg:$0x0] =	wrdreg $0x60  }
0xae: {  	[dreg:$0x2] =	wrdreg s2  }
0xaf: {  	[dreg:$0x3] =	wrdreg s24  }
0xb0: {  	[dreg:$0x4] =	wrdreg $0x7C000  }
0xb1: {  	[dreg:$0x5] =	wrdreg $0x9  }
0xb2: {  	_ =	task.clear_ibuf [dreg:s7], $0x6FFFF;
	_ =	strace $0x90000046  }
0xb3: {  	s29 =	simm.s32 $0x9;
	_ =	strace $0x80000048  }
0xb4: {  	_ =	swait.ge [sflag:s29], $0x1  }
0xb5: {  	[sflag:s29] =	ssyncadd.s32 $0xFFFFFFFF  }
0xb6: {  	_ =	strace $0x90000048  }
0xb7: {  	_ =	sfence  }
0xb8: {  	s30 =	sld [smem:$0x0];
	_ =	sdelay $0x2  }
0xb9: {  	s31 =	sshll.u32 s1, $0xD;
	s1 =	sshrl.u32 s1, $0x2  }
0xba: {  	s3 =	sand.u32 $0x4000, s31;
	s1 =	sadd.s32 s1, s30  }
0xbb: {  	s0 =	sor.u32 s3, s0;
	s1 =	sshll.u32 s1, $0x11  }
0xbc: {  	s0 =	sor.u32 s1, s0  }
0xbd: {  	s0 =	sadd.s32 $0x8F2B, s0  }
0xbe: {  	[sflag:s0] =	ssyncadd.remote.s32 $0x1  }
0xbf: {  	_ =	sfence.sel $0xFFFF  }
0xc0: {  	[dreg:$0x0] =	wrdreg $0xFFFFFFFF;
	(pc) =	sbr.abs _section_cstart, $3  }
0xc1: {  	[dreg:$0x1] =	wrdreg $0xFFFFFFFF  }
0xc2: {  	_ =	task.clear_ibuf [dreg:s7], $0x2FFFF;
	_ =	strace $0x9FFFFFFF  }
0xc3: {  	(tm) =	ssettm $0x7FFFFFFF  }
tec
execute0_lowered:
.L_overlay_start_1:
0x0: {  	(tag) =	ssettag $0x1  }
0x1: {  	s3 =	rddreg [dreg:$0x0]  }
0x2: {  	s4 =	rddreg [dreg:$0x1]  }
0x3: {  	s6 =	rddreg [dreg:$0x2];
	s0 =	stileid.u32  }
0x4: {  	s2 =	srdreg.scid;
	s7 =	smul.u32 $0x280, s0  }
0x5: {  	s28 =	simm.s32 $0x7700;
	s5 =	sand.u32 $0x1, s2;
	s30 =	smul.u32 $0xA000, s0  }
0x6: {  	s29 =	simm.s32 $0x0;
	s2 =	simm.s32 $0x0;
	s8 =	smul.u32 $0x2800, s5  }
0x7: {  	s9 =	sshll.u32 s5, $0x4;
	[smem:$0x7FF] =	sst s2;
	s5 =	ssub.s32 $0x2, s5  }
0x8: {  	s24 =	sor.u32 s0, s9;
	_ =	strace $0x80000047;
	s23 =	sshrl.u32 s5, $0x1  }
0x9: {  	s31 =	sshrl.u32 s30, $0x2;
	s8 =	sadd.s32 s7, s8;
	s9 =	smul.u32 $0x4E, s24  }
0xa: {  	s10 =	smin.u32 s24, $0x4;
	s23 =	ssub.s32 s5, s23;
	p0 =	slt.u32 s24, $0x4  }
0xb: {  	s5 =	sadd.s32 s7, s6;
	s6 =	sadd.s32 s31, s6;
	s8 =	sshrl.u32 s8, $0x3  }
0xc: {  	s7 =	sadd.s32 $0x2800, s5;
	s11 =	sadd.s32 $0xC800, s5;
	s12 =	sadd.s32 $0xF000, s5  }
0xd: {  	s13 =	sadd.s32 $0x11800, s5;
	s14 =	sadd.s32 $0x14000, s5;
	s15 =	sadd.s32 $0x16800, s5  }
0xe: {  	s16 =	sadd.s32 $0x19000, s5;
	s17 =	sadd.s32 $0x1B800, s5;
	s18 =	sadd.s32 $0x1E000, s5  }
0xf: {  	s19 =	sadd.s32 $0x20800, s5;
	s20 =	sadd.s32 $0x23000, s5;
	s21 =	sadd.s32 $0x25800, s5  }
0x10: {  	s23 =	smax.u32 s23, $0x1;
	s22 =	sadd.s32 s8, s4;
	s25 =	sadd.s32 s10, s9  }
0x11: {  	s4 =	simm.s32 $0x13C00;
	s8 =	sadd.s32 $0x5000, s5;
	s9 =	sadd.s32 $0x7800, s5  }
0x12: {  	s10 =	sadd.s32 $0xA000, s5;
	s26 =	sshll.u32 s25, $0x5;
	s4 =	simm.s32 @!p0 $0x13800  }
0x13: {  	s22 =	sadd.s32 $0x1A00, s22;
	p0 =	sgt.u32 s24, $0x3;
	s24 =	simm.s32 $0x4F00  }
0x14: {  	v0 =	vimm.f32 $0.0e+00;
	v1 =	vimm.f32 $1.000000000e+00;
	s25 =	simm.s32 $0x1;
	s3 =	sadd.s32 s3, s26;
	s26 =	simm.s32 $0x7980  }
.LBB2_1:
0x15: {  	s30 =	simm.s32 @p0 $0x0  }
0x16: {  	[tilespmem:s30], [sflag:$0x1] =	stream.linear.gather @p0 [hbm4b:s3+s30], $0x4E00, $0x38;
	[tilespmem:$0xA400] =	vst v63  }
0x17: {  	s30 =	simm.s32 @p0 $0x1  }
0x18: {  	_ =	swait.ge @p0 [sflag:s30], $0x4E00  }
0x19: {  	[sflag:s30] =	ssyncset.done @p0 $0x0  }
0x1a: {  	[sflag:s30] =	ssyncadd.s32 @p0 $0xFFFFB200;
	s30 =	simm.s32 @!p0 $0x0  }
0x1b: {  	[tilespmem:s30], [sflag:$0x1] =	stream.linear.gather @!p0 [hbm4b:s3+s30], $0x4F00, $0x38;
	[tilespmem:$0xA400] =	vst v63  }
0x1c: {  	s30 =	simm.s32 @!p0 $0x1  }
0x1d: {  	_ =	swait.ge @!p0 [sflag:s30], $0x4F00  }
0x1e: {  	[sflag:s30] =	ssyncset.done @!p0 $0x0  }
0x1f: {  	[sflag:s30] =	ssyncadd.s32 @!p0 $0xFFFFB100;
	s30 =	simm.s32 $0x0  }
.LBB2_2:
0x20: {  	p1 =	sne.s32 s30, $0x9FC0  }
.Ltmp0:
0x21: {  	_ = 	snop;
	(pc) =	sbr.rel @p1 .LBB2_2-.Ltmp0, $3  }
0x22: {  	_ =	sdelay $0x1  }
0x23: {  	s31 =	sshra.s32 s30, $0x2  }
0x24: {  	s30 =	sadd.s32 $0x40, s30;
	[tilespmem:s31+$0x4F00] =	vst v0  }
0x25: {  	p1 =	sne.s32 s4, $0x80  }
.Ltmp1:
0x26: {  	s30 =	simm.s32 $0x0;
	(pc) =	sbr.rel @!p1 .LBB2_5-.Ltmp1, $4  }
0x27: {  	s31 =	sand.u32 $0xFFFFFC00, s30  }
0x28: {  	s0 =	sand.u32 $0x70, s30;
	s31 =	sshra.s32 s31, $0x2  }
0x29: {  	s0 =	sor.u32 s0, s31  }
0x2a: {  	s31 =	simm.s32 $0x80;
	v2 =	vld [tilespmem:s0+$0x80]  }
.LBB2_4:
0x2b: {  	_ =	sdelay $0x1  }
0x2c: {  	s0 =	sand.u32 $0xFFFFFC00, s31;
	s31 =	sadd.s32 $0x80, s31  }
0x2d: {  	p1 =	sne.s32 s4, s31  }
.Ltmp2:
0x2e: {  	_ = 	snop;
	(pc) =	sbr.rel @p1 .LBB2_4-.Ltmp2, $4  }
0x2f: {  	s30 =	sadd.s32 $0x10, s30  }
0x30: {  	s1 =	sand.u32 $0x70, s30;
	s0 =	sshra.s32 s0, $0x2  }
0x31: {  	s0 =	sor.u32 s1, s0;
	[tilespmem:v2+s24+$0x0] =	vst.idx.add.f32.msk $0xffff, v1  }
0x32: {  	v2 =	vld [tilespmem:s0+$0x80]  }
.LBB2_5:
0x33: {  	_ =	sdelay $0x7  }
0x34: {  	[tilespmem:v2+s24+$0x0] =	vst.idx.add.f32.msk $0xffff, v1  }
0x35: {  	[spmem:s6] =	stream.linear.scatter [tilespmem:s24], [sflag:$0x1], $0x2800, $0x38;
	[tilespmem:$0xA400] =	vst v63  }
0x36: {  	_ =	swait.ge [sflag:s25], $0x2800  }
0x37: {  	[sflag:s25] =	ssyncset.done $0x0  }
0x38: {  	[sflag:s25] =	ssyncadd.s32 $0xFFFFD800  }
0x39: {  	[bflag:$0x0] =	sbarrier.arrive $0xFFFF  }
0x3a: {  	[tilespmem:$0x7700] =	vst v0  }
0x3b: {  	[tilespmem:$0x7710] =	vst v0  }
0x3c: {  	[tilespmem:$0x7720] =	vst v0  }
0x3d: {  	[tilespmem:$0x7730] =	vst v0  }
0x3e: {  	[tilespmem:$0x7740] =	vst v0  }
0x3f: {  	[tilespmem:$0x7750] =	vst v0  }
0x40: {  	[tilespmem:$0x7760] =	vst v0  }
0x41: {  	[tilespmem:$0x7770] =	vst v0  }
0x42: {  	[tilespmem:$0x7780] =	vst v0  }
0x43: {  	[tilespmem:$0x7790] =	vst v0  }
0x44: {  	[tilespmem:$0x77A0] =	vst v0  }
0x45: {  	[tilespmem:$0x77B0] =	vst v0  }
0x46: {  	[tilespmem:$0x77C0] =	vst v0  }
0x47: {  	[tilespmem:$0x77D0] =	vst v0  }
0x48: {  	[tilespmem:$0x77E0] =	vst v0  }
0x49: {  	[tilespmem:$0x77F0] =	vst v0  }
0x4a: {  	[tilespmem:$0x7800] =	vst v0  }
0x4b: {  	[tilespmem:$0x7810] =	vst v0  }
0x4c: {  	[tilespmem:$0x7820] =	vst v0  }
0x4d: {  	[tilespmem:$0x7830] =	vst v0  }
0x4e: {  	[tilespmem:$0x7840] =	vst v0  }
0x4f: {  	[tilespmem:$0x7850] =	vst v0  }
0x50: {  	[tilespmem:$0x7860] =	vst v0  }
0x51: {  	[tilespmem:$0x7870] =	vst v0  }
0x52: {  	[tilespmem:$0x7880] =	vst v0  }
0x53: {  	[tilespmem:$0x7890] =	vst v0  }
0x54: {  	[tilespmem:$0x78A0] =	vst v0  }
0x55: {  	[tilespmem:$0x78B0] =	vst v0  }
0x56: {  	[tilespmem:$0x78C0] =	vst v0  }
0x57: {  	[tilespmem:$0x78D0] =	vst v0  }
0x58: {  	[tilespmem:$0x78E0] =	vst v0  }
0x59: {  	[tilespmem:$0x78F0] =	vst v0  }
0x5a: {  	[tilespmem:$0x7900] =	vst v0  }
0x5b: {  	[tilespmem:$0x7910] =	vst v0  }
0x5c: {  	[tilespmem:$0x7920] =	vst v0  }
0x5d: {  	[tilespmem:$0x7930] =	vst v0  }
0x5e: {  	[tilespmem:$0x7940] =	vst v0  }
0x5f: {  	[tilespmem:$0x7950] =	vst v0  }
0x60: {  	[tilespmem:$0x7960] =	vst v0  }
0x61: {  	[tilespmem:$0x7970] =	vst v0  }
0x62: {  	[tilespmem:s26], [sflag:$0x1] =	stream.linear.gather [spmem:s5], $0x280, $0x38;
	[tilespmem:$0xA400] =	vst v63  }
0x63: {  	_ =	swait.ge [sflag:s25], $0x280  }
0x64: {  	[sflag:s25] =	ssyncset.done $0x0  }
0x65: {  	s30 =	simm.s32 $0x0;
	[sflag:s25] =	ssyncadd.s32 $0xFFFFFD80  }
0x66: {  	s31 =	simm.s32 $0x40;
	v2 =	vld [tilespmem:s30+$0x7980]  }
.LBB2_6:
0x67: {  	p1 =	sne.s32 s31, $0x9C0;
	v3 =	vld [tilespmem:s30+$0x7700];
	_ =	sdelay $0x2  }
.Ltmp3:
0x68: {  	(pc) =	sbr.rel @p1 .LBB2_6-.Ltmp3, $4  }
0x69: {  	_ = 	snop  }
0x6a: {  	v3 =	vadd.f32 v2, v3  }
0x6b: {  	s0 =	sshra.s32 s31, $0x2  }
0x6c: {  	s31 =	sadd.s32 $0x40, s31;
	v2 =	vld [tilespmem:s0+$0x7980];
	[tilespmem:s30+$0x7700] =	vst v3;
	s30 =	smov.u32 s0  }
0x6d: {  	v3 =	vld [tilespmem:s30+$0x7700];
	_ =	sdelay $0x4  }
0x6e: {  	v2 =	vadd.f32 v2, v3;
	_ =	sdelay $0x1  }
0x6f: {  	[tilespmem:s30+$0x7700] =	vst v2  }
0x70: {  	[tilespmem:s26], [sflag:$0x1] =	stream.linear.gather [spmem:s7], $0x280, $0x38;
	[tilespmem:$0xA400] =	vst v63  }
0x71: {  	_ =	swait.ge [sflag:s25], $0x280  }
0x72: {  	[sflag:s25] =	ssyncset.done $0x0  }
0x73: {  	s30 =	simm.s32 $0x0;
	[sflag:s25] =	ssyncadd.s32 $0xFFFFFD80  }
0x74: {  	s31 =	simm.s32 $0x40;
	v2 =	vld [tilespmem:s30+$0x7980]  }
.LBB2_8:
0x75: {  	p1 =	sne.s32 s31, $0x9C0;
	v3 =	vld [tilespmem:s30+$0x7700];
	_ =	sdelay $0x2  }
.Ltmp4:
0x76: {  	(pc) =	sbr.rel @p1 .LBB2_8-.Ltmp4, $4  }
0x77: {  	_ = 	snop  }
0x78: {  	v3 =	vadd.f32 v2, v3  }
0x79: {  	s0 =	sshra.s32 s31, $0x2  }
0x7a: {  	s31 =	sadd.s32 $0x40, s31;
	v2 =	vld [tilespmem:s0+$0x7980];
	[tilespmem:s30+$0x7700] =	vst v3;
	s30 =	smov.u32 s0  }
0x7b: {  	v3 =	vld [tilespmem:s30+$0x7700];
	_ =	sdelay $0x4  }
0x7c: {  	v2 =	vadd.f32 v2, v3;
	_ =	sdelay $0x1  }
0x7d: {  	[tilespmem:s30+$0x7700] =	vst v2  }
0x7e: {  	[tilespmem:s26], [sflag:$0x1] =	stream.linear.gather [spmem:s8], $0x280, $0x38;
	[tilespmem:$0xA400] =	vst v63  }
0x7f: {  	_ =	swait.ge [sflag:s25], $0x280  }
0x80: {  	[sflag:s25] =	ssyncset.done $0x0  }
0x81: {  	s30 =	simm.s32 $0x0;
	[sflag:s25] =	ssyncadd.s32 $0xFFFFFD80  }
0x82: {  	s31 =	simm.s32 $0x40;
	v2 =	vld [tilespmem:s30+$0x7980]  }
.LBB2_10:
0x83: {  	p1 =	sne.s32 s31, $0x9C0;
	v3 =	vld [tilespmem:s30+$0x7700];
	_ =	sdelay $0x2  }
.Ltmp5:
0x84: {  	(pc) =	sbr.rel @p1 .LBB2_10-.Ltmp5, $4  }
0x85: {  	_ = 	snop  }
0x86: {  	v3 =	vadd.f32 v2, v3  }
0x87: {  	s0 =	sshra.s32 s31, $0x2  }
0x88: {  	s31 =	sadd.s32 $0x40, s31;
	v2 =	vld [tilespmem:s0+$0x7980];
	[tilespmem:s30+$0x7700] =	vst v3;
	s30 =	smov.u32 s0  }
0x89: {  	v3 =	vld [tilespmem:s30+$0x7700];
	_ =	sdelay $0x4  }
0x8a: {  	v2 =	vadd.f32 v2, v3;
	_ =	sdelay $0x1  }
0x8b: {  	[tilespmem:s30+$0x7700] =	vst v2  }
0x8c: {  	[tilespmem:s26], [sflag:$0x1] =	stream.linear.gather [spmem:s9], $0x280, $0x38;
	[tilespmem:$0xA400] =	vst v63  }
0x8d: {  	_ =	swait.ge [sflag:s25], $0x280  }
0x8e: {  	[sflag:s25] =	ssyncset.done $0x0  }
0x8f: {  	s30 =	simm.s32 $0x0;
	[sflag:s25] =	ssyncadd.s32 $0xFFFFFD80  }
0x90: {  	s31 =	simm.s32 $0x40;
	v2 =	vld [tilespmem:s30+$0x7980]  }
.LBB2_12:
0x91: {  	p1 =	sne.s32 s31, $0x9C0;
	v3 =	vld [tilespmem:s30+$0x7700];
	_ =	sdelay $0x2  }
.Ltmp6:
0x92: {  	(pc) =	sbr.rel @p1 .LBB2_12-.Ltmp6, $4  }
0x93: {  	_ = 	snop  }
0x94: {  	v3 =	vadd.f32 v2, v3  }
0x95: {  	s0 =	sshra.s32 s31, $0x2  }
0x96: {  	s31 =	sadd.s32 $0x40, s31;
	v2 =	vld [tilespmem:s0+$0x7980];
	[tilespmem:s30+$0x7700] =	vst v3;
	s30 =	smov.u32 s0  }
0x97: {  	v3 =	vld [tilespmem:s30+$0x7700];
	_ =	sdelay $0x4  }
0x98: {  	v2 =	vadd.f32 v2, v3;
	_ =	sdelay $0x1  }
0x99: {  	[tilespmem:s30+$0x7700] =	vst v2  }
0x9a: {  	[tilespmem:s26], [sflag:$0x1] =	stream.linear.gather [spmem:s10], $0x280, $0x38;
	[tilespmem:$0xA400] =	vst v63  }
0x9b: {  	_ =	swait.ge [sflag:s25], $0x280  }
0x9c: {  	[sflag:s25] =	ssyncset.done $0x0  }
0x9d: {  	s30 =	simm.s32 $0x0;
	[sflag:s25] =	ssyncadd.s32 $0xFFFFFD80  }
0x9e: {  	s31 =	simm.s32 $0x40;
	v2 =	vld [tilespmem:s30+$0x7980]  }
.LBB2_14:
0x9f: {  	p1 =	sne.s32 s31, $0x9C0;
	v3 =	vld [tilespmem:s30+$0x7700];
	_ =	sdelay $0x2  }
.Ltmp7:
0xa0: {  	(pc) =	sbr.rel @p1 .LBB2_14-.Ltmp7, $4  }
0xa1: {  	_ = 	snop  }
0xa2: {  	v3 =	vadd.f32 v2, v3  }
0xa3: {  	s0 =	sshra.s32 s31, $0x2  }
0xa4: {  	s31 =	sadd.s32 $0x40, s31;
	v2 =	vld [tilespmem:s0+$0x7980];
	[tilespmem:s30+$0x7700] =	vst v3;
	s30 =	smov.u32 s0  }
0xa5: {  	v3 =	vld [tilespmem:s30+$0x7700];
	_ =	sdelay $0x4  }
0xa6: {  	v2 =	vadd.f32 v2, v3;
	_ =	sdelay $0x1  }
0xa7: {  	[tilespmem:s30+$0x7700] =	vst v2  }
0xa8: {  	[tilespmem:s26], [sflag:$0x1] =	stream.linear.gather [spmem:s11], $0x280, $0x38;
	[tilespmem:$0xA400] =	vst v63  }
0xa9: {  	_ =	swait.ge [sflag:s25], $0x280  }
0xaa: {  	[sflag:s25] =	ssyncset.done $0x0  }
0xab: {  	s30 =	simm.s32 $0x0;
	[sflag:s25] =	ssyncadd.s32 $0xFFFFFD80  }
0xac: {  	s31 =	simm.s32 $0x40;
	v2 =	vld [tilespmem:s30+$0x7980]  }
.LBB2_16:
0xad: {  	p1 =	sne.s32 s31, $0x9C0;
	v3 =	vld [tilespmem:s30+$0x7700];
	_ =	sdelay $0x2  }
.Ltmp8:
0xae: {  	(pc) =	sbr.rel @p1 .LBB2_16-.Ltmp8, $4  }
0xaf: {  	_ = 	snop  }
0xb0: {  	v3 =	vadd.f32 v2, v3  }
0xb1: {  	s0 =	sshra.s32 s31, $0x2  }
0xb2: {  	s31 =	sadd.s32 $0x40, s31;
	v2 =	vld [tilespmem:s0+$0x7980];
	[tilespmem:s30+$0x7700] =	vst v3;
	s30 =	smov.u32 s0  }
0xb3: {  	v3 =	vld [tilespmem:s30+$0x7700];
	_ =	sdelay $0x4  }
0xb4: {  	v2 =	vadd.f32 v2, v3;
	_ =	sdelay $0x1  }
0xb5: {  	[tilespmem:s30+$0x7700] =	vst v2  }
0xb6: {  	[tilespmem:s26], [sflag:$0x1] =	stream.linear.gather [spmem:s12], $0x280, $0x38;
	[tilespmem:$0xA400] =	vst v63  }
0xb7: {  	_ =	swait.ge [sflag:s25], $0x280  }
0xb8: {  	[sflag:s25] =	ssyncset.done $0x0  }
0xb9: {  	s30 =	simm.s32 $0x0;
	[sflag:s25] =	ssyncadd.s32 $0xFFFFFD80  }
0xba: {  	s31 =	simm.s32 $0x40;
	v2 =	vld [tilespmem:s30+$0x7980]  }
.LBB2_18:
0xbb: {  	p1 =	sne.s32 s31, $0x9C0;
	v3 =	vld [tilespmem:s30+$0x7700];
	_ =	sdelay $0x2  }
.Ltmp9:
0xbc: {  	(pc) =	sbr.rel @p1 .LBB2_18-.Ltmp9, $4  }
0xbd: {  	_ = 	snop  }
0xbe: {  	v3 =	vadd.f32 v2, v3  }
0xbf: {  	s0 =	sshra.s32 s31, $0x2  }
0xc0: {  	s31 =	sadd.s32 $0x40, s31;
	v2 =	vld [tilespmem:s0+$0x7980];
	[tilespmem:s30+$0x7700] =	vst v3;
	s30 =	smov.u32 s0  }
0xc1: {  	v3 =	vld [tilespmem:s30+$0x7700];
	_ =	sdelay $0x4  }
0xc2: {  	v2 =	vadd.f32 v2, v3;
	_ =	sdelay $0x1  }
0xc3: {  	[tilespmem:s30+$0x7700] =	vst v2  }
0xc4: {  	[tilespmem:s26], [sflag:$0x1] =	stream.linear.gather [spmem:s13], $0x280, $0x38;
	[tilespmem:$0xA400] =	vst v63  }
0xc5: {  	_ =	swait.ge [sflag:s25], $0x280  }
0xc6: {  	[sflag:s25] =	ssyncset.done $0x0  }
0xc7: {  	s30 =	simm.s32 $0x0;
	[sflag:s25] =	ssyncadd.s32 $0xFFFFFD80  }
0xc8: {  	s31 =	simm.s32 $0x40;
	v2 =	vld [tilespmem:s30+$0x7980]  }
.LBB2_20:
0xc9: {  	p1 =	sne.s32 s31, $0x9C0;
	v3 =	vld [tilespmem:s30+$0x7700];
	_ =	sdelay $0x2  }
.Ltmp10:
0xca: {  	(pc) =	sbr.rel @p1 .LBB2_20-.Ltmp10, $4  }
0xcb: {  	_ = 	snop  }
0xcc: {  	v3 =	vadd.f32 v2, v3  }
0xcd: {  	s0 =	sshra.s32 s31, $0x2  }
0xce: {  	s31 =	sadd.s32 $0x40, s31;
	v2 =	vld [tilespmem:s0+$0x7980];
	[tilespmem:s30+$0x7700] =	vst v3;
	s30 =	smov.u32 s0  }
0xcf: {  	v3 =	vld [tilespmem:s30+$0x7700];
	_ =	sdelay $0x4  }
0xd0: {  	v2 =	vadd.f32 v2, v3;
	_ =	sdelay $0x1  }
0xd1: {  	[tilespmem:s30+$0x7700] =	vst v2  }
0xd2: {  	[tilespmem:s26], [sflag:$0x1] =	stream.linear.gather [spmem:s14], $0x280, $0x38;
	[tilespmem:$0xA400] =	vst v63  }
0xd3: {  	_ =	swait.ge [sflag:s25], $0x280  }
0xd4: {  	[sflag:s25] =	ssyncset.done $0x0  }
0xd5: {  	s30 =	simm.s32 $0x0;
	[sflag:s25] =	ssyncadd.s32 $0xFFFFFD80  }
0xd6: {  	s31 =	simm.s32 $0x40;
	v2 =	vld [tilespmem:s30+$0x7980]  }
.LBB2_22:
0xd7: {  	p1 =	sne.s32 s31, $0x9C0;
	v3 =	vld [tilespmem:s30+$0x7700];
	_ =	sdelay $0x2  }
.Ltmp11:
0xd8: {  	(pc) =	sbr.rel @p1 .LBB2_22-.Ltmp11, $4  }
0xd9: {  	_ = 	snop  }
0xda: {  	v3 =	vadd.f32 v2, v3  }
0xdb: {  	s0 =	sshra.s32 s31, $0x2  }
0xdc: {  	s31 =	sadd.s32 $0x40, s31;
	v2 =	vld [tilespmem:s0+$0x7980];
	[tilespmem:s30+$0x7700] =	vst v3;
	s30 =	smov.u32 s0  }
0xdd: {  	v3 =	vld [tilespmem:s30+$0x7700];
	_ =	sdelay $0x4  }
0xde: {  	v2 =	vadd.f32 v2, v3;
	_ =	sdelay $0x1  }
0xdf: {  	[tilespmem:s30+$0x7700] =	vst v2  }
0xe0: {  	[tilespmem:s26], [sflag:$0x1] =	stream.linear.gather [spmem:s15], $0x280, $0x38;
	[tilespmem:$0xA400] =	vst v63  }
0xe1: {  	_ =	swait.ge [sflag:s25], $0x280  }
0xe2: {  	[sflag:s25] =	ssyncset.done $0x0  }
0xe3: {  	s30 =	simm.s32 $0x0;
	[sflag:s25] =	ssyncadd.s32 $0xFFFFFD80  }
0xe4: {  	s31 =	simm.s32 $0x40;
	v2 =	vld [tilespmem:s30+$0x7980]  }
.LBB2_24:
0xe5: {  	p1 =	sne.s32 s31, $0x9C0;
	v3 =	vld [tilespmem:s30+$0x7700];
	_ =	sdelay $0x2  }
.Ltmp12:
0xe6: {  	(pc) =	sbr.rel @p1 .LBB2_24-.Ltmp12, $4  }
0xe7: {  	_ = 	snop  }
0xe8: {  	v3 =	vadd.f32 v2, v3  }
0xe9: {  	s0 =	sshra.s32 s31, $0x2  }
0xea: {  	s31 =	sadd.s32 $0x40, s31;
	v2 =	vld [tilespmem:s0+$0x7980];
	[tilespmem:s30+$0x7700] =	vst v3;
	s30 =	smov.u32 s0  }
0xeb: {  	v3 =	vld [tilespmem:s30+$0x7700];
	_ =	sdelay $0x4  }
0xec: {  	v2 =	vadd.f32 v2, v3;
	_ =	sdelay $0x1  }
0xed: {  	[tilespmem:s30+$0x7700] =	vst v2  }
0xee: {  	[tilespmem:s26], [sflag:$0x1] =	stream.linear.gather [spmem:s16], $0x280, $0x38;
	[tilespmem:$0xA400] =	vst v63  }
0xef: {  	_ =	swait.ge [sflag:s25], $0x280  }
0xf0: {  	[sflag:s25] =	ssyncset.done $0x0  }
0xf1: {  	s30 =	simm.s32 $0x0;
	[sflag:s25] =	ssyncadd.s32 $0xFFFFFD80  }
0xf2: {  	s31 =	simm.s32 $0x40;
	v2 =	vld [tilespmem:s30+$0x7980]  }
.LBB2_26:
0xf3: {  	p1 =	sne.s32 s31, $0x9C0;
	v3 =	vld [tilespmem:s30+$0x7700];
	_ =	sdelay $0x2  }
.Ltmp13:
0xf4: {  	(pc) =	sbr.rel @p1 .LBB2_26-.Ltmp13, $4  }
0xf5: {  	_ = 	snop  }
0xf6: {  	v3 =	vadd.f32 v2, v3  }
0xf7: {  	s0 =	sshra.s32 s31, $0x2  }
0xf8: {  	s31 =	sadd.s32 $0x40, s31;
	v2 =	vld [tilespmem:s0+$0x7980];
	[tilespmem:s30+$0x7700] =	vst v3;
	s30 =	smov.u32 s0  }
0xf9: {  	v3 =	vld [tilespmem:s30+$0x7700];
	_ =	sdelay $0x4  }
0xfa: {  	v2 =	vadd.f32 v2, v3;
	_ =	sdelay $0x1  }
0xfb: {  	[tilespmem:s30+$0x7700] =	vst v2  }
0xfc: {  	[tilespmem:s26], [sflag:$0x1] =	stream.linear.gather [spmem:s17], $0x280, $0x38;
	[tilespmem:$0xA400] =	vst v63  }
0xfd: {  	_ =	swait.ge [sflag:s25], $0x280  }
0xfe: {  	[sflag:s25] =	ssyncset.done $0x0  }
0xff: {  	s30 =	simm.s32 $0x0;
	[sflag:s25] =	ssyncadd.s32 $0xFFFFFD80  }
0x100: {  	s31 =	simm.s32 $0x40;
	v2 =	vld [tilespmem:s30+$0x7980]  }
.LBB2_28:
0x101: {  	p1 =	sne.s32 s31, $0x9C0;
	v3 =	vld [tilespmem:s30+$0x7700];
	_ =	sdelay $0x2  }
.Ltmp14:
0x102: {  	(pc) =	sbr.rel @p1 .LBB2_28-.Ltmp14, $4  }
0x103: {  	_ = 	snop  }
0x104: {  	v3 =	vadd.f32 v2, v3  }
0x105: {  	s0 =	sshra.s32 s31, $0x2  }
0x106: {  	s31 =	sadd.s32 $0x40, s31;
	v2 =	vld [tilespmem:s0+$0x7980];
	[tilespmem:s30+$0x7700] =	vst v3;
	s30 =	smov.u32 s0  }
0x107: {  	v3 =	vld [tilespmem:s30+$0x7700];
	_ =	sdelay $0x4  }
0x108: {  	v2 =	vadd.f32 v2, v3;
	_ =	sdelay $0x1  }
0x109: {  	[tilespmem:s30+$0x7700] =	vst v2  }
0x10a: {  	[tilespmem:s26], [sflag:$0x1] =	stream.linear.gather [spmem:s18], $0x280, $0x38;
	[tilespmem:$0xA400] =	vst v63  }
0x10b: {  	_ =	swait.ge [sflag:s25], $0x280  }
0x10c: {  	[sflag:s25] =	ssyncset.done $0x0  }
0x10d: {  	s30 =	simm.s32 $0x0;
	[sflag:s25] =	ssyncadd.s32 $0xFFFFFD80  }
0x10e: {  	s31 =	simm.s32 $0x40;
	v2 =	vld [tilespmem:s30+$0x7980]  }
.LBB2_30:
0x10f: {  	p1 =	sne.s32 s31, $0x9C0;
	v3 =	vld [tilespmem:s30+$0x7700];
	_ =	sdelay $0x2  }
.Ltmp15:
0x110: {  	(pc) =	sbr.rel @p1 .LBB2_30-.Ltmp15, $4  }
0x111: {  	_ = 	snop  }
0x112: {  	v3 =	vadd.f32 v2, v3  }
0x113: {  	s0 =	sshra.s32 s31, $0x2  }
0x114: {  	s31 =	sadd.s32 $0x40, s31;
	v2 =	vld [tilespmem:s0+$0x7980];
	[tilespmem:s30+$0x7700] =	vst v3;
	s30 =	smov.u32 s0  }
0x115: {  	v3 =	vld [tilespmem:s30+$0x7700];
	_ =	sdelay $0x4  }
0x116: {  	v2 =	vadd.f32 v2, v3;
	_ =	sdelay $0x1  }
0x117: {  	[tilespmem:s30+$0x7700] =	vst v2  }
0x118: {  	[tilespmem:s26], [sflag:$0x1] =	stream.linear.gather [spmem:s19], $0x280, $0x38;
	[tilespmem:$0xA400] =	vst v63  }
0x119: {  	_ =	swait.ge [sflag:s25], $0x280  }
0x11a: {  	[sflag:s25] =	ssyncset.done $0x0  }
0x11b: {  	s30 =	simm.s32 $0x0;
	[sflag:s25] =	ssyncadd.s32 $0xFFFFFD80  }
0x11c: {  	s31 =	simm.s32 $0x40;
	v2 =	vld [tilespmem:s30+$0x7980]  }
.LBB2_32:
0x11d: {  	p1 =	sne.s32 s31, $0x9C0;
	v3 =	vld [tilespmem:s30+$0x7700];
	_ =	sdelay $0x2  }
.Ltmp16:
0x11e: {  	(pc) =	sbr.rel @p1 .LBB2_32-.Ltmp16, $4  }
0x11f: {  	_ = 	snop  }
0x120: {  	v3 =	vadd.f32 v2, v3  }
0x121: {  	s0 =	sshra.s32 s31, $0x2  }
0x122: {  	s31 =	sadd.s32 $0x40, s31;
	v2 =	vld [tilespmem:s0+$0x7980];
	[tilespmem:s30+$0x7700] =	vst v3;
	s30 =	smov.u32 s0  }
0x123: {  	v3 =	vld [tilespmem:s30+$0x7700];
	_ =	sdelay $0x4  }
0x124: {  	v2 =	vadd.f32 v2, v3;
	_ =	sdelay $0x1  }
0x125: {  	[tilespmem:s30+$0x7700] =	vst v2  }
0x126: {  	[tilespmem:s26], [sflag:$0x1] =	stream.linear.gather [spmem:s20], $0x280, $0x38;
	[tilespmem:$0xA400] =	vst v63  }
0x127: {  	_ =	swait.ge [sflag:s25], $0x280  }
0x128: {  	[sflag:s25] =	ssyncset.done $0x0  }
0x129: {  	s30 =	simm.s32 $0x0;
	[sflag:s25] =	ssyncadd.s32 $0xFFFFFD80  }
0x12a: {  	s31 =	simm.s32 $0x40;
	v2 =	vld [tilespmem:s30+$0x7980]  }
.LBB2_34:
0x12b: {  	p1 =	sne.s32 s31, $0x9C0;
	v3 =	vld [tilespmem:s30+$0x7700];
	_ =	sdelay $0x2  }
.Ltmp17:
0x12c: {  	(pc) =	sbr.rel @p1 .LBB2_34-.Ltmp17, $4  }
0x12d: {  	_ = 	snop  }
0x12e: {  	v3 =	vadd.f32 v2, v3  }
0x12f: {  	s0 =	sshra.s32 s31, $0x2  }
0x130: {  	s31 =	sadd.s32 $0x40, s31;
	v2 =	vld [tilespmem:s0+$0x7980];
	[tilespmem:s30+$0x7700] =	vst v3;
	s30 =	smov.u32 s0  }
0x131: {  	v3 =	vld [tilespmem:s30+$0x7700];
	_ =	sdelay $0x4  }
0x132: {  	v2 =	vadd.f32 v2, v3;
	_ =	sdelay $0x1  }
0x133: {  	[tilespmem:s30+$0x7700] =	vst v2  }
0x134: {  	[tilespmem:s26], [sflag:$0x1] =	stream.linear.gather [spmem:s21], $0x280, $0x38;
	[tilespmem:$0xA400] =	vst v63  }
0x135: {  	_ =	swait.ge [sflag:s25], $0x280  }
0x136: {  	[sflag:s25] =	ssyncset.done $0x0  }
0x137: {  	s30 =	simm.s32 $0x0;
	[sflag:s25] =	ssyncadd.s32 $0xFFFFFD80  }
0x138: {  	s31 =	simm.s32 $0x40;
	v2 =	vld [tilespmem:s30+$0x7980]  }
.LBB2_36:
0x139: {  	p1 =	sne.s32 s31, $0x9C0;
	v3 =	vld [tilespmem:s30+$0x7700];
	_ =	sdelay $0x2  }
.Ltmp18:
0x13a: {  	(pc) =	sbr.rel @p1 .LBB2_36-.Ltmp18, $4  }
0x13b: {  	_ = 	snop  }
0x13c: {  	v3 =	vadd.f32 v2, v3  }
0x13d: {  	s0 =	sshra.s32 s31, $0x2  }
0x13e: {  	s31 =	sadd.s32 $0x40, s31;
	v2 =	vld [tilespmem:s0+$0x7980];
	[tilespmem:s30+$0x7700] =	vst v3;
	s30 =	smov.u32 s0  }
0x13f: {  	v3 =	vld [tilespmem:s30+$0x7700];
	_ =	sdelay $0x4  }
0x140: {  	s29 =	sadd.s32 $0x1, s29;
	v2 =	vadd.f32 v2, v3  }
0x141: {  	p1 =	sne.s32 s29, s23  }
.Ltmp19:
0x142: {  	[tilespmem:s30+$0x7700] =	vst v2;
	(pc) =	sbr.rel @p1 .LBB2_1-.Ltmp19, $4  }
0x143: {  	[hbm4b:s22+s2] =	stream.linear.scatter [tilespmem:s28], [sflag:$0x1], $0x280, $0x38;
	[tilespmem:$0xA400] =	vst v63  }
0x144: {  	_ =	swait.ge [sflag:s25], $0x280  }
0x145: {  	[sflag:s25] =	ssyncset.done $0x0  }
0x146: {  	[sflag:s25] =	ssyncadd.s32 $0xFFFFFD80  }
0x147: {  	_ =	sfence.sel $0x180000  }
0x148: {  	[bflag:$0x0] =	sbarrier.arrive $0xFFFF  }
0x149: {  	_ =	strace $0x90000047  }
0x14a: {  	s0 =	stileid.u32;
	[bflag:$0x2] =	sbarrier.arrive $0xFFFF  }
0x14b: {  	p0 =	sne.s32 s0, $0x0;
	s0 =	rddreg [dreg:$0x3]  }
0x14c: {  	s0 =	sadd.s32 @!p0 $0x100000, s0  }
0x14d: {  	[sflag:s0] =	ssyncadd.tile.s32 @!p0 $0x1;
	_ =	shalt  }
.Lfunc_end2:
_tile_overlayer_lowered:
.L_overlay_start_2:
0x14e: {  	(tag) =	ssettag $0x2  }
0x14f: {  	s0 =	rddreg [dreg:$0x0];
	s2 =	stileid.u32  }
0x150: {  	s1 =	rddreg [dreg:$0x1];
	p0 =	sne.s32 s2, $0x0  }
0x151: {  	s3 =	rddreg [dreg:$0x2];
	[bflag:$0x3] =	sbarrier.arrive $0xFFFF;
	s2 =	simm.s32 @!p0 $0x1C01  }
0x152: {  	[timem:s3], [sflag:s2] =	dma.local @!p0 [hbm:s0], s1  }
0x153: {  	s0 =	simm.s32 @!p0 $0x1  }
0x154: {  	_ =	swait.ge @!p0 [sflag:s0], s1  }
0x155: {  	s1 =	ssub.s32 @!p0 $0x0, s1;
	[sflag:s0] =	ssyncset.done @!p0 $0x0  }
0x156: {  	[sflag:s0] =	ssyncadd.s32 @!p0 s1  }
0x157: {  	[bflag:$0x3] =	sbarrier.arrive $0xFFFF  }
0x158: {  	_ =	shalt  }

</sc_bundles>
